<compile_context>
chip_gen: v7x
topology: tpu7x:2x2x1
jax: 0.10.2.dev20260603
libtpu: 0.0.44.dev20260713+nightly
codegen_flags: <defaults>
</compile_context>

<pallas_src>
import jax
import jax.numpy as jnp
from jax import lax
from jax.experimental import pallas as pl
from jax.experimental.pallas import tpu as pltpu
from jax.experimental.pallas import tpu_sc as plsc

_N = 16384
_C = 1000
_D = 4096
_ALPHA = 1.0

_NC = 2
_NS = 16
_NW = _NC * _NS
_SPW = _N // _NW
_CH = 4
_NCH = _SPW // _CH
_UNROLL = 8


def _body(x_hbm, cls_hbm, cen_hbm, out_hbm, idx_v, xb0, xb1, cb0, cb1,
          out_v, sx0, sx1, sc0, sc1):
    wid = lax.axis_index("s") * _NC + lax.axis_index("c")
    base = wid * _SPW

    pltpu.sync_copy(cls_hbm.at[pl.ds(wid * _NCH, _NCH)], idx_v)

    xbufs = (xb0, xb1)
    cbufs = (cb0, cb1)
    sxs = (sx0, sx1)
    scs = (sc0, sc1)

    def fire(j, b):
        pltpu.async_copy(x_hbm.at[pl.ds(base + j * _CH, _CH)], xbufs[b],
                         sxs[b])
        pltpu.async_copy(cen_hbm.at[idx_v.at[j]], cbufs[b], scs[b])

    def drain(b):
        pltpu.make_async_copy(x_hbm.at[pl.ds(0, _CH)], xbufs[b],
                              sxs[b]).wait()
        pltpu.make_async_copy(cen_hbm.at[pl.ds(0, _CH)], cbufs[b],
                              scs[b]).wait()

    lane = lax.iota(jnp.int32, 16)
    inv_d = jnp.float32(_ALPHA / _D)
    zeros = tuple(jnp.zeros((16,), jnp.float32) for _ in range(_UNROLL))

    fire(0, 0)

    def group_body(g, _):
        out_vec = jnp.zeros((16,), jnp.float32)
        for k in range(4):
            j = g * 4 + k
            b = k % 2
            drain(b)

            @pl.when(j + 1 < _NCH)
            def _():
                fire(j + 1, (k + 1) % 2)

            for s in range(_CH):
                @plsc.parallel_loop(0, _D // 16, step=_UNROLL,
                                    unroll=2, carry=zeros)
                def accs(i, acc, s=s, b=b):
                    new = []
                    for u in range(_UNROLL):
                        xa = xbufs[b][s, pl.ds((i + u) * 16, 16)]
                        new.append(acc[u] + xa * xa)
                    return tuple(new)

                total = accs[0]
                for u in range(1, _UNROLL):
                    total = total + accs[u]
                t = plsc.cumsum(total)[15] * inv_d
                out_vec = jnp.where(lane == (k * _CH + s), t, out_vec)
        out_v[pl.ds(g * 16, 16)] = out_vec
        return 0

    lax.fori_loop(0, _SPW // 16, group_body, 0)
    pltpu.sync_copy(out_v, out_hbm.at[pl.ds(base, _SPW)])


@jax.jit
def _loss_center_sc(x, cls2, centers):
    mesh = plsc.VectorSubcoreMesh(core_axis_name="c", subcore_axis_name="s")
    return pl.kernel(
        _body,
        out_type=jax.ShapeDtypeStruct((_N,), jnp.float32),
        mesh=mesh,
        scratch_types=[
            pltpu.VMEM((_NCH, _CH), jnp.int32),
            pltpu.VMEM((_CH, _D), jnp.float32),
            pltpu.VMEM((_CH, _D), jnp.float32),
            pltpu.VMEM((_CH, _D), jnp.float32),
            pltpu.VMEM((_CH, _D), jnp.float32),
            pltpu.VMEM((_SPW,), jnp.float32),
            pltpu.SemaphoreType.DMA,
            pltpu.SemaphoreType.DMA,
            pltpu.SemaphoreType.DMA,
            pltpu.SemaphoreType.DMA,
        ],
        compiler_params=pltpu.CompilerParams(needs_layout_passes=False),
        name="loss_center_sc",
    )(x, cls2, centers)


def kernel(x, classes, centers):
    cls2 = jnp.asarray(classes, jnp.int32).reshape(_N // _CH, _CH)
    return _loss_center_sc(x, cls2, centers)

# --- scband reference (transcript-rebuilt; emitter-appended) ---
"""Pipeline reference for scband-loss-center-31069793419766 (READ-ONLY COPY).

The authoritative reference and input builder live on the scoring server;
editing this copy changes nothing except your own understanding.
"""

import jax, jax.numpy as jnp
import numpy as np

N = 16384
C = 1000
D = 4096
ALPHA = 1.0


def setup_inputs(seed: int = 0) -> dict:
    key = jax.random.key(seed)
    k_x, k_cls, k_centers = jax.random.split(key, 3)
    x = jax.random.normal(k_x, (N, D), dtype=jnp.float32)
    classes = jax.random.randint(k_cls, (N,), 0, C, dtype=jnp.int64 if jax.config.jax_enable_x64 else jnp.int32)
    centers = jax.random.normal(k_centers, (C, D), dtype=jnp.float32)
    return {"x": x, "classes": classes, "centers": centers}


def reference(x, classes, centers):
    # flatten features per sample (already 2D here, but keep faithful to torch view)
    flattened_x = x.reshape(x.shape[0], -1)
    # gather per-sample class center: centers[classes]
    gathered = jnp.take(centers, classes, axis=0)
    # MSELoss(reduction='none') -> elementwise squared error
    losses = (gathered - flattened_x) ** 2
    # per-sample mean over feature dim, scaled by alpha
    return ALPHA * losses.mean(axis=1)


if False:  # reference __main__ guard neutralized (emitter)
    out = reference(**setup_inputs())
    print(out.shape, out.dtype)

if __name__ == "__main__":
    import jax
    _d = setup_inputs()
    print(jax.jit(kernel)(*tuple(_d.values())))

</pallas_src>

<mosaic_0001>
#map = affine_map<(d0, d1) -> (0, 0)>
#map1 = affine_map<(d0, d1) -> (0)>
module attributes {stable_mosaic.version = 14 : i64} {
  func.func @loss_center_sc(%arg0: i32, %arg1: i32, %arg2: memref<16384x4096xf32, #tpu.memory_space<hbm>>, %arg3: memref<4096x4xi32, #tpu.memory_space<hbm>>, %arg4: memref<1000x4096xf32, #tpu.memory_space<hbm>>, %arg5: memref<16384xf32, #tpu.memory_space<hbm>>, %arg6: memref<128x4xi32, #tpu.memory_space<vmem>>, %arg7: memref<4x4096xf32, #tpu.memory_space<vmem>>, %arg8: memref<4x4096xf32, #tpu.memory_space<vmem>>, %arg9: memref<4x4096xf32, #tpu.memory_space<vmem>>, %arg10: memref<4x4096xf32, #tpu.memory_space<vmem>>, %arg11: memref<512xf32, #tpu.memory_space<vmem>>, %arg12: memref<!tpu.dma_semaphore, #tpu.memory_space<semaphore_mem>>, %arg13: memref<!tpu.dma_semaphore, #tpu.memory_space<semaphore_mem>>, %arg14: memref<!tpu.dma_semaphore, #tpu.memory_space<semaphore_mem>>, %arg15: memref<!tpu.dma_semaphore, #tpu.memory_space<semaphore_mem>>) attributes {dimension_semantics = [#tpu.dimension_semantics<core_parallel>, #tpu.dimension_semantics<subcore_parallel>], iteration_bounds = array<i64: 2, 16>, scalar_prefetch = 0 : i64, scratch_operands = 10 : i64, tpu.core_type = #tpu.core_type<sc_vector_subcore>, window_params = [{transform_indices = #map}, {transform_indices = #map}, {transform_indices = #map}, {transform_indices = #map1}]} {
    %mul3A = arith.constant 2 : i32
    %mul3A_0 = arith.muli %arg1, %mul3A : i32
    %add3A = arith.addi %mul3A_0, %arg0 : i32
    %mul3A_1 = arith.constant 512 : i32
    %mul3A_2 = arith.muli %add3A, %mul3A_1 : i32
    %mul3A_3 = arith.constant 128 : i32
    %mul3A_4 = arith.muli %add3A, %mul3A_3 : i32
    "tpu.region"() ({
      %run_scoped3A = tpu.sem_alloc : memref<!tpu.dma_semaphore, #tpu.memory_space<semaphore_mem>>
      %dma_start3A_39 = arith.constant 0 : i32
      %dma_start3A_40 = tpu.memref_slice %arg3[%mul3A_4, %dma_start3A_39] : memref<4096x4xi32, #tpu.memory_space<hbm>> -> memref<128x4xi32, #tpu.memory_space<hbm>>
      %dma_start3A_41 = arith.constant 0 : i32
      %dma_start3A_42 = tpu.memref_slice %arg3[%mul3A_4, %dma_start3A_41] : memref<4096x4xi32, #tpu.memory_space<hbm>> -> memref<128x4xi32, #tpu.memory_space<hbm>>
      tpu.enqueue_dma source(%dma_start3A_42 : memref<128x4xi32, #tpu.memory_space<hbm>>) target(%arg6 : memref<128x4xi32, #tpu.memory_space<vmem>>) target_semaphore(%run_scoped3A : memref<!tpu.dma_semaphore, #tpu.memory_space<semaphore_mem>>)
      %dma_wait3A = arith.constant 0 : i32
      %dma_wait3A_43 = tpu.memref_slice %arg3[%mul3A_4, %dma_wait3A] : memref<4096x4xi32, #tpu.memory_space<hbm>> -> memref<128x4xi32, #tpu.memory_space<hbm>>
      %dma_wait3A_44 = arith.constant 0 : i32
      %dma_wait3A_45 = tpu.memref_slice %arg3[%mul3A_4, %dma_wait3A_44] : memref<4096x4xi32, #tpu.memory_space<hbm>> -> memref<128x4xi32, #tpu.memory_space<hbm>>
      tpu.wait_dma2 semaphore(%run_scoped3A : memref<!tpu.dma_semaphore, #tpu.memory_space<semaphore_mem>>) src(%dma_wait3A_45 : memref<128x4xi32, #tpu.memory_space<hbm>>) dst(%arg6 : memref<128x4xi32, #tpu.memory_space<vmem>>)
      tpu.yield
    }) : () -> ()
    %iota3A = tpu.iota {dimensions = array<i32: 0>} : vector<16xi32>
    %broadcast_in_dim3A = arith.constant 0.000000e+00 : f32
    %broadcast_in_dim3A_5 = vector.broadcast %broadcast_in_dim3A : f32 to vector<16xf32>
    %broadcast_in_dim3A_6 = arith.constant 0.000000e+00 : f32
    %broadcast_in_dim3A_7 = vector.broadcast %broadcast_in_dim3A_6 : f32 to vector<16xf32>
    %broadcast_in_dim3A_8 = arith.constant 0.000000e+00 : f32
    %broadcast_in_dim3A_9 = vector.broadcast %broadcast_in_dim3A_8 : f32 to vector<16xf32>
    %broadcast_in_dim3A_10 = arith.constant 0.000000e+00 : f32
    %broadcast_in_dim3A_11 = vector.broadcast %broadcast_in_dim3A_10 : f32 to vector<16xf32>
    %broadcast_in_dim3A_12 = arith.constant 0.000000e+00 : f32
    %broadcast_in_dim3A_13 = vector.broadcast %broadcast_in_dim3A_12 : f32 to vector<16xf32>
    %broadcast_in_dim3A_14 = arith.constant 0.000000e+00 : f32
    %broadcast_in_dim3A_15 = vector.broadcast %broadcast_in_dim3A_14 : f32 to vector<16xf32>
    %broadcast_in_dim3A_16 = arith.constant 0.000000e+00 : f32
    %broadcast_in_dim3A_17 = vector.broadcast %broadcast_in_dim3A_16 : f32 to vector<16xf32>
    %broadcast_in_dim3A_18 = arith.constant 0.000000e+00 : f32
    %broadcast_in_dim3A_19 = vector.broadcast %broadcast_in_dim3A_18 : f32 to vector<16xf32>
    %add3A_20 = arith.constant 0 : i32
    %add3A_21 = arith.addi %mul3A_2, %add3A_20 : i32
    %dma_start3A = arith.constant 0 : i32
    %dma_start3A_22 = tpu.memref_slice %arg2[%add3A_21, %dma_start3A] : memref<16384x4096xf32, #tpu.memory_space<hbm>> -> memref<4x4096xf32, #tpu.memory_space<hbm>>
    %dma_start3A_23 = arith.constant 0 : i32
    %dma_start3A_24 = tpu.memref_slice %arg2[%add3A_21, %dma_start3A_23] : memref<16384x4096xf32, #tpu.memory_space<hbm>> -> memref<4x4096xf32, #tpu.memory_space<hbm>>
    tpu.enqueue_dma source(%dma_start3A_24 : memref<4x4096xf32, #tpu.memory_space<hbm>>) target(%arg7 : memref<4x4096xf32, #tpu.memory_space<vmem>>) target_semaphore(%arg12 : memref<!tpu.dma_semaphore, #tpu.memory_space<semaphore_mem>>)
    %dma_start3A_25 = arith.constant 0 : i32
    %dma_start3A_26 = arith.constant 0 : i32
    %dma_start3A_27 = tpu.memref_slice %arg6[%dma_start3A_25, %dma_start3A_26] : memref<128x4xi32, #tpu.memory_space<vmem>> -> memref<1x4xi32, #tpu.memory_space<vmem>>
    %dma_start3A_28 = tpu.memref_squeeze %dma_start3A_27 : memref<1x4xi32, #tpu.memory_space<vmem>> -> memref<4xi32, #tpu.memory_space<vmem>>
    %dma_start3A_29 = arith.constant 0 : i32
    %dma_start3A_30 = arith.constant 0 : i32
    %dma_start3A_31 = tpu.memref_slice %arg4[%dma_start3A_29, %dma_start3A_30] : memref<1000x4096xf32, #tpu.memory_space<hbm>> -> memref<1000x4096xf32, #tpu.memory_space<hbm>>
    tpu.enqueue_indirect_dma source(%dma_start3A_31 : memref<1000x4096xf32, #tpu.memory_space<hbm>>) target(%arg9 : memref<4x4096xf32, #tpu.memory_space<vmem>>) offsets(%dma_start3A_28 : memref<4xi32, #tpu.memory_space<vmem>>) semaphore(%arg14 : memref<!tpu.dma_semaphore, #tpu.memory_space<semaphore_mem>>)
    %scan3A = arith.constant 2.44140625E-4 : f32
    %scan3A_32 = arith.constant 0 : i32
    %scan3A_33 = arith.constant 0 : i32
    %scan3A_34 = arith.constant 32 : i32
    %scan3A_35 = arith.addi %scan3A_33, %scan3A_34 : i32
    %scan3A_36 = arith.constant 1 : i32
    %scan3A_37 = scf.for %scan3A_39 = %scan3A_33 to %scan3A_35 step %scan3A_36 iter_args(%scan3A_40 = %scan3A_32) -> (i32)  : i32 {
      %broadcast_in_dim3A_41 = arith.constant 0.000000e+00 : f32
      %broadcast_in_dim3A_42 = vector.broadcast %broadcast_in_dim3A_41 : f32 to vector<16xf32>
      %mul3A_43 = arith.constant 4 : i32
      %mul3A_44 = arith.muli %scan3A_39, %mul3A_43 : i32
      %add3A_45 = arith.constant 0 : i32
      %add3A_46 = arith.addi %mul3A_44, %add3A_45 : i32
      %dma_wait3A = arith.constant 0 : i32
      %dma_wait3A_47 = arith.constant 0 : i32
      %dma_wait3A_48 = tpu.memref_slice %arg2[%dma_wait3A, %dma_wait3A_47] : memref<16384x4096xf32, #tpu.memory_space<hbm>> -> memref<4x4096xf32, #tpu.memory_space<hbm>>
      %dma_wait3A_49 = arith.constant 0 : i32
      %dma_wait3A_50 = arith.constant 0 : i32
      %dma_wait3A_51 = tpu.memref_slice %arg2[%dma_wait3A_49, %dma_wait3A_50] : memref<16384x4096xf32, #tpu.memory_space<hbm>> -> memref<4x4096xf32, #tpu.memory_space<hbm>>
      tpu.wait_dma2 semaphore(%arg12 : memref<!tpu.dma_semaphore, #tpu.memory_space<semaphore_mem>>) src(%dma_wait3A_51 : memref<4x4096xf32, #tpu.memory_space<hbm>>) dst(%arg7 : memref<4x4096xf32, #tpu.memory_space<vmem>>)
      %dma_wait3A_52 = arith.constant 0 : i32
      %dma_wait3A_53 = arith.constant 0 : i32
      %dma_wait3A_54 = tpu.memref_slice %arg4[%dma_wait3A_52, %dma_wait3A_53] : memref<1000x4096xf32, #tpu.memory_space<hbm>> -> memref<4x4096xf32, #tpu.memory_space<hbm>>
      %dma_wait3A_55 = arith.constant 0 : i32
      %dma_wait3A_56 = arith.constant 0 : i32
      %dma_wait3A_57 = tpu.memref_slice %arg4[%dma_wait3A_55, %dma_wait3A_56] : memref<1000x4096xf32, #tpu.memory_space<hbm>> -> memref<4x4096xf32, #tpu.memory_space<hbm>>
      tpu.wait_dma2 semaphore(%arg14 : memref<!tpu.dma_semaphore, #tpu.memory_space<semaphore_mem>>) src(%dma_wait3A_57 : memref<4x4096xf32, #tpu.memory_space<hbm>>) dst(%arg9 : memref<4x4096xf32, #tpu.memory_space<vmem>>)
      %add3A_58 = arith.constant 1 : i32
      %add3A_59 = arith.addi %add3A_46, %add3A_58 : i32
      %lt3A = arith.constant 128 : i32
      %lt3A_60 = arith.cmpi slt, %add3A_59, %lt3A : i32
      %convert_element_type3A = arith.extui %lt3A_60 : i1 to i32
      %cond3A = arith.constant 0 : i32
      %cond3A_61 = arith.cmpi ne, %convert_element_type3A, %cond3A : i32
      scf.if %cond3A_61 {
        %add3A_481 = arith.constant 1 : i32
        %add3A_482 = arith.addi %add3A_46, %add3A_481 : i32
        %mul3A_483 = arith.constant 4 : i32
        %mul3A_484 = arith.muli %add3A_482, %mul3A_483 : i32
        %add3A_485 = arith.addi %mul3A_2, %mul3A_484 : i32
        %dma_start3A_486 = arith.constant 0 : i32
        %dma_start3A_487 = tpu.memref_slice %arg2[%add3A_485, %dma_start3A_486] : memref<16384x4096xf32, #tpu.memory_space<hbm>> -> memref<4x4096xf32, #tpu.memory_space<hbm>>
        %dma_start3A_488 = arith.constant 0 : i32
        %dma_start3A_489 = tpu.memref_slice %arg2[%add3A_485, %dma_start3A_488] : memref<16384x4096xf32, #tpu.memory_space<hbm>> -> memref<4x4096xf32, #tpu.memory_space<hbm>>
        tpu.enqueue_dma source(%dma_start3A_489 : memref<4x4096xf32, #tpu.memory_space<hbm>>) target(%arg8 : memref<4x4096xf32, #tpu.memory_space<vmem>>) target_semaphore(%arg13 : memref<!tpu.dma_semaphore, #tpu.memory_space<semaphore_mem>>)
        %dma_start3A_490 = arith.constant 0 : i32
        %dma_start3A_491 = tpu.memref_slice %arg6[%add3A_482, %dma_start3A_490] : memref<128x4xi32, #tpu.memory_space<vmem>> -> memref<1x4xi32, #tpu.memory_space<vmem>>
        %dma_start3A_492 = tpu.memref_squeeze %dma_start3A_491 : memref<1x4xi32, #tpu.memory_space<vmem>> -> memref<4xi32, #tpu.memory_space<vmem>>
        %dma_start3A_493 = arith.constant 0 : i32
        %dma_start3A_494 = arith.constant 0 : i32
        %dma_start3A_495 = tpu.memref_slice %arg4[%dma_start3A_493, %dma_start3A_494] : memref<1000x4096xf32, #tpu.memory_space<hbm>> -> memref<1000x4096xf32, #tpu.memory_space<hbm>>
        tpu.enqueue_indirect_dma source(%dma_start3A_495 : memref<1000x4096xf32, #tpu.memory_space<hbm>>) target(%arg10 : memref<4x4096xf32, #tpu.memory_space<vmem>>) offsets(%dma_start3A_492 : memref<4xi32, #tpu.memory_space<vmem>>) semaphore(%arg15 : memref<!tpu.dma_semaphore, #tpu.memory_space<semaphore_mem>>)
      } else {
      }
      %parallel_loop3A = arith.constant 0 : i32
      %parallel_loop3A_62 = arith.constant 256 : i32
      %parallel_loop3A_63 = arith.constant 8 : i32
      %parallel_loop3A_64:8 = scf.for %parallel_loop3A_481 = %parallel_loop3A to %parallel_loop3A_62 step %parallel_loop3A_63 iter_args(%parallel_loop3A_482 = %broadcast_in_dim3A_5, %parallel_loop3A_483 = %broadcast_in_dim3A_7, %parallel_loop3A_484 = %broadcast_in_dim3A_9, %parallel_loop3A_485 = %broadcast_in_dim3A_11, %parallel_loop3A_486 = %broadcast_in_dim3A_13, %parallel_loop3A_487 = %broadcast_in_dim3A_15, %parallel_loop3A_488 = %broadcast_in_dim3A_17, %parallel_loop3A_489 = %broadcast_in_dim3A_19) -> (vector<16xf32>, vector<16xf32>, vector<16xf32>, vector<16xf32>, vector<16xf32>, vector<16xf32>, vector<16xf32>, vector<16xf32>)  : i32 {
        %parallel_loop3A_490 = arith.constant 0 : i32
        %parallel_loop3A_491 = arith.addi %parallel_loop3A_481, %parallel_loop3A_490 : i32
        %parallel_loop3A_492 = arith.constant 16 : i32
        %parallel_loop3A_493 = arith.muli %parallel_loop3A_491, %parallel_loop3A_492 : i32
        %parallel_loop3A_494 = arith.constant 0 : i32
        %parallel_loop3A_495 = arith.index_cast %parallel_loop3A_494 : i32 to index
        %parallel_loop3A_496 = arith.index_cast %parallel_loop3A_493 : i32 to index
        %parallel_loop3A_497 = tpu.vector_load %arg7[%parallel_loop3A_495, %parallel_loop3A_496] {strides = array<i32>} : memref<4x4096xf32, #tpu.memory_space<vmem>>, vector<16xf32>,
        %parallel_loop3A_498 = arith.mulf %parallel_loop3A_497, %parallel_loop3A_497 : vector<16xf32>
        %parallel_loop3A_499 = arith.addf %parallel_loop3A_482, %parallel_loop3A_498 : vector<16xf32>
        %parallel_loop3A_500 = arith.constant 1 : i32
        %parallel_loop3A_501 = arith.addi %parallel_loop3A_481, %parallel_loop3A_500 : i32
        %parallel_loop3A_502 = arith.constant 16 : i32
        %parallel_loop3A_503 = arith.muli %parallel_loop3A_501, %parallel_loop3A_502 : i32
        %parallel_loop3A_504 = arith.constant 0 : i32
        %parallel_loop3A_505 = arith.index_cast %parallel_loop3A_504 : i32 to index
        %parallel_loop3A_506 = arith.index_cast %parallel_loop3A_503 : i32 to index
        %parallel_loop3A_507 = tpu.vector_load %arg7[%parallel_loop3A_505, %parallel_loop3A_506] {strides = array<i32>} : memref<4x4096xf32, #tpu.memory_space<vmem>>, vector<16xf32>,
        %parallel_loop3A_508 = arith.mulf %parallel_loop3A_507, %parallel_loop3A_507 : vector<16xf32>
        %parallel_loop3A_509 = arith.addf %parallel_loop3A_483, %parallel_loop3A_508 : vector<16xf32>
        %parallel_loop3A_510 = arith.constant 2 : i32
        %parallel_loop3A_511 = arith.addi %parallel_loop3A_481, %parallel_loop3A_510 : i32
        %parallel_loop3A_512 = arith.constant 16 : i32
        %parallel_loop3A_513 = arith.muli %parallel_loop3A_511, %parallel_loop3A_512 : i32
        %parallel_loop3A_514 = arith.constant 0 : i32
        %parallel_loop3A_515 = arith.index_cast %parallel_loop3A_514 : i32 to index
        %parallel_loop3A_516 = arith.index_cast %parallel_loop3A_513 : i32 to index
        %parallel_loop3A_517 = tpu.vector_load %arg7[%parallel_loop3A_515, %parallel_loop3A_516] {strides = array<i32>} : memref<4x4096xf32, #tpu.memory_space<vmem>>, vector<16xf32>,
        %parallel_loop3A_518 = arith.mulf %parallel_loop3A_517, %parallel_loop3A_517 : vector<16xf32>
        %parallel_loop3A_519 = arith.addf %parallel_loop3A_484, %parallel_loop3A_518 : vector<16xf32>
        %parallel_loop3A_520 = arith.constant 3 : i32
        %parallel_loop3A_521 = arith.addi %parallel_loop3A_481, %parallel_loop3A_520 : i32
        %parallel_loop3A_522 = arith.constant 16 : i32
        %parallel_loop3A_523 = arith.muli %parallel_loop3A_521, %parallel_loop3A_522 : i32
        %parallel_loop3A_524 = arith.constant 0 : i32
        %parallel_loop3A_525 = arith.index_cast %parallel_loop3A_524 : i32 to index
        %parallel_loop3A_526 = arith.index_cast %parallel_loop3A_523 : i32 to index
        %parallel_loop3A_527 = tpu.vector_load %arg7[%parallel_loop3A_525, %parallel_loop3A_526] {strides = array<i32>} : memref<4x4096xf32, #tpu.memory_space<vmem>>, vector<16xf32>,
        %parallel_loop3A_528 = arith.mulf %parallel_loop3A_527, %parallel_loop3A_527 : vector<16xf32>
        %parallel_loop3A_529 = arith.addf %parallel_loop3A_485, %parallel_loop3A_528 : vector<16xf32>
        %parallel_loop3A_530 = arith.constant 4 : i32
        %parallel_loop3A_531 = arith.addi %parallel_loop3A_481, %parallel_loop3A_530 : i32
        %parallel_loop3A_532 = arith.constant 16 : i32
        %parallel_loop3A_533 = arith.muli %parallel_loop3A_531, %parallel_loop3A_532 : i32
        %parallel_loop3A_534 = arith.constant 0 : i32
        %parallel_loop3A_535 = arith.index_cast %parallel_loop3A_534 : i32 to index
        %parallel_loop3A_536 = arith.index_cast %parallel_loop3A_533 : i32 to index
        %parallel_loop3A_537 = tpu.vector_load %arg7[%parallel_loop3A_535, %parallel_loop3A_536] {strides = array<i32>} : memref<4x4096xf32, #tpu.memory_space<vmem>>, vector<16xf32>,
        %parallel_loop3A_538 = arith.mulf %parallel_loop3A_537, %parallel_loop3A_537 : vector<16xf32>
        %parallel_loop3A_539 = arith.addf %parallel_loop3A_486, %parallel_loop3A_538 : vector<16xf32>
        %parallel_loop3A_540 = arith.constant 5 : i32
        %parallel_loop3A_541 = arith.addi %parallel_loop3A_481, %parallel_loop3A_540 : i32
        %parallel_loop3A_542 = arith.constant 16 : i32
        %parallel_loop3A_543 = arith.muli %parallel_loop3A_541, %parallel_loop3A_542 : i32
        %parallel_loop3A_544 = arith.constant 0 : i32
        %parallel_loop3A_545 = arith.index_cast %parallel_loop3A_544 : i32 to index
        %parallel_loop3A_546 = arith.index_cast %parallel_loop3A_543 : i32 to index
        %parallel_loop3A_547 = tpu.vector_load %arg7[%parallel_loop3A_545, %parallel_loop3A_546] {strides = array<i32>} : memref<4x4096xf32, #tpu.memory_space<vmem>>, vector<16xf32>,
        %parallel_loop3A_548 = arith.mulf %parallel_loop3A_547, %parallel_loop3A_547 : vector<16xf32>
        %parallel_loop3A_549 = arith.addf %parallel_loop3A_487, %parallel_loop3A_548 : vector<16xf32>
        %parallel_loop3A_550 = arith.constant 6 : i32
        %parallel_loop3A_551 = arith.addi %parallel_loop3A_481, %parallel_loop3A_550 : i32
        %parallel_loop3A_552 = arith.constant 16 : i32
        %parallel_loop3A_553 = arith.muli %parallel_loop3A_551, %parallel_loop3A_552 : i32
        %parallel_loop3A_554 = arith.constant 0 : i32
        %parallel_loop3A_555 = arith.index_cast %parallel_loop3A_554 : i32 to index
        %parallel_loop3A_556 = arith.index_cast %parallel_loop3A_553 : i32 to index
        %parallel_loop3A_557 = tpu.vector_load %arg7[%parallel_loop3A_555, %parallel_loop3A_556] {strides = array<i32>} : memref<4x4096xf32, #tpu.memory_space<vmem>>, vector<16xf32>,
        %parallel_loop3A_558 = arith.mulf %parallel_loop3A_557, %parallel_loop3A_557 : vector<16xf32>
        %parallel_loop3A_559 = arith.addf %parallel_loop3A_488, %parallel_loop3A_558 : vector<16xf32>
        %parallel_loop3A_560 = arith.constant 7 : i32
        %parallel_loop3A_561 = arith.addi %parallel_loop3A_481, %parallel_loop3A_560 : i32
        %parallel_loop3A_562 = arith.constant 16 : i32
        %parallel_loop3A_563 = arith.muli %parallel_loop3A_561, %parallel_loop3A_562 : i32
        %parallel_loop3A_564 = arith.constant 0 : i32
        %parallel_loop3A_565 = arith.index_cast %parallel_loop3A_564 : i32 to index
        %parallel_loop3A_566 = arith.index_cast %parallel_loop3A_563 : i32 to index
        %parallel_loop3A_567 = tpu.vector_load %arg7[%parallel_loop3A_565, %parallel_loop3A_566] {strides = array<i32>} : memref<4x4096xf32, #tpu.memory_space<vmem>>, vector<16xf32>,
        %parallel_loop3A_568 = arith.mulf %parallel_loop3A_567, %parallel_loop3A_567 : vector<16xf32>
        %parallel_loop3A_569 = arith.addf %parallel_loop3A_489, %parallel_loop3A_568 : vector<16xf32>
        scf.yield %parallel_loop3A_499, %parallel_loop3A_509, %parallel_loop3A_519, %parallel_loop3A_529, %parallel_loop3A_539, %parallel_loop3A_549, %parallel_loop3A_559, %parallel_loop3A_569 : vector<16xf32>, vector<16xf32>, vector<16xf32>, vector<16xf32>, vector<16xf32>, vector<16xf32>, vector<16xf32>, vector<16xf32>
      } {sc.loop_unroll_factor = 2 : i64, sc.parallel_access}
      %add3A_65 = arith.addf %parallel_loop3A_64#0, %parallel_loop3A_64#1 : vector<16xf32>
      %add3A_66 = arith.addf %add3A_65, %parallel_loop3A_64#2 : vector<16xf32>
      %add3A_67 = arith.addf %add3A_66, %parallel_loop3A_64#3 : vector<16xf32>
      %add3A_68 = arith.addf %add3A_67, %parallel_loop3A_64#4 : vector<16xf32>
      %add3A_69 = arith.addf %add3A_68, %parallel_loop3A_64#5 : vector<16xf32>
      %add3A_70 = arith.addf %add3A_69, %parallel_loop3A_64#6 : vector<16xf32>
      %add3A_71 = arith.addf %add3A_70, %parallel_loop3A_64#7 : vector<16xf32>
      %broadcast_in_dim3A_72 = arith.constant true
      %broadcast_in_dim3A_73 = vector.broadcast %broadcast_in_dim3A_72 : i1 to vector<16xi1>
      %masked_cumsum3A = tpu.scan <sum>, %add3A_71 masked %broadcast_in_dim3A_73 : vector<16xf32>, vector<16xi1> -> vector<16xf32>
      %slice3A = vector.extract_strided_slice %masked_cumsum3A {offsets = [15], sizes = [1], strides = [1]} : vector<16xf32> to vector<1xf32>
      %squeeze3A = vector.extract %slice3A[0] : f32 from vector<1xf32>
      %mul3A_74 = arith.mulf %squeeze3A, %scan3A : f32
      %eq3A = arith.constant 0 : i32
      %eq3A_75 = vector.broadcast %eq3A : i32 to vector<16xi32>
      %eq3A_76 = arith.cmpi eq, %iota3A, %eq3A_75 : vector<16xi32>
      %broadcast_in_dim3A_77 = vector.broadcast %mul3A_74 : f32 to vector<16xf32>
      %select_n3A = arith.select %eq3A_76, %broadcast_in_dim3A_77, %broadcast_in_dim3A_42 : vector<16xi1>, vector<16xf32>
      %parallel_loop3A_78 = arith.constant 0 : i32
      %parallel_loop3A_79 = arith.constant 256 : i32
      %parallel_loop3A_80 = arith.constant 8 : i32
      %parallel_loop3A_81:8 = scf.for %parallel_loop3A_481 = %parallel_loop3A_78 to %parallel_loop3A_79 step %parallel_loop3A_80 iter_args(%parallel_loop3A_482 = %broadcast_in_dim3A_5, %parallel_loop3A_483 = %broadcast_in_dim3A_7, %parallel_loop3A_484 = %broadcast_in_dim3A_9, %parallel_loop3A_485 = %broadcast_in_dim3A_11, %parallel_loop3A_486 = %broadcast_in_dim3A_13, %parallel_loop3A_487 = %broadcast_in_dim3A_15, %parallel_loop3A_488 = %broadcast_in_dim3A_17, %parallel_loop3A_489 = %broadcast_in_dim3A_19) -> (vector<16xf32>, vector<16xf32>, vector<16xf32>, vector<16xf32>, vector<16xf32>, vector<16xf32>, vector<16xf32>, vector<16xf32>)  : i32 {
        %parallel_loop3A_490 = arith.constant 0 : i32
        %parallel_loop3A_491 = arith.addi %parallel_loop3A_481, %parallel_loop3A_490 : i32
        %parallel_loop3A_492 = arith.constant 16 : i32
        %parallel_loop3A_493 = arith.muli %parallel_loop3A_491, %parallel_loop3A_492 : i32
        %parallel_loop3A_494 = arith.constant 1 : i32
        %parallel_loop3A_495 = arith.index_cast %parallel_loop3A_494 : i32 to index
        %parallel_loop3A_496 = arith.index_cast %parallel_loop3A_493 : i32 to index
        %parallel_loop3A_497 = tpu.vector_load %arg7[%parallel_loop3A_495, %parallel_loop3A_496] {strides = array<i32>} : memref<4x4096xf32, #tpu.memory_space<vmem>>, vector<16xf32>,
        %parallel_loop3A_498 = arith.mulf %parallel_loop3A_497, %parallel_loop3A_497 : vector<16xf32>
        %parallel_loop3A_499 = arith.addf %parallel_loop3A_482, %parallel_loop3A_498 : vector<16xf32>
        %parallel_loop3A_500 = arith.constant 1 : i32
        %parallel_loop3A_501 = arith.addi %parallel_loop3A_481, %parallel_loop3A_500 : i32
        %parallel_loop3A_502 = arith.constant 16 : i32
        %parallel_loop3A_503 = arith.muli %parallel_loop3A_501, %parallel_loop3A_502 : i32
        %parallel_loop3A_504 = arith.constant 1 : i32
        %parallel_loop3A_505 = arith.index_cast %parallel_loop3A_504 : i32 to index
        %parallel_loop3A_506 = arith.index_cast %parallel_loop3A_503 : i32 to index
        %parallel_loop3A_507 = tpu.vector_load %arg7[%parallel_loop3A_505, %parallel_loop3A_506] {strides = array<i32>} : memref<4x4096xf32, #tpu.memory_space<vmem>>, vector<16xf32>,
        %parallel_loop3A_508 = arith.mulf %parallel_loop3A_507, %parallel_loop3A_507 : vector<16xf32>
        %parallel_loop3A_509 = arith.addf %parallel_loop3A_483, %parallel_loop3A_508 : vector<16xf32>
        %parallel_loop3A_510 = arith.constant 2 : i32
        %parallel_loop3A_511 = arith.addi %parallel_loop3A_481, %parallel_loop3A_510 : i32
        %parallel_loop3A_512 = arith.constant 16 : i32
        %parallel_loop3A_513 = arith.muli %parallel_loop3A_511, %parallel_loop3A_512 : i32
        %parallel_loop3A_514 = arith.constant 1 : i32
        %parallel_loop3A_515 = arith.index_cast %parallel_loop3A_514 : i32 to index
        %parallel_loop3A_516 = arith.index_cast %parallel_loop3A_513 : i32 to index
        %parallel_loop3A_517 = tpu.vector_load %arg7[%parallel_loop3A_515, %parallel_loop3A_516] {strides = array<i32>} : memref<4x4096xf32, #tpu.memory_space<vmem>>, vector<16xf32>,
        %parallel_loop3A_518 = arith.mulf %parallel_loop3A_517, %parallel_loop3A_517 : vector<16xf32>
        %parallel_loop3A_519 = arith.addf %parallel_loop3A_484, %parallel_loop3A_518 : vector<16xf32>
        %parallel_loop3A_520 = arith.constant 3 : i32
        %parallel_loop3A_521 = arith.addi %parallel_loop3A_481, %parallel_loop3A_520 : i32
        %parallel_loop3A_522 = arith.constant 16 : i32
        %parallel_loop3A_523 = arith.muli %parallel_loop3A_521, %parallel_loop3A_522 : i32
        %parallel_loop3A_524 = arith.constant 1 : i32
        %parallel_loop3A_525 = arith.index_cast %parallel_loop3A_524 : i32 to index
        %parallel_loop3A_526 = arith.index_cast %parallel_loop3A_523 : i32 to index
        %parallel_loop3A_527 = tpu.vector_load %arg7[%parallel_loop3A_525, %parallel_loop3A_526] {strides = array<i32>} : memref<4x4096xf32, #tpu.memory_space<vmem>>, vector<16xf32>,
        %parallel_loop3A_528 = arith.mulf %parallel_loop3A_527, %parallel_loop3A_527 : vector<16xf32>
        %parallel_loop3A_529 = arith.addf %parallel_loop3A_485, %parallel_loop3A_528 : vector<16xf32>
        %parallel_loop3A_530 = arith.constant 4 : i32
        %parallel_loop3A_531 = arith.addi %parallel_loop3A_481, %parallel_loop3A_530 : i32
        %parallel_loop3A_532 = arith.constant 16 : i32
        %parallel_loop3A_533 = arith.muli %parallel_loop3A_531, %parallel_loop3A_532 : i32
        %parallel_loop3A_534 = arith.constant 1 : i32
        %parallel_loop3A_535 = arith.index_cast %parallel_loop3A_534 : i32 to index
        %parallel_loop3A_536 = arith.index_cast %parallel_loop3A_533 : i32 to index
        %parallel_loop3A_537 = tpu.vector_load %arg7[%parallel_loop3A_535, %parallel_loop3A_536] {strides = array<i32>} : memref<4x4096xf32, #tpu.memory_space<vmem>>, vector<16xf32>,
        %parallel_loop3A_538 = arith.mulf %parallel_loop3A_537, %parallel_loop3A_537 : vector<16xf32>
        %parallel_loop3A_539 = arith.addf %parallel_loop3A_486, %parallel_loop3A_538 : vector<16xf32>
        %parallel_loop3A_540 = arith.constant 5 : i32
        %parallel_loop3A_541 = arith.addi %parallel_loop3A_481, %parallel_loop3A_540 : i32
        %parallel_loop3A_542 = arith.constant 16 : i32
        %parallel_loop3A_543 = arith.muli %parallel_loop3A_541, %parallel_loop3A_542 : i32
        %parallel_loop3A_544 = arith.constant 1 : i32
        %parallel_loop3A_545 = arith.index_cast %parallel_loop3A_544 : i32 to index
        %parallel_loop3A_546 = arith.index_cast %parallel_loop3A_543 : i32 to index
        %parallel_loop3A_547 = tpu.vector_load %arg7[%parallel_loop3A_545, %parallel_loop3A_546] {strides = array<i32>} : memref<4x4096xf32, #tpu.memory_space<vmem>>, vector<16xf32>,
        %parallel_loop3A_548 = arith.mulf %parallel_loop3A_547, %parallel_loop3A_547 : vector<16xf32>
        %parallel_loop3A_549 = arith.addf %parallel_loop3A_487, %parallel_loop3A_548 : vector<16xf32>
        %parallel_loop3A_550 = arith.constant 6 : i32
        %parallel_loop3A_551 = arith.addi %parallel_loop3A_481, %parallel_loop3A_550 : i32
        %parallel_loop3A_552 = arith.constant 16 : i32
        %parallel_loop3A_553 = arith.muli %parallel_loop3A_551, %parallel_loop3A_552 : i32
        %parallel_loop3A_554 = arith.constant 1 : i32
        %parallel_loop3A_555 = arith.index_cast %parallel_loop3A_554 : i32 to index
        %parallel_loop3A_556 = arith.index_cast %parallel_loop3A_553 : i32 to index
        %parallel_loop3A_557 = tpu.vector_load %arg7[%parallel_loop3A_555, %parallel_loop3A_556] {strides = array<i32>} : memref<4x4096xf32, #tpu.memory_space<vmem>>, vector<16xf32>,
        %parallel_loop3A_558 = arith.mulf %parallel_loop3A_557, %parallel_loop3A_557 : vector<16xf32>
        %parallel_loop3A_559 = arith.addf %parallel_loop3A_488, %parallel_loop3A_558 : vector<16xf32>
        %parallel_loop3A_560 = arith.constant 7 : i32
        %parallel_loop3A_561 = arith.addi %parallel_loop3A_481, %parallel_loop3A_560 : i32
        %parallel_loop3A_562 = arith.constant 16 : i32
        %parallel_loop3A_563 = arith.muli %parallel_loop3A_561, %parallel_loop3A_562 : i32
        %parallel_loop3A_564 = arith.constant 1 : i32
        %parallel_loop3A_565 = arith.index_cast %parallel_loop3A_564 : i32 to index
        %parallel_loop3A_566 = arith.index_cast %parallel_loop3A_563 : i32 to index
        %parallel_loop3A_567 = tpu.vector_load %arg7[%parallel_loop3A_565, %parallel_loop3A_566] {strides = array<i32>} : memref<4x4096xf32, #tpu.memory_space<vmem>>, vector<16xf32>,
        %parallel_loop3A_568 = arith.mulf %parallel_loop3A_567, %parallel_loop3A_567 : vector<16xf32>
        %parallel_loop3A_569 = arith.addf %parallel_loop3A_489, %parallel_loop3A_568 : vector<16xf32>
        scf.yield %parallel_loop3A_499, %parallel_loop3A_509, %parallel_loop3A_519, %parallel_loop3A_529, %parallel_loop3A_539, %parallel_loop3A_549, %parallel_loop3A_559, %parallel_loop3A_569 : vector<16xf32>, vector<16xf32>, vector<16xf32>, vector<16xf32>, vector<16xf32>, vector<16xf32>, vector<16xf32>, vector<16xf32>
      } {sc.loop_unroll_factor = 2 : i64, sc.parallel_access}
      %add3A_82 = arith.addf %parallel_loop3A_81#0, %parallel_loop3A_81#1 : vector<16xf32>
      %add3A_83 = arith.addf %add3A_82, %parallel_loop3A_81#2 : vector<16xf32>
      %add3A_84 = arith.addf %add3A_83, %parallel_loop3A_81#3 : vector<16xf32>
      %add3A_85 = arith.addf %add3A_84, %parallel_loop3A_81#4 : vector<16xf32>
      %add3A_86 = arith.addf %add3A_85, %parallel_loop3A_81#5 : vector<16xf32>
      %add3A_87 = arith.addf %add3A_86, %parallel_loop3A_81#6 : vector<16xf32>
      %add3A_88 = arith.addf %add3A_87, %parallel_loop3A_81#7 : vector<16xf32>
      %broadcast_in_dim3A_89 = arith.constant true
      %broadcast_in_dim3A_90 = vector.broadcast %broadcast_in_dim3A_89 : i1 to vector<16xi1>
      %masked_cumsum3A_91 = tpu.scan <sum>, %add3A_88 masked %broadcast_in_dim3A_90 : vector<16xf32>, vector<16xi1> -> vector<16xf32>
      %slice3A_92 = vector.extract_strided_slice %masked_cumsum3A_91 {offsets = [15], sizes = [1], strides = [1]} : vector<16xf32> to vector<1xf32>
      %squeeze3A_93 = vector.extract %slice3A_92[0] : f32 from vector<1xf32>
      %mul3A_94 = arith.mulf %squeeze3A_93, %scan3A : f32
      %eq3A_95 = arith.constant 1 : i32
      %eq3A_96 = vector.broadcast %eq3A_95 : i32 to vector<16xi32>
      %eq3A_97 = arith.cmpi eq, %iota3A, %eq3A_96 : vector<16xi32>
      %broadcast_in_dim3A_98 = vector.broadcast %mul3A_94 : f32 to vector<16xf32>
      %select_n3A_99 = arith.select %eq3A_97, %broadcast_in_dim3A_98, %select_n3A : vector<16xi1>, vector<16xf32>
      %parallel_loop3A_100 = arith.constant 0 : i32
      %parallel_loop3A_101 = arith.constant 256 : i32
      %parallel_loop3A_102 = arith.constant 8 : i32
      %parallel_loop3A_103:8 = scf.for %parallel_loop3A_481 = %parallel_loop3A_100 to %parallel_loop3A_101 step %parallel_loop3A_102 iter_args(%parallel_loop3A_482 = %broadcast_in_dim3A_5, %parallel_loop3A_483 = %broadcast_in_dim3A_7, %parallel_loop3A_484 = %broadcast_in_dim3A_9, %parallel_loop3A_485 = %broadcast_in_dim3A_11, %parallel_loop3A_486 = %broadcast_in_dim3A_13, %parallel_loop3A_487 = %broadcast_in_dim3A_15, %parallel_loop3A_488 = %broadcast_in_dim3A_17, %parallel_loop3A_489 = %broadcast_in_dim3A_19) -> (vector<16xf32>, vector<16xf32>, vector<16xf32>, vector<16xf32>, vector<16xf32>, vector<16xf32>, vector<16xf32>, vector<16xf32>)  : i32 {
        %parallel_loop3A_490 = arith.constant 0 : i32
        %parallel_loop3A_491 = arith.addi %parallel_loop3A_481, %parallel_loop3A_490 : i32
        %parallel_loop3A_492 = arith.constant 16 : i32
        %parallel_loop3A_493 = arith.muli %parallel_loop3A_491, %parallel_loop3A_492 : i32
        %parallel_loop3A_494 = arith.constant 2 : i32
        %parallel_loop3A_495 = arith.index_cast %parallel_loop3A_494 : i32 to index
        %parallel_loop3A_496 = arith.index_cast %parallel_loop3A_493 : i32 to index
        %parallel_loop3A_497 = tpu.vector_load %arg7[%parallel_loop3A_495, %parallel_loop3A_496] {strides = array<i32>} : memref<4x4096xf32, #tpu.memory_space<vmem>>, vector<16xf32>,
        %parallel_loop3A_498 = arith.mulf %parallel_loop3A_497, %parallel_loop3A_497 : vector<16xf32>
        %parallel_loop3A_499 = arith.addf %parallel_loop3A_482, %parallel_loop3A_498 : vector<16xf32>
        %parallel_loop3A_500 = arith.constant 1 : i32
        %parallel_loop3A_501 = arith.addi %parallel_loop3A_481, %parallel_loop3A_500 : i32
        %parallel_loop3A_502 = arith.constant 16 : i32
        %parallel_loop3A_503 = arith.muli %parallel_loop3A_501, %parallel_loop3A_502 : i32
        %parallel_loop3A_504 = arith.constant 2 : i32
        %parallel_loop3A_505 = arith.index_cast %parallel_loop3A_504 : i32 to index
        %parallel_loop3A_506 = arith.index_cast %parallel_loop3A_503 : i32 to index
        %parallel_loop3A_507 = tpu.vector_load %arg7[%parallel_loop3A_505, %parallel_loop3A_506] {strides = array<i32>} : memref<4x4096xf32, #tpu.memory_space<vmem>>, vector<16xf32>,
        %parallel_loop3A_508 = arith.mulf %parallel_loop3A_507, %parallel_loop3A_507 : vector<16xf32>
        %parallel_loop3A_509 = arith.addf %parallel_loop3A_483, %parallel_loop3A_508 : vector<16xf32>
        %parallel_loop3A_510 = arith.constant 2 : i32
        %parallel_loop3A_511 = arith.addi %parallel_loop3A_481, %parallel_loop3A_510 : i32
        %parallel_loop3A_512 = arith.constant 16 : i32
        %parallel_loop3A_513 = arith.muli %parallel_loop3A_511, %parallel_loop3A_512 : i32
        %parallel_loop3A_514 = arith.constant 2 : i32
        %parallel_loop3A_515 = arith.index_cast %parallel_loop3A_514 : i32 to index
        %parallel_loop3A_516 = arith.index_cast %parallel_loop3A_513 : i32 to index
        %parallel_loop3A_517 = tpu.vector_load %arg7[%parallel_loop3A_515, %parallel_loop3A_516] {strides = array<i32>} : memref<4x4096xf32, #tpu.memory_space<vmem>>, vector<16xf32>,
        %parallel_loop3A_518 = arith.mulf %parallel_loop3A_517, %parallel_loop3A_517 : vector<16xf32>
        %parallel_loop3A_519 = arith.addf %parallel_loop3A_484, %parallel_loop3A_518 : vector<16xf32>
        %parallel_loop3A_520 = arith.constant 3 : i32
        %parallel_loop3A_521 = arith.addi %parallel_loop3A_481, %parallel_loop3A_520 : i32
        %parallel_loop3A_522 = arith.constant 16 : i32
        %parallel_loop3A_523 = arith.muli %parallel_loop3A_521, %parallel_loop3A_522 : i32
        %parallel_loop3A_524 = arith.constant 2 : i32
        %parallel_loop3A_525 = arith.index_cast %parallel_loop3A_524 : i32 to index
        %parallel_loop3A_526 = arith.index_cast %parallel_loop3A_523 : i32 to index
        %parallel_loop3A_527 = tpu.vector_load %arg7[%parallel_loop3A_525, %parallel_loop3A_526] {strides = array<i32>} : memref<4x4096xf32, #tpu.memory_space<vmem>>, vector<16xf32>,
        %parallel_loop3A_528 = arith.mulf %parallel_loop3A_527, %parallel_loop3A_527 : vector<16xf32>
        %parallel_loop3A_529 = arith.addf %parallel_loop3A_485, %parallel_loop3A_528 : vector<16xf32>
        %parallel_loop3A_530 = arith.constant 4 : i32
        %parallel_loop3A_531 = arith.addi %parallel_loop3A_481, %parallel_loop3A_530 : i32
        %parallel_loop3A_532 = arith.constant 16 : i32
        %parallel_loop3A_533 = arith.muli %parallel_loop3A_531, %parallel_loop3A_532 : i32
        %parallel_loop3A_534 = arith.constant 2 : i32
        %parallel_loop3A_535 = arith.index_cast %parallel_loop3A_534 : i32 to index
        %parallel_loop3A_536 = arith.index_cast %parallel_loop3A_533 : i32 to index
        %parallel_loop3A_537 = tpu.vector_load %arg7[%parallel_loop3A_535, %parallel_loop3A_536] {strides = array<i32>} : memref<4x4096xf32, #tpu.memory_space<vmem>>, vector<16xf32>,
        %parallel_loop3A_538 = arith.mulf %parallel_loop3A_537, %parallel_loop3A_537 : vector<16xf32>
        %parallel_loop3A_539 = arith.addf %parallel_loop3A_486, %parallel_loop3A_538 : vector<16xf32>
        %parallel_loop3A_540 = arith.constant 5 : i32
        %parallel_loop3A_541 = arith.addi %parallel_loop3A_481, %parallel_loop3A_540 : i32
        %parallel_loop3A_542 = arith.constant 16 : i32
        %parallel_loop3A_543 = arith.muli %parallel_loop3A_541, %parallel_loop3A_542 : i32
        %parallel_loop3A_544 = arith.constant 2 : i32
        %parallel_loop3A_545 = arith.index_cast %parallel_loop3A_544 : i32 to index
        %parallel_loop3A_546 = arith.index_cast %parallel_loop3A_543 : i32 to index
        %parallel_loop3A_547 = tpu.vector_load %arg7[%parallel_loop3A_545, %parallel_loop3A_546] {strides = array<i32>} : memref<4x4096xf32, #tpu.memory_space<vmem>>, vector<16xf32>,
        %parallel_loop3A_548 = arith.mulf %parallel_loop3A_547, %parallel_loop3A_547 : vector<16xf32>
        %parallel_loop3A_549 = arith.addf %parallel_loop3A_487, %parallel_loop3A_548 : vector<16xf32>
        %parallel_loop3A_550 = arith.constant 6 : i32
        %parallel_loop3A_551 = arith.addi %parallel_loop3A_481, %parallel_loop3A_550 : i32
        %parallel_loop3A_552 = arith.constant 16 : i32
        %parallel_loop3A_553 = arith.muli %parallel_loop3A_551, %parallel_loop3A_552 : i32
        %parallel_loop3A_554 = arith.constant 2 : i32
        %parallel_loop3A_555 = arith.index_cast %parallel_loop3A_554 : i32 to index
        %parallel_loop3A_556 = arith.index_cast %parallel_loop3A_553 : i32 to index
        %parallel_loop3A_557 = tpu.vector_load %arg7[%parallel_loop3A_555, %parallel_loop3A_556] {strides = array<i32>} : memref<4x4096xf32, #tpu.memory_space<vmem>>, vector<16xf32>,
        %parallel_loop3A_558 = arith.mulf %parallel_loop3A_557, %parallel_loop3A_557 : vector<16xf32>
        %parallel_loop3A_559 = arith.addf %parallel_loop3A_488, %parallel_loop3A_558 : vector<16xf32>
        %parallel_loop3A_560 = arith.constant 7 : i32
        %parallel_loop3A_561 = arith.addi %parallel_loop3A_481, %parallel_loop3A_560 : i32
        %parallel_loop3A_562 = arith.constant 16 : i32
        %parallel_loop3A_563 = arith.muli %parallel_loop3A_561, %parallel_loop3A_562 : i32
        %parallel_loop3A_564 = arith.constant 2 : i32
        %parallel_loop3A_565 = arith.index_cast %parallel_loop3A_564 : i32 to index
        %parallel_loop3A_566 = arith.index_cast %parallel_loop3A_563 : i32 to index
        %parallel_loop3A_567 = tpu.vector_load %arg7[%parallel_loop3A_565, %parallel_loop3A_566] {strides = array<i32>} : memref<4x4096xf32, #tpu.memory_space<vmem>>, vector<16xf32>,
        %parallel_loop3A_568 = arith.mulf %parallel_loop3A_567, %parallel_loop3A_567 : vector<16xf32>
        %parallel_loop3A_569 = arith.addf %parallel_loop3A_489, %parallel_loop3A_568 : vector<16xf32>
        scf.yield %parallel_loop3A_499, %parallel_loop3A_509, %parallel_loop3A_519, %parallel_loop3A_529, %parallel_loop3A_539, %parallel_loop3A_549, %parallel_loop3A_559, %parallel_loop3A_569 : vector<16xf32>, vector<16xf32>, vector<16xf32>, vector<16xf32>, vector<16xf32>, vector<16xf32>, vector<16xf32>, vector<16xf32>
      } {sc.loop_unroll_factor = 2 : i64, sc.parallel_access}
      %add3A_104 = arith.addf %parallel_loop3A_103#0, %parallel_loop3A_103#1 : vector<16xf32>
      %add3A_105 = arith.addf %add3A_104, %parallel_loop3A_103#2 : vector<16xf32>
      %add3A_106 = arith.addf %add3A_105, %parallel_loop3A_103#3 : vector<16xf32>
      %add3A_107 = arith.addf %add3A_106, %parallel_loop3A_103#4 : vector<16xf32>
      %add3A_108 = arith.addf %add3A_107, %parallel_loop3A_103#5 : vector<16xf32>
      %add3A_109 = arith.addf %add3A_108, %parallel_loop3A_103#6 : vector<16xf32>
      %add3A_110 = arith.addf %add3A_109, %parallel_loop3A_103#7 : vector<16xf32>
      %broadcast_in_dim3A_111 = arith.constant true
      %broadcast_in_dim3A_112 = vector.broadcast %broadcast_in_dim3A_111 : i1 to vector<16xi1>
      %masked_cumsum3A_113 = tpu.scan <sum>, %add3A_110 masked %broadcast_in_dim3A_112 : vector<16xf32>, vector<16xi1> -> vector<16xf32>
      %slice3A_114 = vector.extract_strided_slice %masked_cumsum3A_113 {offsets = [15], sizes = [1], strides = [1]} : vector<16xf32> to vector<1xf32>
      %squeeze3A_115 = vector.extract %slice3A_114[0] : f32 from vector<1xf32>
      %mul3A_116 = arith.mulf %squeeze3A_115, %scan3A : f32
      %eq3A_117 = arith.constant 2 : i32
      %eq3A_118 = vector.broadcast %eq3A_117 : i32 to vector<16xi32>
      %eq3A_119 = arith.cmpi eq, %iota3A, %eq3A_118 : vector<16xi32>
      %broadcast_in_dim3A_120 = vector.broadcast %mul3A_116 : f32 to vector<16xf32>
      %select_n3A_121 = arith.select %eq3A_119, %broadcast_in_dim3A_120, %select_n3A_99 : vector<16xi1>, vector<16xf32>
      %parallel_loop3A_122 = arith.constant 0 : i32
      %parallel_loop3A_123 = arith.constant 256 : i32
      %parallel_loop3A_124 = arith.constant 8 : i32
      %parallel_loop3A_125:8 = scf.for %parallel_loop3A_481 = %parallel_loop3A_122 to %parallel_loop3A_123 step %parallel_loop3A_124 iter_args(%parallel_loop3A_482 = %broadcast_in_dim3A_5, %parallel_loop3A_483 = %broadcast_in_dim3A_7, %parallel_loop3A_484 = %broadcast_in_dim3A_9, %parallel_loop3A_485 = %broadcast_in_dim3A_11, %parallel_loop3A_486 = %broadcast_in_dim3A_13, %parallel_loop3A_487 = %broadcast_in_dim3A_15, %parallel_loop3A_488 = %broadcast_in_dim3A_17, %parallel_loop3A_489 = %broadcast_in_dim3A_19) -> (vector<16xf32>, vector<16xf32>, vector<16xf32>, vector<16xf32>, vector<16xf32>, vector<16xf32>, vector<16xf32>, vector<16xf32>)  : i32 {
        %parallel_loop3A_490 = arith.constant 0 : i32
        %parallel_loop3A_491 = arith.addi %parallel_loop3A_481, %parallel_loop3A_490 : i32
        %parallel_loop3A_492 = arith.constant 16 : i32
        %parallel_loop3A_493 = arith.muli %parallel_loop3A_491, %parallel_loop3A_492 : i32
        %parallel_loop3A_494 = arith.constant 3 : i32
        %parallel_loop3A_495 = arith.index_cast %parallel_loop3A_494 : i32 to index
        %parallel_loop3A_496 = arith.index_cast %parallel_loop3A_493 : i32 to index
        %parallel_loop3A_497 = tpu.vector_load %arg7[%parallel_loop3A_495, %parallel_loop3A_496] {strides = array<i32>} : memref<4x4096xf32, #tpu.memory_space<vmem>>, vector<16xf32>,
        %parallel_loop3A_498 = arith.mulf %parallel_loop3A_497, %parallel_loop3A_497 : vector<16xf32>
        %parallel_loop3A_499 = arith.addf %parallel_loop3A_482, %parallel_loop3A_498 : vector<16xf32>
        %parallel_loop3A_500 = arith.constant 1 : i32
        %parallel_loop3A_501 = arith.addi %parallel_loop3A_481, %parallel_loop3A_500 : i32
        %parallel_loop3A_502 = arith.constant 16 : i32
        %parallel_loop3A_503 = arith.muli %parallel_loop3A_501, %parallel_loop3A_502 : i32
        %parallel_loop3A_504 = arith.constant 3 : i32
        %parallel_loop3A_505 = arith.index_cast %parallel_loop3A_504 : i32 to index
        %parallel_loop3A_506 = arith.index_cast %parallel_loop3A_503 : i32 to index
        %parallel_loop3A_507 = tpu.vector_load %arg7[%parallel_loop3A_505, %parallel_loop3A_506] {strides = array<i32>} : memref<4x4096xf32, #tpu.memory_space<vmem>>, vector<16xf32>,
        %parallel_loop3A_508 = arith.mulf %parallel_loop3A_507, %parallel_loop3A_507 : vector<16xf32>
        %parallel_loop3A_509 = arith.addf %parallel_loop3A_483, %parallel_loop3A_508 : vector<16xf32>
        %parallel_loop3A_510 = arith.constant 2 : i32
        %parallel_loop3A_511 = arith.addi %parallel_loop3A_481, %parallel_loop3A_510 : i32
        %parallel_loop3A_512 = arith.constant 16 : i32
        %parallel_loop3A_513 = arith.muli %parallel_loop3A_511, %parallel_loop3A_512 : i32
        %parallel_loop3A_514 = arith.constant 3 : i32
        %parallel_loop3A_515 = arith.index_cast %parallel_loop3A_514 : i32 to index
        %parallel_loop3A_516 = arith.index_cast %parallel_loop3A_513 : i32 to index
        %parallel_loop3A_517 = tpu.vector_load %arg7[%parallel_loop3A_515, %parallel_loop3A_516] {strides = array<i32>} : memref<4x4096xf32, #tpu.memory_space<vmem>>, vector<16xf32>,
        %parallel_loop3A_518 = arith.mulf %parallel_loop3A_517, %parallel_loop3A_517 : vector<16xf32>
        %parallel_loop3A_519 = arith.addf %parallel_loop3A_484, %parallel_loop3A_518 : vector<16xf32>
        %parallel_loop3A_520 = arith.constant 3 : i32
        %parallel_loop3A_521 = arith.addi %parallel_loop3A_481, %parallel_loop3A_520 : i32
        %parallel_loop3A_522 = arith.constant 16 : i32
        %parallel_loop3A_523 = arith.muli %parallel_loop3A_521, %parallel_loop3A_522 : i32
        %parallel_loop3A_524 = arith.constant 3 : i32
        %parallel_loop3A_525 = arith.index_cast %parallel_loop3A_524 : i32 to index
        %parallel_loop3A_526 = arith.index_cast %parallel_loop3A_523 : i32 to index
        %parallel_loop3A_527 = tpu.vector_load %arg7[%parallel_loop3A_525, %parallel_loop3A_526] {strides = array<i32>} : memref<4x4096xf32, #tpu.memory_space<vmem>>, vector<16xf32>,
        %parallel_loop3A_528 = arith.mulf %parallel_loop3A_527, %parallel_loop3A_527 : vector<16xf32>
        %parallel_loop3A_529 = arith.addf %parallel_loop3A_485, %parallel_loop3A_528 : vector<16xf32>
        %parallel_loop3A_530 = arith.constant 4 : i32
        %parallel_loop3A_531 = arith.addi %parallel_loop3A_481, %parallel_loop3A_530 : i32
        %parallel_loop3A_532 = arith.constant 16 : i32
        %parallel_loop3A_533 = arith.muli %parallel_loop3A_531, %parallel_loop3A_532 : i32
        %parallel_loop3A_534 = arith.constant 3 : i32
        %parallel_loop3A_535 = arith.index_cast %parallel_loop3A_534 : i32 to index
        %parallel_loop3A_536 = arith.index_cast %parallel_loop3A_533 : i32 to index
        %parallel_loop3A_537 = tpu.vector_load %arg7[%parallel_loop3A_535, %parallel_loop3A_536] {strides = array<i32>} : memref<4x4096xf32, #tpu.memory_space<vmem>>, vector<16xf32>,
        %parallel_loop3A_538 = arith.mulf %parallel_loop3A_537, %parallel_loop3A_537 : vector<16xf32>
        %parallel_loop3A_539 = arith.addf %parallel_loop3A_486, %parallel_loop3A_538 : vector<16xf32>
        %parallel_loop3A_540 = arith.constant 5 : i32
        %parallel_loop3A_541 = arith.addi %parallel_loop3A_481, %parallel_loop3A_540 : i32
        %parallel_loop3A_542 = arith.constant 16 : i32
        %parallel_loop3A_543 = arith.muli %parallel_loop3A_541, %parallel_loop3A_542 : i32
        %parallel_loop3A_544 = arith.constant 3 : i32
        %parallel_loop3A_545 = arith.index_cast %parallel_loop3A_544 : i32 to index
        %parallel_loop3A_546 = arith.index_cast %parallel_loop3A_543 : i32 to index
        %parallel_loop3A_547 = tpu.vector_load %arg7[%parallel_loop3A_545, %parallel_loop3A_546] {strides = array<i32>} : memref<4x4096xf32, #tpu.memory_space<vmem>>, vector<16xf32>,
        %parallel_loop3A_548 = arith.mulf %parallel_loop3A_547, %parallel_loop3A_547 : vector<16xf32>
        %parallel_loop3A_549 = arith.addf %parallel_loop3A_487, %parallel_loop3A_548 : vector<16xf32>
        %parallel_loop3A_550 = arith.constant 6 : i32
        %parallel_loop3A_551 = arith.addi %parallel_loop3A_481, %parallel_loop3A_550 : i32
        %parallel_loop3A_552 = arith.constant 16 : i32
        %parallel_loop3A_553 = arith.muli %parallel_loop3A_551, %parallel_loop3A_552 : i32
        %parallel_loop3A_554 = arith.constant 3 : i32
        %parallel_loop3A_555 = arith.index_cast %parallel_loop3A_554 : i32 to index
        %parallel_loop3A_556 = arith.index_cast %parallel_loop3A_553 : i32 to index
        %parallel_loop3A_557 = tpu.vector_load %arg7[%parallel_loop3A_555, %parallel_loop3A_556] {strides = array<i32>} : memref<4x4096xf32, #tpu.memory_space<vmem>>, vector<16xf32>,
        %parallel_loop3A_558 = arith.mulf %parallel_loop3A_557, %parallel_loop3A_557 : vector<16xf32>
        %parallel_loop3A_559 = arith.addf %parallel_loop3A_488, %parallel_loop3A_558 : vector<16xf32>
        %parallel_loop3A_560 = arith.constant 7 : i32
        %parallel_loop3A_561 = arith.addi %parallel_loop3A_481, %parallel_loop3A_560 : i32
        %parallel_loop3A_562 = arith.constant 16 : i32
        %parallel_loop3A_563 = arith.muli %parallel_loop3A_561, %parallel_loop3A_562 : i32
        %parallel_loop3A_564 = arith.constant 3 : i32
        %parallel_loop3A_565 = arith.index_cast %parallel_loop3A_564 : i32 to index
        %parallel_loop3A_566 = arith.index_cast %parallel_loop3A_563 : i32 to index
        %parallel_loop3A_567 = tpu.vector_load %arg7[%parallel_loop3A_565, %parallel_loop3A_566] {strides = array<i32>} : memref<4x4096xf32, #tpu.memory_space<vmem>>, vector<16xf32>,
        %parallel_loop3A_568 = arith.mulf %parallel_loop3A_567, %parallel_loop3A_567 : vector<16xf32>
        %parallel_loop3A_569 = arith.addf %parallel_loop3A_489, %parallel_loop3A_568 : vector<16xf32>
        scf.yield %parallel_loop3A_499, %parallel_loop3A_509, %parallel_loop3A_519, %parallel_loop3A_529, %parallel_loop3A_539, %parallel_loop3A_549, %parallel_loop3A_559, %parallel_loop3A_569 : vector<16xf32>, vector<16xf32>, vector<16xf32>, vector<16xf32>, vector<16xf32>, vector<16xf32>, vector<16xf32>, vector<16xf32>
      } {sc.loop_unroll_factor = 2 : i64, sc.parallel_access}
      %add3A_126 = arith.addf %parallel_loop3A_125#0, %parallel_loop3A_125#1 : vector<16xf32>
      %add3A_127 = arith.addf %add3A_126, %parallel_loop3A_125#2 : vector<16xf32>
      %add3A_128 = arith.addf %add3A_127, %parallel_loop3A_125#3 : vector<16xf32>
      %add3A_129 = arith.addf %add3A_128, %parallel_loop3A_125#4 : vector<16xf32>
      %add3A_130 = arith.addf %add3A_129, %parallel_loop3A_125#5 : vector<16xf32>
      %add3A_131 = arith.addf %add3A_130, %parallel_loop3A_125#6 : vector<16xf32>
      %add3A_132 = arith.addf %add3A_131, %parallel_loop3A_125#7 : vector<16xf32>
      %broadcast_in_dim3A_133 = arith.constant true
      %broadcast_in_dim3A_134 = vector.broadcast %broadcast_in_dim3A_133 : i1 to vector<16xi1>
      %masked_cumsum3A_135 = tpu.scan <sum>, %add3A_132 masked %broadcast_in_dim3A_134 : vector<16xf32>, vector<16xi1> -> vector<16xf32>
      %slice3A_136 = vector.extract_strided_slice %masked_cumsum3A_135 {offsets = [15], sizes = [1], strides = [1]} : vector<16xf32> to vector<1xf32>
      %squeeze3A_137 = vector.extract %slice3A_136[0] : f32 from vector<1xf32>
      %mul3A_138 = arith.mulf %squeeze3A_137, %scan3A : f32
      %eq3A_139 = arith.constant 3 : i32
      %eq3A_140 = vector.broadcast %eq3A_139 : i32 to vector<16xi32>
      %eq3A_141 = arith.cmpi eq, %iota3A, %eq3A_140 : vector<16xi32>
      %broadcast_in_dim3A_142 = vector.broadcast %mul3A_138 : f32 to vector<16xf32>
      %select_n3A_143 = arith.select %eq3A_141, %broadcast_in_dim3A_142, %select_n3A_121 : vector<16xi1>, vector<16xf32>
      %mul3A_144 = arith.constant 4 : i32
      %mul3A_145 = arith.muli %scan3A_39, %mul3A_144 : i32
      %add3A_146 = arith.constant 1 : i32
      %add3A_147 = arith.addi %mul3A_145, %add3A_146 : i32
      %dma_wait3A_148 = arith.constant 0 : i32
      %dma_wait3A_149 = arith.constant 0 : i32
      %dma_wait3A_150 = tpu.memref_slice %arg2[%dma_wait3A_148, %dma_wait3A_149] : memref<16384x4096xf32, #tpu.memory_space<hbm>> -> memref<4x4096xf32, #tpu.memory_space<hbm>>
      %dma_wait3A_151 = arith.constant 0 : i32
      %dma_wait3A_152 = arith.constant 0 : i32
      %dma_wait3A_153 = tpu.memref_slice %arg2[%dma_wait3A_151, %dma_wait3A_152] : memref<16384x4096xf32, #tpu.memory_space<hbm>> -> memref<4x4096xf32, #tpu.memory_space<hbm>>
      tpu.wait_dma2 semaphore(%arg13 : memref<!tpu.dma_semaphore, #tpu.memory_space<semaphore_mem>>) src(%dma_wait3A_153 : memref<4x4096xf32, #tpu.memory_space<hbm>>) dst(%arg8 : memref<4x4096xf32, #tpu.memory_space<vmem>>)
      %dma_wait3A_154 = arith.constant 0 : i32
      %dma_wait3A_155 = arith.constant 0 : i32
      %dma_wait3A_156 = tpu.memref_slice %arg4[%dma_wait3A_154, %dma_wait3A_155] : memref<1000x4096xf32, #tpu.memory_space<hbm>> -> memref<4x4096xf32, #tpu.memory_space<hbm>>
      %dma_wait3A_157 = arith.constant 0 : i32
      %dma_wait3A_158 = arith.constant 0 : i32
      %dma_wait3A_159 = tpu.memref_slice %arg4[%dma_wait3A_157, %dma_wait3A_158] : memref<1000x4096xf32, #tpu.memory_space<hbm>> -> memref<4x4096xf32, #tpu.memory_space<hbm>>
      tpu.wait_dma2 semaphore(%arg15 : memref<!tpu.dma_semaphore, #tpu.memory_space<semaphore_mem>>) src(%dma_wait3A_159 : memref<4x4096xf32, #tpu.memory_space<hbm>>) dst(%arg10 : memref<4x4096xf32, #tpu.memory_space<vmem>>)
      %add3A_160 = arith.constant 1 : i32
      %add3A_161 = arith.addi %add3A_147, %add3A_160 : i32
      %lt3A_162 = arith.constant 128 : i32
      %lt3A_163 = arith.cmpi slt, %add3A_161, %lt3A_162 : i32
      %convert_element_type3A_164 = arith.extui %lt3A_163 : i1 to i32
      %cond3A_165 = arith.constant 0 : i32
      %cond3A_166 = arith.cmpi ne, %convert_element_type3A_164, %cond3A_165 : i32
      scf.if %cond3A_166 {
        %add3A_481 = arith.constant 1 : i32
        %add3A_482 = arith.addi %add3A_147, %add3A_481 : i32
        %mul3A_483 = arith.constant 4 : i32
        %mul3A_484 = arith.muli %add3A_482, %mul3A_483 : i32
        %add3A_485 = arith.addi %mul3A_2, %mul3A_484 : i32
        %dma_start3A_486 = arith.constant 0 : i32
        %dma_start3A_487 = tpu.memref_slice %arg2[%add3A_485, %dma_start3A_486] : memref<16384x4096xf32, #tpu.memory_space<hbm>> -> memref<4x4096xf32, #tpu.memory_space<hbm>>
        %dma_start3A_488 = arith.constant 0 : i32
        %dma_start3A_489 = tpu.memref_slice %arg2[%add3A_485, %dma_start3A_488] : memref<16384x4096xf32, #tpu.memory_space<hbm>> -> memref<4x4096xf32, #tpu.memory_space<hbm>>
        tpu.enqueue_dma source(%dma_start3A_489 : memref<4x4096xf32, #tpu.memory_space<hbm>>) target(%arg7 : memref<4x4096xf32, #tpu.memory_space<vmem>>) target_semaphore(%arg12 : memref<!tpu.dma_semaphore, #tpu.memory_space<semaphore_mem>>)
        %dma_start3A_490 = arith.constant 0 : i32
        %dma_start3A_491 = tpu.memref_slice %arg6[%add3A_482, %dma_start3A_490] : memref<128x4xi32, #tpu.memory_space<vmem>> -> memref<1x4xi32, #tpu.memory_space<vmem>>
        %dma_start3A_492 = tpu.memref_squeeze %dma_start3A_491 : memref<1x4xi32, #tpu.memory_space<vmem>> -> memref<4xi32, #tpu.memory_space<vmem>>
        %dma_start3A_493 = arith.constant 0 : i32
        %dma_start3A_494 = arith.constant 0 : i32
        %dma_start3A_495 = tpu.memref_slice %arg4[%dma_start3A_493, %dma_start3A_494] : memref<1000x4096xf32, #tpu.memory_space<hbm>> -> memref<1000x4096xf32, #tpu.memory_space<hbm>>
        tpu.enqueue_indirect_dma source(%dma_start3A_495 : memref<1000x4096xf32, #tpu.memory_space<hbm>>) target(%arg9 : memref<4x4096xf32, #tpu.memory_space<vmem>>) offsets(%dma_start3A_492 : memref<4xi32, #tpu.memory_space<vmem>>) semaphore(%arg14 : memref<!tpu.dma_semaphore, #tpu.memory_space<semaphore_mem>>)
      } else {
      }
      %parallel_loop3A_167 = arith.constant 0 : i32
      %parallel_loop3A_168 = arith.constant 256 : i32
      %parallel_loop3A_169 = arith.constant 8 : i32
      %parallel_loop3A_170:8 = scf.for %parallel_loop3A_481 = %parallel_loop3A_167 to %parallel_loop3A_168 step %parallel_loop3A_169 iter_args(%parallel_loop3A_482 = %broadcast_in_dim3A_5, %parallel_loop3A_483 = %broadcast_in_dim3A_7, %parallel_loop3A_484 = %broadcast_in_dim3A_9, %parallel_loop3A_485 = %broadcast_in_dim3A_11, %parallel_loop3A_486 = %broadcast_in_dim3A_13, %parallel_loop3A_487 = %broadcast_in_dim3A_15, %parallel_loop3A_488 = %broadcast_in_dim3A_17, %parallel_loop3A_489 = %broadcast_in_dim3A_19) -> (vector<16xf32>, vector<16xf32>, vector<16xf32>, vector<16xf32>, vector<16xf32>, vector<16xf32>, vector<16xf32>, vector<16xf32>)  : i32 {
        %parallel_loop3A_490 = arith.constant 0 : i32
        %parallel_loop3A_491 = arith.addi %parallel_loop3A_481, %parallel_loop3A_490 : i32
        %parallel_loop3A_492 = arith.constant 16 : i32
        %parallel_loop3A_493 = arith.muli %parallel_loop3A_491, %parallel_loop3A_492 : i32
        %parallel_loop3A_494 = arith.constant 0 : i32
        %parallel_loop3A_495 = arith.index_cast %parallel_loop3A_494 : i32 to index
        %parallel_loop3A_496 = arith.index_cast %parallel_loop3A_493 : i32 to index
        %parallel_loop3A_497 = tpu.vector_load %arg8[%parallel_loop3A_495, %parallel_loop3A_496] {strides = array<i32>} : memref<4x4096xf32, #tpu.memory_space<vmem>>, vector<16xf32>,
        %parallel_loop3A_498 = arith.mulf %parallel_loop3A_497, %parallel_loop3A_497 : vector<16xf32>
        %parallel_loop3A_499 = arith.addf %parallel_loop3A_482, %parallel_loop3A_498 : vector<16xf32>
        %parallel_loop3A_500 = arith.constant 1 : i32
        %parallel_loop3A_501 = arith.addi %parallel_loop3A_481, %parallel_loop3A_500 : i32
        %parallel_loop3A_502 = arith.constant 16 : i32
        %parallel_loop3A_503 = arith.muli %parallel_loop3A_501, %parallel_loop3A_502 : i32
        %parallel_loop3A_504 = arith.constant 0 : i32
        %parallel_loop3A_505 = arith.index_cast %parallel_loop3A_504 : i32 to index
        %parallel_loop3A_506 = arith.index_cast %parallel_loop3A_503 : i32 to index
        %parallel_loop3A_507 = tpu.vector_load %arg8[%parallel_loop3A_505, %parallel_loop3A_506] {strides = array<i32>} : memref<4x4096xf32, #tpu.memory_space<vmem>>, vector<16xf32>,
        %parallel_loop3A_508 = arith.mulf %parallel_loop3A_507, %parallel_loop3A_507 : vector<16xf32>
        %parallel_loop3A_509 = arith.addf %parallel_loop3A_483, %parallel_loop3A_508 : vector<16xf32>
        %parallel_loop3A_510 = arith.constant 2 : i32
        %parallel_loop3A_511 = arith.addi %parallel_loop3A_481, %parallel_loop3A_510 : i32
        %parallel_loop3A_512 = arith.constant 16 : i32
        %parallel_loop3A_513 = arith.muli %parallel_loop3A_511, %parallel_loop3A_512 : i32
        %parallel_loop3A_514 = arith.constant 0 : i32
        %parallel_loop3A_515 = arith.index_cast %parallel_loop3A_514 : i32 to index
        %parallel_loop3A_516 = arith.index_cast %parallel_loop3A_513 : i32 to index
        %parallel_loop3A_517 = tpu.vector_load %arg8[%parallel_loop3A_515, %parallel_loop3A_516] {strides = array<i32>} : memref<4x4096xf32, #tpu.memory_space<vmem>>, vector<16xf32>,
        %parallel_loop3A_518 = arith.mulf %parallel_loop3A_517, %parallel_loop3A_517 : vector<16xf32>
        %parallel_loop3A_519 = arith.addf %parallel_loop3A_484, %parallel_loop3A_518 : vector<16xf32>
        %parallel_loop3A_520 = arith.constant 3 : i32
        %parallel_loop3A_521 = arith.addi %parallel_loop3A_481, %parallel_loop3A_520 : i32
        %parallel_loop3A_522 = arith.constant 16 : i32
        %parallel_loop3A_523 = arith.muli %parallel_loop3A_521, %parallel_loop3A_522 : i32
        %parallel_loop3A_524 = arith.constant 0 : i32
        %parallel_loop3A_525 = arith.index_cast %parallel_loop3A_524 : i32 to index
        %parallel_loop3A_526 = arith.index_cast %parallel_loop3A_523 : i32 to index
        %parallel_loop3A_527 = tpu.vector_load %arg8[%parallel_loop3A_525, %parallel_loop3A_526] {strides = array<i32>} : memref<4x4096xf32, #tpu.memory_space<vmem>>, vector<16xf32>,
        %parallel_loop3A_528 = arith.mulf %parallel_loop3A_527, %parallel_loop3A_527 : vector<16xf32>
        %parallel_loop3A_529 = arith.addf %parallel_loop3A_485, %parallel_loop3A_528 : vector<16xf32>
        %parallel_loop3A_530 = arith.constant 4 : i32
        %parallel_loop3A_531 = arith.addi %parallel_loop3A_481, %parallel_loop3A_530 : i32
        %parallel_loop3A_532 = arith.constant 16 : i32
        %parallel_loop3A_533 = arith.muli %parallel_loop3A_531, %parallel_loop3A_532 : i32
        %parallel_loop3A_534 = arith.constant 0 : i32
        %parallel_loop3A_535 = arith.index_cast %parallel_loop3A_534 : i32 to index
        %parallel_loop3A_536 = arith.index_cast %parallel_loop3A_533 : i32 to index
        %parallel_loop3A_537 = tpu.vector_load %arg8[%parallel_loop3A_535, %parallel_loop3A_536] {strides = array<i32>} : memref<4x4096xf32, #tpu.memory_space<vmem>>, vector<16xf32>,
        %parallel_loop3A_538 = arith.mulf %parallel_loop3A_537, %parallel_loop3A_537 : vector<16xf32>
        %parallel_loop3A_539 = arith.addf %parallel_loop3A_486, %parallel_loop3A_538 : vector<16xf32>
        %parallel_loop3A_540 = arith.constant 5 : i32
        %parallel_loop3A_541 = arith.addi %parallel_loop3A_481, %parallel_loop3A_540 : i32
        %parallel_loop3A_542 = arith.constant 16 : i32
        %parallel_loop3A_543 = arith.muli %parallel_loop3A_541, %parallel_loop3A_542 : i32
        %parallel_loop3A_544 = arith.constant 0 : i32
        %parallel_loop3A_545 = arith.index_cast %parallel_loop3A_544 : i32 to index
        %parallel_loop3A_546 = arith.index_cast %parallel_loop3A_543 : i32 to index
        %parallel_loop3A_547 = tpu.vector_load %arg8[%parallel_loop3A_545, %parallel_loop3A_546] {strides = array<i32>} : memref<4x4096xf32, #tpu.memory_space<vmem>>, vector<16xf32>,
        %parallel_loop3A_548 = arith.mulf %parallel_loop3A_547, %parallel_loop3A_547 : vector<16xf32>
        %parallel_loop3A_549 = arith.addf %parallel_loop3A_487, %parallel_loop3A_548 : vector<16xf32>
        %parallel_loop3A_550 = arith.constant 6 : i32
        %parallel_loop3A_551 = arith.addi %parallel_loop3A_481, %parallel_loop3A_550 : i32
        %parallel_loop3A_552 = arith.constant 16 : i32
        %parallel_loop3A_553 = arith.muli %parallel_loop3A_551, %parallel_loop3A_552 : i32
        %parallel_loop3A_554 = arith.constant 0 : i32
        %parallel_loop3A_555 = arith.index_cast %parallel_loop3A_554 : i32 to index
        %parallel_loop3A_556 = arith.index_cast %parallel_loop3A_553 : i32 to index
        %parallel_loop3A_557 = tpu.vector_load %arg8[%parallel_loop3A_555, %parallel_loop3A_556] {strides = array<i32>} : memref<4x4096xf32, #tpu.memory_space<vmem>>, vector<16xf32>,
        %parallel_loop3A_558 = arith.mulf %parallel_loop3A_557, %parallel_loop3A_557 : vector<16xf32>
        %parallel_loop3A_559 = arith.addf %parallel_loop3A_488, %parallel_loop3A_558 : vector<16xf32>
        %parallel_loop3A_560 = arith.constant 7 : i32
        %parallel_loop3A_561 = arith.addi %parallel_loop3A_481, %parallel_loop3A_560 : i32
        %parallel_loop3A_562 = arith.constant 16 : i32
        %parallel_loop3A_563 = arith.muli %parallel_loop3A_561, %parallel_loop3A_562 : i32
        %parallel_loop3A_564 = arith.constant 0 : i32
        %parallel_loop3A_565 = arith.index_cast %parallel_loop3A_564 : i32 to index
        %parallel_loop3A_566 = arith.index_cast %parallel_loop3A_563 : i32 to index
        %parallel_loop3A_567 = tpu.vector_load %arg8[%parallel_loop3A_565, %parallel_loop3A_566] {strides = array<i32>} : memref<4x4096xf32, #tpu.memory_space<vmem>>, vector<16xf32>,
        %parallel_loop3A_568 = arith.mulf %parallel_loop3A_567, %parallel_loop3A_567 : vector<16xf32>
        %parallel_loop3A_569 = arith.addf %parallel_loop3A_489, %parallel_loop3A_568 : vector<16xf32>
        scf.yield %parallel_loop3A_499, %parallel_loop3A_509, %parallel_loop3A_519, %parallel_loop3A_529, %parallel_loop3A_539, %parallel_loop3A_549, %parallel_loop3A_559, %parallel_loop3A_569 : vector<16xf32>, vector<16xf32>, vector<16xf32>, vector<16xf32>, vector<16xf32>, vector<16xf32>, vector<16xf32>, vector<16xf32>
      } {sc.loop_unroll_factor = 2 : i64, sc.parallel_access}
      %add3A_171 = arith.addf %parallel_loop3A_170#0, %parallel_loop3A_170#1 : vector<16xf32>
      %add3A_172 = arith.addf %add3A_171, %parallel_loop3A_170#2 : vector<16xf32>
      %add3A_173 = arith.addf %add3A_172, %parallel_loop3A_170#3 : vector<16xf32>
      %add3A_174 = arith.addf %add3A_173, %parallel_loop3A_170#4 : vector<16xf32>
      %add3A_175 = arith.addf %add3A_174, %parallel_loop3A_170#5 : vector<16xf32>
      %add3A_176 = arith.addf %add3A_175, %parallel_loop3A_170#6 : vector<16xf32>
      %add3A_177 = arith.addf %add3A_176, %parallel_loop3A_170#7 : vector<16xf32>
      %broadcast_in_dim3A_178 = arith.constant true
      %broadcast_in_dim3A_179 = vector.broadcast %broadcast_in_dim3A_178 : i1 to vector<16xi1>
      %masked_cumsum3A_180 = tpu.scan <sum>, %add3A_177 masked %broadcast_in_dim3A_179 : vector<16xf32>, vector<16xi1> -> vector<16xf32>
      %slice3A_181 = vector.extract_strided_slice %masked_cumsum3A_180 {offsets = [15], sizes = [1], strides = [1]} : vector<16xf32> to vector<1xf32>
      %squeeze3A_182 = vector.extract %slice3A_181[0] : f32 from vector<1xf32>
      %mul3A_183 = arith.mulf %squeeze3A_182, %scan3A : f32
      %eq3A_184 = arith.constant 4 : i32
      %eq3A_185 = vector.broadcast %eq3A_184 : i32 to vector<16xi32>
      %eq3A_186 = arith.cmpi eq, %iota3A, %eq3A_185 : vector<16xi32>
      %broadcast_in_dim3A_187 = vector.broadcast %mul3A_183 : f32 to vector<16xf32>
      %select_n3A_188 = arith.select %eq3A_186, %broadcast_in_dim3A_187, %select_n3A_143 : vector<16xi1>, vector<16xf32>
      %parallel_loop3A_189 = arith.constant 0 : i32
      %parallel_loop3A_190 = arith.constant 256 : i32
      %parallel_loop3A_191 = arith.constant 8 : i32
      %parallel_loop3A_192:8 = scf.for %parallel_loop3A_481 = %parallel_loop3A_189 to %parallel_loop3A_190 step %parallel_loop3A_191 iter_args(%parallel_loop3A_482 = %broadcast_in_dim3A_5, %parallel_loop3A_483 = %broadcast_in_dim3A_7, %parallel_loop3A_484 = %broadcast_in_dim3A_9, %parallel_loop3A_485 = %broadcast_in_dim3A_11, %parallel_loop3A_486 = %broadcast_in_dim3A_13, %parallel_loop3A_487 = %broadcast_in_dim3A_15, %parallel_loop3A_488 = %broadcast_in_dim3A_17, %parallel_loop3A_489 = %broadcast_in_dim3A_19) -> (vector<16xf32>, vector<16xf32>, vector<16xf32>, vector<16xf32>, vector<16xf32>, vector<16xf32>, vector<16xf32>, vector<16xf32>)  : i32 {
        %parallel_loop3A_490 = arith.constant 0 : i32
        %parallel_loop3A_491 = arith.addi %parallel_loop3A_481, %parallel_loop3A_490 : i32
        %parallel_loop3A_492 = arith.constant 16 : i32
        %parallel_loop3A_493 = arith.muli %parallel_loop3A_491, %parallel_loop3A_492 : i32
        %parallel_loop3A_494 = arith.constant 1 : i32
        %parallel_loop3A_495 = arith.index_cast %parallel_loop3A_494 : i32 to index
        %parallel_loop3A_496 = arith.index_cast %parallel_loop3A_493 : i32 to index
        %parallel_loop3A_497 = tpu.vector_load %arg8[%parallel_loop3A_495, %parallel_loop3A_496] {strides = array<i32>} : memref<4x4096xf32, #tpu.memory_space<vmem>>, vector<16xf32>,
        %parallel_loop3A_498 = arith.mulf %parallel_loop3A_497, %parallel_loop3A_497 : vector<16xf32>
        %parallel_loop3A_499 = arith.addf %parallel_loop3A_482, %parallel_loop3A_498 : vector<16xf32>
        %parallel_loop3A_500 = arith.constant 1 : i32
        %parallel_loop3A_501 = arith.addi %parallel_loop3A_481, %parallel_loop3A_500 : i32
        %parallel_loop3A_502 = arith.constant 16 : i32
        %parallel_loop3A_503 = arith.muli %parallel_loop3A_501, %parallel_loop3A_502 : i32
        %parallel_loop3A_504 = arith.constant 1 : i32
        %parallel_loop3A_505 = arith.index_cast %parallel_loop3A_504 : i32 to index
        %parallel_loop3A_506 = arith.index_cast %parallel_loop3A_503 : i32 to index
        %parallel_loop3A_507 = tpu.vector_load %arg8[%parallel_loop3A_505, %parallel_loop3A_506] {strides = array<i32>} : memref<4x4096xf32, #tpu.memory_space<vmem>>, vector<16xf32>,
        %parallel_loop3A_508 = arith.mulf %parallel_loop3A_507, %parallel_loop3A_507 : vector<16xf32>
        %parallel_loop3A_509 = arith.addf %parallel_loop3A_483, %parallel_loop3A_508 : vector<16xf32>
        %parallel_loop3A_510 = arith.constant 2 : i32
        %parallel_loop3A_511 = arith.addi %parallel_loop3A_481, %parallel_loop3A_510 : i32
        %parallel_loop3A_512 = arith.constant 16 : i32
        %parallel_loop3A_513 = arith.muli %parallel_loop3A_511, %parallel_loop3A_512 : i32
        %parallel_loop3A_514 = arith.constant 1 : i32
        %parallel_loop3A_515 = arith.index_cast %parallel_loop3A_514 : i32 to index
        %parallel_loop3A_516 = arith.index_cast %parallel_loop3A_513 : i32 to index
        %parallel_loop3A_517 = tpu.vector_load %arg8[%parallel_loop3A_515, %parallel_loop3A_516] {strides = array<i32>} : memref<4x4096xf32, #tpu.memory_space<vmem>>, vector<16xf32>,
        %parallel_loop3A_518 = arith.mulf %parallel_loop3A_517, %parallel_loop3A_517 : vector<16xf32>
        %parallel_loop3A_519 = arith.addf %parallel_loop3A_484, %parallel_loop3A_518 : vector<16xf32>
        %parallel_loop3A_520 = arith.constant 3 : i32
        %parallel_loop3A_521 = arith.addi %parallel_loop3A_481, %parallel_loop3A_520 : i32
        %parallel_loop3A_522 = arith.constant 16 : i32
        %parallel_loop3A_523 = arith.muli %parallel_loop3A_521, %parallel_loop3A_522 : i32
        %parallel_loop3A_524 = arith.constant 1 : i32
        %parallel_loop3A_525 = arith.index_cast %parallel_loop3A_524 : i32 to index
        %parallel_loop3A_526 = arith.index_cast %parallel_loop3A_523 : i32 to index
        %parallel_loop3A_527 = tpu.vector_load %arg8[%parallel_loop3A_525, %parallel_loop3A_526] {strides = array<i32>} : memref<4x4096xf32, #tpu.memory_space<vmem>>, vector<16xf32>,
        %parallel_loop3A_528 = arith.mulf %parallel_loop3A_527, %parallel_loop3A_527 : vector<16xf32>
        %parallel_loop3A_529 = arith.addf %parallel_loop3A_485, %parallel_loop3A_528 : vector<16xf32>
        %parallel_loop3A_530 = arith.constant 4 : i32
        %parallel_loop3A_531 = arith.addi %parallel_loop3A_481, %parallel_loop3A_530 : i32
        %parallel_loop3A_532 = arith.constant 16 : i32
        %parallel_loop3A_533 = arith.muli %parallel_loop3A_531, %parallel_loop3A_532 : i32
        %parallel_loop3A_534 = arith.constant 1 : i32
        %parallel_loop3A_535 = arith.index_cast %parallel_loop3A_534 : i32 to index
        %parallel_loop3A_536 = arith.index_cast %parallel_loop3A_533 : i32 to index
        %parallel_loop3A_537 = tpu.vector_load %arg8[%parallel_loop3A_535, %parallel_loop3A_536] {strides = array<i32>} : memref<4x4096xf32, #tpu.memory_space<vmem>>, vector<16xf32>,
        %parallel_loop3A_538 = arith.mulf %parallel_loop3A_537, %parallel_loop3A_537 : vector<16xf32>
        %parallel_loop3A_539 = arith.addf %parallel_loop3A_486, %parallel_loop3A_538 : vector<16xf32>
        %parallel_loop3A_540 = arith.constant 5 : i32
        %parallel_loop3A_541 = arith.addi %parallel_loop3A_481, %parallel_loop3A_540 : i32
        %parallel_loop3A_542 = arith.constant 16 : i32
        %parallel_loop3A_543 = arith.muli %parallel_loop3A_541, %parallel_loop3A_542 : i32
        %parallel_loop3A_544 = arith.constant 1 : i32
        %parallel_loop3A_545 = arith.index_cast %parallel_loop3A_544 : i32 to index
        %parallel_loop3A_546 = arith.index_cast %parallel_loop3A_543 : i32 to index
        %parallel_loop3A_547 = tpu.vector_load %arg8[%parallel_loop3A_545, %parallel_loop3A_546] {strides = array<i32>} : memref<4x4096xf32, #tpu.memory_space<vmem>>, vector<16xf32>,
        %parallel_loop3A_548 = arith.mulf %parallel_loop3A_547, %parallel_loop3A_547 : vector<16xf32>
        %parallel_loop3A_549 = arith.addf %parallel_loop3A_487, %parallel_loop3A_548 : vector<16xf32>
        %parallel_loop3A_550 = arith.constant 6 : i32
        %parallel_loop3A_551 = arith.addi %parallel_loop3A_481, %parallel_loop3A_550 : i32
        %parallel_loop3A_552 = arith.constant 16 : i32
        %parallel_loop3A_553 = arith.muli %parallel_loop3A_551, %parallel_loop3A_552 : i32
        %parallel_loop3A_554 = arith.constant 1 : i32
        %parallel_loop3A_555 = arith.index_cast %parallel_loop3A_554 : i32 to index
        %parallel_loop3A_556 = arith.index_cast %parallel_loop3A_553 : i32 to index
        %parallel_loop3A_557 = tpu.vector_load %arg8[%parallel_loop3A_555, %parallel_loop3A_556] {strides = array<i32>} : memref<4x4096xf32, #tpu.memory_space<vmem>>, vector<16xf32>,
        %parallel_loop3A_558 = arith.mulf %parallel_loop3A_557, %parallel_loop3A_557 : vector<16xf32>
        %parallel_loop3A_559 = arith.addf %parallel_loop3A_488, %parallel_loop3A_558 : vector<16xf32>
        %parallel_loop3A_560 = arith.constant 7 : i32
        %parallel_loop3A_561 = arith.addi %parallel_loop3A_481, %parallel_loop3A_560 : i32
        %parallel_loop3A_562 = arith.constant 16 : i32
        %parallel_loop3A_563 = arith.muli %parallel_loop3A_561, %parallel_loop3A_562 : i32
        %parallel_loop3A_564 = arith.constant 1 : i32
        %parallel_loop3A_565 = arith.index_cast %parallel_loop3A_564 : i32 to index
        %parallel_loop3A_566 = arith.index_cast %parallel_loop3A_563 : i32 to index
        %parallel_loop3A_567 = tpu.vector_load %arg8[%parallel_loop3A_565, %parallel_loop3A_566] {strides = array<i32>} : memref<4x4096xf32, #tpu.memory_space<vmem>>, vector<16xf32>,
        %parallel_loop3A_568 = arith.mulf %parallel_loop3A_567, %parallel_loop3A_567 : vector<16xf32>
        %parallel_loop3A_569 = arith.addf %parallel_loop3A_489, %parallel_loop3A_568 : vector<16xf32>
        scf.yield %parallel_loop3A_499, %parallel_loop3A_509, %parallel_loop3A_519, %parallel_loop3A_529, %parallel_loop3A_539, %parallel_loop3A_549, %parallel_loop3A_559, %parallel_loop3A_569 : vector<16xf32>, vector<16xf32>, vector<16xf32>, vector<16xf32>, vector<16xf32>, vector<16xf32>, vector<16xf32>, vector<16xf32>
      } {sc.loop_unroll_factor = 2 : i64, sc.parallel_access}
      %add3A_193 = arith.addf %parallel_loop3A_192#0, %parallel_loop3A_192#1 : vector<16xf32>
      %add3A_194 = arith.addf %add3A_193, %parallel_loop3A_192#2 : vector<16xf32>
      %add3A_195 = arith.addf %add3A_194, %parallel_loop3A_192#3 : vector<16xf32>
      %add3A_196 = arith.addf %add3A_195, %parallel_loop3A_192#4 : vector<16xf32>
      %add3A_197 = arith.addf %add3A_196, %parallel_loop3A_192#5 : vector<16xf32>
      %add3A_198 = arith.addf %add3A_197, %parallel_loop3A_192#6 : vector<16xf32>
      %add3A_199 = arith.addf %add3A_198, %parallel_loop3A_192#7 : vector<16xf32>
      %broadcast_in_dim3A_200 = arith.constant true
      %broadcast_in_dim3A_201 = vector.broadcast %broadcast_in_dim3A_200 : i1 to vector<16xi1>
      %masked_cumsum3A_202 = tpu.scan <sum>, %add3A_199 masked %broadcast_in_dim3A_201 : vector<16xf32>, vector<16xi1> -> vector<16xf32>
      %slice3A_203 = vector.extract_strided_slice %masked_cumsum3A_202 {offsets = [15], sizes = [1], strides = [1]} : vector<16xf32> to vector<1xf32>
      %squeeze3A_204 = vector.extract %slice3A_203[0] : f32 from vector<1xf32>
      %mul3A_205 = arith.mulf %squeeze3A_204, %scan3A : f32
      %eq3A_206 = arith.constant 5 : i32
      %eq3A_207 = vector.broadcast %eq3A_206 : i32 to vector<16xi32>
      %eq3A_208 = arith.cmpi eq, %iota3A, %eq3A_207 : vector<16xi32>
      %broadcast_in_dim3A_209 = vector.broadcast %mul3A_205 : f32 to vector<16xf32>
      %select_n3A_210 = arith.select %eq3A_208, %broadcast_in_dim3A_209, %select_n3A_188 : vector<16xi1>, vector<16xf32>
      %parallel_loop3A_211 = arith.constant 0 : i32
      %parallel_loop3A_212 = arith.constant 256 : i32
      %parallel_loop3A_213 = arith.constant 8 : i32
      %parallel_loop3A_214:8 = scf.for %parallel_loop3A_481 = %parallel_loop3A_211 to %parallel_loop3A_212 step %parallel_loop3A_213 iter_args(%parallel_loop3A_482 = %broadcast_in_dim3A_5, %parallel_loop3A_483 = %broadcast_in_dim3A_7, %parallel_loop3A_484 = %broadcast_in_dim3A_9, %parallel_loop3A_485 = %broadcast_in_dim3A_11, %parallel_loop3A_486 = %broadcast_in_dim3A_13, %parallel_loop3A_487 = %broadcast_in_dim3A_15, %parallel_loop3A_488 = %broadcast_in_dim3A_17, %parallel_loop3A_489 = %broadcast_in_dim3A_19) -> (vector<16xf32>, vector<16xf32>, vector<16xf32>, vector<16xf32>, vector<16xf32>, vector<16xf32>, vector<16xf32>, vector<16xf32>)  : i32 {
        %parallel_loop3A_490 = arith.constant 0 : i32
        %parallel_loop3A_491 = arith.addi %parallel_loop3A_481, %parallel_loop3A_490 : i32
        %parallel_loop3A_492 = arith.constant 16 : i32
        %parallel_loop3A_493 = arith.muli %parallel_loop3A_491, %parallel_loop3A_492 : i32
        %parallel_loop3A_494 = arith.constant 2 : i32
        %parallel_loop3A_495 = arith.index_cast %parallel_loop3A_494 : i32 to index
        %parallel_loop3A_496 = arith.index_cast %parallel_loop3A_493 : i32 to index
        %parallel_loop3A_497 = tpu.vector_load %arg8[%parallel_loop3A_495, %parallel_loop3A_496] {strides = array<i32>} : memref<4x4096xf32, #tpu.memory_space<vmem>>, vector<16xf32>,
        %parallel_loop3A_498 = arith.mulf %parallel_loop3A_497, %parallel_loop3A_497 : vector<16xf32>
        %parallel_loop3A_499 = arith.addf %parallel_loop3A_482, %parallel_loop3A_498 : vector<16xf32>
        %parallel_loop3A_500 = arith.constant 1 : i32
        %parallel_loop3A_501 = arith.addi %parallel_loop3A_481, %parallel_loop3A_500 : i32
        %parallel_loop3A_502 = arith.constant 16 : i32
        %parallel_loop3A_503 = arith.muli %parallel_loop3A_501, %parallel_loop3A_502 : i32
        %parallel_loop3A_504 = arith.constant 2 : i32
        %parallel_loop3A_505 = arith.index_cast %parallel_loop3A_504 : i32 to index
        %parallel_loop3A_506 = arith.index_cast %parallel_loop3A_503 : i32 to index
        %parallel_loop3A_507 = tpu.vector_load %arg8[%parallel_loop3A_505, %parallel_loop3A_506] {strides = array<i32>} : memref<4x4096xf32, #tpu.memory_space<vmem>>, vector<16xf32>,
        %parallel_loop3A_508 = arith.mulf %parallel_loop3A_507, %parallel_loop3A_507 : vector<16xf32>
        %parallel_loop3A_509 = arith.addf %parallel_loop3A_483, %parallel_loop3A_508 : vector<16xf32>
        %parallel_loop3A_510 = arith.constant 2 : i32
        %parallel_loop3A_511 = arith.addi %parallel_loop3A_481, %parallel_loop3A_510 : i32
        %parallel_loop3A_512 = arith.constant 16 : i32
        %parallel_loop3A_513 = arith.muli %parallel_loop3A_511, %parallel_loop3A_512 : i32
        %parallel_loop3A_514 = arith.constant 2 : i32
        %parallel_loop3A_515 = arith.index_cast %parallel_loop3A_514 : i32 to index
        %parallel_loop3A_516 = arith.index_cast %parallel_loop3A_513 : i32 to index
        %parallel_loop3A_517 = tpu.vector_load %arg8[%parallel_loop3A_515, %parallel_loop3A_516] {strides = array<i32>} : memref<4x4096xf32, #tpu.memory_space<vmem>>, vector<16xf32>,
        %parallel_loop3A_518 = arith.mulf %parallel_loop3A_517, %parallel_loop3A_517 : vector<16xf32>
        %parallel_loop3A_519 = arith.addf %parallel_loop3A_484, %parallel_loop3A_518 : vector<16xf32>
        %parallel_loop3A_520 = arith.constant 3 : i32
        %parallel_loop3A_521 = arith.addi %parallel_loop3A_481, %parallel_loop3A_520 : i32
        %parallel_loop3A_522 = arith.constant 16 : i32
        %parallel_loop3A_523 = arith.muli %parallel_loop3A_521, %parallel_loop3A_522 : i32
        %parallel_loop3A_524 = arith.constant 2 : i32
        %parallel_loop3A_525 = arith.index_cast %parallel_loop3A_524 : i32 to index
        %parallel_loop3A_526 = arith.index_cast %parallel_loop3A_523 : i32 to index
        %parallel_loop3A_527 = tpu.vector_load %arg8[%parallel_loop3A_525, %parallel_loop3A_526] {strides = array<i32>} : memref<4x4096xf32, #tpu.memory_space<vmem>>, vector<16xf32>,
        %parallel_loop3A_528 = arith.mulf %parallel_loop3A_527, %parallel_loop3A_527 : vector<16xf32>
        %parallel_loop3A_529 = arith.addf %parallel_loop3A_485, %parallel_loop3A_528 : vector<16xf32>
        %parallel_loop3A_530 = arith.constant 4 : i32
        %parallel_loop3A_531 = arith.addi %parallel_loop3A_481, %parallel_loop3A_530 : i32
        %parallel_loop3A_532 = arith.constant 16 : i32
        %parallel_loop3A_533 = arith.muli %parallel_loop3A_531, %parallel_loop3A_532 : i32
        %parallel_loop3A_534 = arith.constant 2 : i32
        %parallel_loop3A_535 = arith.index_cast %parallel_loop3A_534 : i32 to index
        %parallel_loop3A_536 = arith.index_cast %parallel_loop3A_533 : i32 to index
        %parallel_loop3A_537 = tpu.vector_load %arg8[%parallel_loop3A_535, %parallel_loop3A_536] {strides = array<i32>} : memref<4x4096xf32, #tpu.memory_space<vmem>>, vector<16xf32>,
        %parallel_loop3A_538 = arith.mulf %parallel_loop3A_537, %parallel_loop3A_537 : vector<16xf32>
        %parallel_loop3A_539 = arith.addf %parallel_loop3A_486, %parallel_loop3A_538 : vector<16xf32>
        %parallel_loop3A_540 = arith.constant 5 : i32
        %parallel_loop3A_541 = arith.addi %parallel_loop3A_481, %parallel_loop3A_540 : i32
        %parallel_loop3A_542 = arith.constant 16 : i32
        %parallel_loop3A_543 = arith.muli %parallel_loop3A_541, %parallel_loop3A_542 : i32
        %parallel_loop3A_544 = arith.constant 2 : i32
        %parallel_loop3A_545 = arith.index_cast %parallel_loop3A_544 : i32 to index
        %parallel_loop3A_546 = arith.index_cast %parallel_loop3A_543 : i32 to index
        %parallel_loop3A_547 = tpu.vector_load %arg8[%parallel_loop3A_545, %parallel_loop3A_546] {strides = array<i32>} : memref<4x4096xf32, #tpu.memory_space<vmem>>, vector<16xf32>,
        %parallel_loop3A_548 = arith.mulf %parallel_loop3A_547, %parallel_loop3A_547 : vector<16xf32>
        %parallel_loop3A_549 = arith.addf %parallel_loop3A_487, %parallel_loop3A_548 : vector<16xf32>
        %parallel_loop3A_550 = arith.constant 6 : i32
        %parallel_loop3A_551 = arith.addi %parallel_loop3A_481, %parallel_loop3A_550 : i32
        %parallel_loop3A_552 = arith.constant 16 : i32
        %parallel_loop3A_553 = arith.muli %parallel_loop3A_551, %parallel_loop3A_552 : i32
        %parallel_loop3A_554 = arith.constant 2 : i32
        %parallel_loop3A_555 = arith.index_cast %parallel_loop3A_554 : i32 to index
        %parallel_loop3A_556 = arith.index_cast %parallel_loop3A_553 : i32 to index
        %parallel_loop3A_557 = tpu.vector_load %arg8[%parallel_loop3A_555, %parallel_loop3A_556] {strides = array<i32>} : memref<4x4096xf32, #tpu.memory_space<vmem>>, vector<16xf32>,
        %parallel_loop3A_558 = arith.mulf %parallel_loop3A_557, %parallel_loop3A_557 : vector<16xf32>
        %parallel_loop3A_559 = arith.addf %parallel_loop3A_488, %parallel_loop3A_558 : vector<16xf32>
        %parallel_loop3A_560 = arith.constant 7 : i32
        %parallel_loop3A_561 = arith.addi %parallel_loop3A_481, %parallel_loop3A_560 : i32
        %parallel_loop3A_562 = arith.constant 16 : i32
        %parallel_loop3A_563 = arith.muli %parallel_loop3A_561, %parallel_loop3A_562 : i32
        %parallel_loop3A_564 = arith.constant 2 : i32
        %parallel_loop3A_565 = arith.index_cast %parallel_loop3A_564 : i32 to index
        %parallel_loop3A_566 = arith.index_cast %parallel_loop3A_563 : i32 to index
        %parallel_loop3A_567 = tpu.vector_load %arg8[%parallel_loop3A_565, %parallel_loop3A_566] {strides = array<i32>} : memref<4x4096xf32, #tpu.memory_space<vmem>>, vector<16xf32>,
        %parallel_loop3A_568 = arith.mulf %parallel_loop3A_567, %parallel_loop3A_567 : vector<16xf32>
        %parallel_loop3A_569 = arith.addf %parallel_loop3A_489, %parallel_loop3A_568 : vector<16xf32>
        scf.yield %parallel_loop3A_499, %parallel_loop3A_509, %parallel_loop3A_519, %parallel_loop3A_529, %parallel_loop3A_539, %parallel_loop3A_549, %parallel_loop3A_559, %parallel_loop3A_569 : vector<16xf32>, vector<16xf32>, vector<16xf32>, vector<16xf32>, vector<16xf32>, vector<16xf32>, vector<16xf32>, vector<16xf32>
      } {sc.loop_unroll_factor = 2 : i64, sc.parallel_access}
      %add3A_215 = arith.addf %parallel_loop3A_214#0, %parallel_loop3A_214#1 : vector<16xf32>
      %add3A_216 = arith.addf %add3A_215, %parallel_loop3A_214#2 : vector<16xf32>
      %add3A_217 = arith.addf %add3A_216, %parallel_loop3A_214#3 : vector<16xf32>
      %add3A_218 = arith.addf %add3A_217, %parallel_loop3A_214#4 : vector<16xf32>
      %add3A_219 = arith.addf %add3A_218, %parallel_loop3A_214#5 : vector<16xf32>
      %add3A_220 = arith.addf %add3A_219, %parallel_loop3A_214#6 : vector<16xf32>
      %add3A_221 = arith.addf %add3A_220, %parallel_loop3A_214#7 : vector<16xf32>
      %broadcast_in_dim3A_222 = arith.constant true
      %broadcast_in_dim3A_223 = vector.broadcast %broadcast_in_dim3A_222 : i1 to vector<16xi1>
      %masked_cumsum3A_224 = tpu.scan <sum>, %add3A_221 masked %broadcast_in_dim3A_223 : vector<16xf32>, vector<16xi1> -> vector<16xf32>
      %slice3A_225 = vector.extract_strided_slice %masked_cumsum3A_224 {offsets = [15], sizes = [1], strides = [1]} : vector<16xf32> to vector<1xf32>
      %squeeze3A_226 = vector.extract %slice3A_225[0] : f32 from vector<1xf32>
      %mul3A_227 = arith.mulf %squeeze3A_226, %scan3A : f32
      %eq3A_228 = arith.constant 6 : i32
      %eq3A_229 = vector.broadcast %eq3A_228 : i32 to vector<16xi32>
      %eq3A_230 = arith.cmpi eq, %iota3A, %eq3A_229 : vector<16xi32>
      %broadcast_in_dim3A_231 = vector.broadcast %mul3A_227 : f32 to vector<16xf32>
      %select_n3A_232 = arith.select %eq3A_230, %broadcast_in_dim3A_231, %select_n3A_210 : vector<16xi1>, vector<16xf32>
      %parallel_loop3A_233 = arith.constant 0 : i32
      %parallel_loop3A_234 = arith.constant 256 : i32
      %parallel_loop3A_235 = arith.constant 8 : i32
      %parallel_loop3A_236:8 = scf.for %parallel_loop3A_481 = %parallel_loop3A_233 to %parallel_loop3A_234 step %parallel_loop3A_235 iter_args(%parallel_loop3A_482 = %broadcast_in_dim3A_5, %parallel_loop3A_483 = %broadcast_in_dim3A_7, %parallel_loop3A_484 = %broadcast_in_dim3A_9, %parallel_loop3A_485 = %broadcast_in_dim3A_11, %parallel_loop3A_486 = %broadcast_in_dim3A_13, %parallel_loop3A_487 = %broadcast_in_dim3A_15, %parallel_loop3A_488 = %broadcast_in_dim3A_17, %parallel_loop3A_489 = %broadcast_in_dim3A_19) -> (vector<16xf32>, vector<16xf32>, vector<16xf32>, vector<16xf32>, vector<16xf32>, vector<16xf32>, vector<16xf32>, vector<16xf32>)  : i32 {
        %parallel_loop3A_490 = arith.constant 0 : i32
        %parallel_loop3A_491 = arith.addi %parallel_loop3A_481, %parallel_loop3A_490 : i32
        %parallel_loop3A_492 = arith.constant 16 : i32
        %parallel_loop3A_493 = arith.muli %parallel_loop3A_491, %parallel_loop3A_492 : i32
        %parallel_loop3A_494 = arith.constant 3 : i32
        %parallel_loop3A_495 = arith.index_cast %parallel_loop3A_494 : i32 to index
        %parallel_loop3A_496 = arith.index_cast %parallel_loop3A_493 : i32 to index
        %parallel_loop3A_497 = tpu.vector_load %arg8[%parallel_loop3A_495, %parallel_loop3A_496] {strides = array<i32>} : memref<4x4096xf32, #tpu.memory_space<vmem>>, vector<16xf32>,
        %parallel_loop3A_498 = arith.mulf %parallel_loop3A_497, %parallel_loop3A_497 : vector<16xf32>
        %parallel_loop3A_499 = arith.addf %parallel_loop3A_482, %parallel_loop3A_498 : vector<16xf32>
        %parallel_loop3A_500 = arith.constant 1 : i32
        %parallel_loop3A_501 = arith.addi %parallel_loop3A_481, %parallel_loop3A_500 : i32
        %parallel_loop3A_502 = arith.constant 16 : i32
        %parallel_loop3A_503 = arith.muli %parallel_loop3A_501, %parallel_loop3A_502 : i32
        %parallel_loop3A_504 = arith.constant 3 : i32
        %parallel_loop3A_505 = arith.index_cast %parallel_loop3A_504 : i32 to index
        %parallel_loop3A_506 = arith.index_cast %parallel_loop3A_503 : i32 to index
        %parallel_loop3A_507 = tpu.vector_load %arg8[%parallel_loop3A_505, %parallel_loop3A_506] {strides = array<i32>} : memref<4x4096xf32, #tpu.memory_space<vmem>>, vector<16xf32>,
        %parallel_loop3A_508 = arith.mulf %parallel_loop3A_507, %parallel_loop3A_507 : vector<16xf32>
        %parallel_loop3A_509 = arith.addf %parallel_loop3A_483, %parallel_loop3A_508 : vector<16xf32>
        %parallel_loop3A_510 = arith.constant 2 : i32
        %parallel_loop3A_511 = arith.addi %parallel_loop3A_481, %parallel_loop3A_510 : i32
        %parallel_loop3A_512 = arith.constant 16 : i32
        %parallel_loop3A_513 = arith.muli %parallel_loop3A_511, %parallel_loop3A_512 : i32
        %parallel_loop3A_514 = arith.constant 3 : i32
        %parallel_loop3A_515 = arith.index_cast %parallel_loop3A_514 : i32 to index
        %parallel_loop3A_516 = arith.index_cast %parallel_loop3A_513 : i32 to index
        %parallel_loop3A_517 = tpu.vector_load %arg8[%parallel_loop3A_515, %parallel_loop3A_516] {strides = array<i32>} : memref<4x4096xf32, #tpu.memory_space<vmem>>, vector<16xf32>,
        %parallel_loop3A_518 = arith.mulf %parallel_loop3A_517, %parallel_loop3A_517 : vector<16xf32>
        %parallel_loop3A_519 = arith.addf %parallel_loop3A_484, %parallel_loop3A_518 : vector<16xf32>
        %parallel_loop3A_520 = arith.constant 3 : i32
        %parallel_loop3A_521 = arith.addi %parallel_loop3A_481, %parallel_loop3A_520 : i32
        %parallel_loop3A_522 = arith.constant 16 : i32
        %parallel_loop3A_523 = arith.muli %parallel_loop3A_521, %parallel_loop3A_522 : i32
        %parallel_loop3A_524 = arith.constant 3 : i32
        %parallel_loop3A_525 = arith.index_cast %parallel_loop3A_524 : i32 to index
        %parallel_loop3A_526 = arith.index_cast %parallel_loop3A_523 : i32 to index
        %parallel_loop3A_527 = tpu.vector_load %arg8[%parallel_loop3A_525, %parallel_loop3A_526] {strides = array<i32>} : memref<4x4096xf32, #tpu.memory_space<vmem>>, vector<16xf32>,
        %parallel_loop3A_528 = arith.mulf %parallel_loop3A_527, %parallel_loop3A_527 : vector<16xf32>
        %parallel_loop3A_529 = arith.addf %parallel_loop3A_485, %parallel_loop3A_528 : vector<16xf32>
        %parallel_loop3A_530 = arith.constant 4 : i32
        %parallel_loop3A_531 = arith.addi %parallel_loop3A_481, %parallel_loop3A_530 : i32
        %parallel_loop3A_532 = arith.constant 16 : i32
        %parallel_loop3A_533 = arith.muli %parallel_loop3A_531, %parallel_loop3A_532 : i32
        %parallel_loop3A_534 = arith.constant 3 : i32
        %parallel_loop3A_535 = arith.index_cast %parallel_loop3A_534 : i32 to index
        %parallel_loop3A_536 = arith.index_cast %parallel_loop3A_533 : i32 to index
        %parallel_loop3A_537 = tpu.vector_load %arg8[%parallel_loop3A_535, %parallel_loop3A_536] {strides = array<i32>} : memref<4x4096xf32, #tpu.memory_space<vmem>>, vector<16xf32>,
        %parallel_loop3A_538 = arith.mulf %parallel_loop3A_537, %parallel_loop3A_537 : vector<16xf32>
        %parallel_loop3A_539 = arith.addf %parallel_loop3A_486, %parallel_loop3A_538 : vector<16xf32>
        %parallel_loop3A_540 = arith.constant 5 : i32
        %parallel_loop3A_541 = arith.addi %parallel_loop3A_481, %parallel_loop3A_540 : i32
        %parallel_loop3A_542 = arith.constant 16 : i32
        %parallel_loop3A_543 = arith.muli %parallel_loop3A_541, %parallel_loop3A_542 : i32
        %parallel_loop3A_544 = arith.constant 3 : i32
        %parallel_loop3A_545 = arith.index_cast %parallel_loop3A_544 : i32 to index
        %parallel_loop3A_546 = arith.index_cast %parallel_loop3A_543 : i32 to index
        %parallel_loop3A_547 = tpu.vector_load %arg8[%parallel_loop3A_545, %parallel_loop3A_546] {strides = array<i32>} : memref<4x4096xf32, #tpu.memory_space<vmem>>, vector<16xf32>,
        %parallel_loop3A_548 = arith.mulf %parallel_loop3A_547, %parallel_loop3A_547 : vector<16xf32>
        %parallel_loop3A_549 = arith.addf %parallel_loop3A_487, %parallel_loop3A_548 : vector<16xf32>
        %parallel_loop3A_550 = arith.constant 6 : i32
        %parallel_loop3A_551 = arith.addi %parallel_loop3A_481, %parallel_loop3A_550 : i32
        %parallel_loop3A_552 = arith.constant 16 : i32
        %parallel_loop3A_553 = arith.muli %parallel_loop3A_551, %parallel_loop3A_552 : i32
        %parallel_loop3A_554 = arith.constant 3 : i32
        %parallel_loop3A_555 = arith.index_cast %parallel_loop3A_554 : i32 to index
        %parallel_loop3A_556 = arith.index_cast %parallel_loop3A_553 : i32 to index
        %parallel_loop3A_557 = tpu.vector_load %arg8[%parallel_loop3A_555, %parallel_loop3A_556] {strides = array<i32>} : memref<4x4096xf32, #tpu.memory_space<vmem>>, vector<16xf32>,
        %parallel_loop3A_558 = arith.mulf %parallel_loop3A_557, %parallel_loop3A_557 : vector<16xf32>
        %parallel_loop3A_559 = arith.addf %parallel_loop3A_488, %parallel_loop3A_558 : vector<16xf32>
        %parallel_loop3A_560 = arith.constant 7 : i32
        %parallel_loop3A_561 = arith.addi %parallel_loop3A_481, %parallel_loop3A_560 : i32
        %parallel_loop3A_562 = arith.constant 16 : i32
        %parallel_loop3A_563 = arith.muli %parallel_loop3A_561, %parallel_loop3A_562 : i32
        %parallel_loop3A_564 = arith.constant 3 : i32
        %parallel_loop3A_565 = arith.index_cast %parallel_loop3A_564 : i32 to index
        %parallel_loop3A_566 = arith.index_cast %parallel_loop3A_563 : i32 to index
        %parallel_loop3A_567 = tpu.vector_load %arg8[%parallel_loop3A_565, %parallel_loop3A_566] {strides = array<i32>} : memref<4x4096xf32, #tpu.memory_space<vmem>>, vector<16xf32>,
        %parallel_loop3A_568 = arith.mulf %parallel_loop3A_567, %parallel_loop3A_567 : vector<16xf32>
        %parallel_loop3A_569 = arith.addf %parallel_loop3A_489, %parallel_loop3A_568 : vector<16xf32>
        scf.yield %parallel_loop3A_499, %parallel_loop3A_509, %parallel_loop3A_519, %parallel_loop3A_529, %parallel_loop3A_539, %parallel_loop3A_549, %parallel_loop3A_559, %parallel_loop3A_569 : vector<16xf32>, vector<16xf32>, vector<16xf32>, vector<16xf32>, vector<16xf32>, vector<16xf32>, vector<16xf32>, vector<16xf32>
      } {sc.loop_unroll_factor = 2 : i64, sc.parallel_access}
      %add3A_237 = arith.addf %parallel_loop3A_236#0, %parallel_loop3A_236#1 : vector<16xf32>
      %add3A_238 = arith.addf %add3A_237, %parallel_loop3A_236#2 : vector<16xf32>
      %add3A_239 = arith.addf %add3A_238, %parallel_loop3A_236#3 : vector<16xf32>
      %add3A_240 = arith.addf %add3A_239, %parallel_loop3A_236#4 : vector<16xf32>
      %add3A_241 = arith.addf %add3A_240, %parallel_loop3A_236#5 : vector<16xf32>
      %add3A_242 = arith.addf %add3A_241, %parallel_loop3A_236#6 : vector<16xf32>
      %add3A_243 = arith.addf %add3A_242, %parallel_loop3A_236#7 : vector<16xf32>
      %broadcast_in_dim3A_244 = arith.constant true
      %broadcast_in_dim3A_245 = vector.broadcast %broadcast_in_dim3A_244 : i1 to vector<16xi1>
      %masked_cumsum3A_246 = tpu.scan <sum>, %add3A_243 masked %broadcast_in_dim3A_245 : vector<16xf32>, vector<16xi1> -> vector<16xf32>
      %slice3A_247 = vector.extract_strided_slice %masked_cumsum3A_246 {offsets = [15], sizes = [1], strides = [1]} : vector<16xf32> to vector<1xf32>
      %squeeze3A_248 = vector.extract %slice3A_247[0] : f32 from vector<1xf32>
      %mul3A_249 = arith.mulf %squeeze3A_248, %scan3A : f32
      %eq3A_250 = arith.constant 7 : i32
      %eq3A_251 = vector.broadcast %eq3A_250 : i32 to vector<16xi32>
      %eq3A_252 = arith.cmpi eq, %iota3A, %eq3A_251 : vector<16xi32>
      %broadcast_in_dim3A_253 = vector.broadcast %mul3A_249 : f32 to vector<16xf32>
      %select_n3A_254 = arith.select %eq3A_252, %broadcast_in_dim3A_253, %select_n3A_232 : vector<16xi1>, vector<16xf32>
      %mul3A_255 = arith.constant 4 : i32
      %mul3A_256 = arith.muli %scan3A_39, %mul3A_255 : i32
      %add3A_257 = arith.constant 2 : i32
      %add3A_258 = arith.addi %mul3A_256, %add3A_257 : i32
      %dma_wait3A_259 = arith.constant 0 : i32
      %dma_wait3A_260 = arith.constant 0 : i32
      %dma_wait3A_261 = tpu.memref_slice %arg2[%dma_wait3A_259, %dma_wait3A_260] : memref<16384x4096xf32, #tpu.memory_space<hbm>> -> memref<4x4096xf32, #tpu.memory_space<hbm>>
      %dma_wait3A_262 = arith.constant 0 : i32
      %dma_wait3A_263 = arith.constant 0 : i32
      %dma_wait3A_264 = tpu.memref_slice %arg2[%dma_wait3A_262, %dma_wait3A_263] : memref<16384x4096xf32, #tpu.memory_space<hbm>> -> memref<4x4096xf32, #tpu.memory_space<hbm>>
      tpu.wait_dma2 semaphore(%arg12 : memref<!tpu.dma_semaphore, #tpu.memory_space<semaphore_mem>>) src(%dma_wait3A_264 : memref<4x4096xf32, #tpu.memory_space<hbm>>) dst(%arg7 : memref<4x4096xf32, #tpu.memory_space<vmem>>)
      %dma_wait3A_265 = arith.constant 0 : i32
      %dma_wait3A_266 = arith.constant 0 : i32
      %dma_wait3A_267 = tpu.memref_slice %arg4[%dma_wait3A_265, %dma_wait3A_266] : memref<1000x4096xf32, #tpu.memory_space<hbm>> -> memref<4x4096xf32, #tpu.memory_space<hbm>>
      %dma_wait3A_268 = arith.constant 0 : i32
      %dma_wait3A_269 = arith.constant 0 : i32
      %dma_wait3A_270 = tpu.memref_slice %arg4[%dma_wait3A_268, %dma_wait3A_269] : memref<1000x4096xf32, #tpu.memory_space<hbm>> -> memref<4x4096xf32, #tpu.memory_space<hbm>>
      tpu.wait_dma2 semaphore(%arg14 : memref<!tpu.dma_semaphore, #tpu.memory_space<semaphore_mem>>) src(%dma_wait3A_270 : memref<4x4096xf32, #tpu.memory_space<hbm>>) dst(%arg9 : memref<4x4096xf32, #tpu.memory_space<vmem>>)
      %add3A_271 = arith.constant 1 : i32
      %add3A_272 = arith.addi %add3A_258, %add3A_271 : i32
      %lt3A_273 = arith.constant 128 : i32
      %lt3A_274 = arith.cmpi slt, %add3A_272, %lt3A_273 : i32
      %convert_element_type3A_275 = arith.extui %lt3A_274 : i1 to i32
      %cond3A_276 = arith.constant 0 : i32
      %cond3A_277 = arith.cmpi ne, %convert_element_type3A_275, %cond3A_276 : i32
      scf.if %cond3A_277 {
        %add3A_481 = arith.constant 1 : i32
        %add3A_482 = arith.addi %add3A_258, %add3A_481 : i32
        %mul3A_483 = arith.constant 4 : i32
        %mul3A_484 = arith.muli %add3A_482, %mul3A_483 : i32
        %add3A_485 = arith.addi %mul3A_2, %mul3A_484 : i32
        %dma_start3A_486 = arith.constant 0 : i32
        %dma_start3A_487 = tpu.memref_slice %arg2[%add3A_485, %dma_start3A_486] : memref<16384x4096xf32, #tpu.memory_space<hbm>> -> memref<4x4096xf32, #tpu.memory_space<hbm>>
        %dma_start3A_488 = arith.constant 0 : i32
        %dma_start3A_489 = tpu.memref_slice %arg2[%add3A_485, %dma_start3A_488] : memref<16384x4096xf32, #tpu.memory_space<hbm>> -> memref<4x4096xf32, #tpu.memory_space<hbm>>
        tpu.enqueue_dma source(%dma_start3A_489 : memref<4x4096xf32, #tpu.memory_space<hbm>>) target(%arg8 : memref<4x4096xf32, #tpu.memory_space<vmem>>) target_semaphore(%arg13 : memref<!tpu.dma_semaphore, #tpu.memory_space<semaphore_mem>>)
        %dma_start3A_490 = arith.constant 0 : i32
        %dma_start3A_491 = tpu.memref_slice %arg6[%add3A_482, %dma_start3A_490] : memref<128x4xi32, #tpu.memory_space<vmem>> -> memref<1x4xi32, #tpu.memory_space<vmem>>
        %dma_start3A_492 = tpu.memref_squeeze %dma_start3A_491 : memref<1x4xi32, #tpu.memory_space<vmem>> -> memref<4xi32, #tpu.memory_space<vmem>>
        %dma_start3A_493 = arith.constant 0 : i32
        %dma_start3A_494 = arith.constant 0 : i32
        %dma_start3A_495 = tpu.memref_slice %arg4[%dma_start3A_493, %dma_start3A_494] : memref<1000x4096xf32, #tpu.memory_space<hbm>> -> memref<1000x4096xf32, #tpu.memory_space<hbm>>
        tpu.enqueue_indirect_dma source(%dma_start3A_495 : memref<1000x4096xf32, #tpu.memory_space<hbm>>) target(%arg10 : memref<4x4096xf32, #tpu.memory_space<vmem>>) offsets(%dma_start3A_492 : memref<4xi32, #tpu.memory_space<vmem>>) semaphore(%arg15 : memref<!tpu.dma_semaphore, #tpu.memory_space<semaphore_mem>>)
      } else {
      }
      %parallel_loop3A_278 = arith.constant 0 : i32
      %parallel_loop3A_279 = arith.constant 256 : i32
      %parallel_loop3A_280 = arith.constant 8 : i32
      %parallel_loop3A_281:8 = scf.for %parallel_loop3A_481 = %parallel_loop3A_278 to %parallel_loop3A_279 step %parallel_loop3A_280 iter_args(%parallel_loop3A_482 = %broadcast_in_dim3A_5, %parallel_loop3A_483 = %broadcast_in_dim3A_7, %parallel_loop3A_484 = %broadcast_in_dim3A_9, %parallel_loop3A_485 = %broadcast_in_dim3A_11, %parallel_loop3A_486 = %broadcast_in_dim3A_13, %parallel_loop3A_487 = %broadcast_in_dim3A_15, %parallel_loop3A_488 = %broadcast_in_dim3A_17, %parallel_loop3A_489 = %broadcast_in_dim3A_19) -> (vector<16xf32>, vector<16xf32>, vector<16xf32>, vector<16xf32>, vector<16xf32>, vector<16xf32>, vector<16xf32>, vector<16xf32>)  : i32 {
        %parallel_loop3A_490 = arith.constant 0 : i32
        %parallel_loop3A_491 = arith.addi %parallel_loop3A_481, %parallel_loop3A_490 : i32
        %parallel_loop3A_492 = arith.constant 16 : i32
        %parallel_loop3A_493 = arith.muli %parallel_loop3A_491, %parallel_loop3A_492 : i32
        %parallel_loop3A_494 = arith.constant 0 : i32
        %parallel_loop3A_495 = arith.index_cast %parallel_loop3A_494 : i32 to index
        %parallel_loop3A_496 = arith.index_cast %parallel_loop3A_493 : i32 to index
        %parallel_loop3A_497 = tpu.vector_load %arg7[%parallel_loop3A_495, %parallel_loop3A_496] {strides = array<i32>} : memref<4x4096xf32, #tpu.memory_space<vmem>>, vector<16xf32>,
        %parallel_loop3A_498 = arith.mulf %parallel_loop3A_497, %parallel_loop3A_497 : vector<16xf32>
        %parallel_loop3A_499 = arith.addf %parallel_loop3A_482, %parallel_loop3A_498 : vector<16xf32>
        %parallel_loop3A_500 = arith.constant 1 : i32
        %parallel_loop3A_501 = arith.addi %parallel_loop3A_481, %parallel_loop3A_500 : i32
        %parallel_loop3A_502 = arith.constant 16 : i32
        %parallel_loop3A_503 = arith.muli %parallel_loop3A_501, %parallel_loop3A_502 : i32
        %parallel_loop3A_504 = arith.constant 0 : i32
        %parallel_loop3A_505 = arith.index_cast %parallel_loop3A_504 : i32 to index
        %parallel_loop3A_506 = arith.index_cast %parallel_loop3A_503 : i32 to index
        %parallel_loop3A_507 = tpu.vector_load %arg7[%parallel_loop3A_505, %parallel_loop3A_506] {strides = array<i32>} : memref<4x4096xf32, #tpu.memory_space<vmem>>, vector<16xf32>,
        %parallel_loop3A_508 = arith.mulf %parallel_loop3A_507, %parallel_loop3A_507 : vector<16xf32>
        %parallel_loop3A_509 = arith.addf %parallel_loop3A_483, %parallel_loop3A_508 : vector<16xf32>
        %parallel_loop3A_510 = arith.constant 2 : i32
        %parallel_loop3A_511 = arith.addi %parallel_loop3A_481, %parallel_loop3A_510 : i32
        %parallel_loop3A_512 = arith.constant 16 : i32
        %parallel_loop3A_513 = arith.muli %parallel_loop3A_511, %parallel_loop3A_512 : i32
        %parallel_loop3A_514 = arith.constant 0 : i32
        %parallel_loop3A_515 = arith.index_cast %parallel_loop3A_514 : i32 to index
        %parallel_loop3A_516 = arith.index_cast %parallel_loop3A_513 : i32 to index
        %parallel_loop3A_517 = tpu.vector_load %arg7[%parallel_loop3A_515, %parallel_loop3A_516] {strides = array<i32>} : memref<4x4096xf32, #tpu.memory_space<vmem>>, vector<16xf32>,
        %parallel_loop3A_518 = arith.mulf %parallel_loop3A_517, %parallel_loop3A_517 : vector<16xf32>
        %parallel_loop3A_519 = arith.addf %parallel_loop3A_484, %parallel_loop3A_518 : vector<16xf32>
        %parallel_loop3A_520 = arith.constant 3 : i32
        %parallel_loop3A_521 = arith.addi %parallel_loop3A_481, %parallel_loop3A_520 : i32
        %parallel_loop3A_522 = arith.constant 16 : i32
        %parallel_loop3A_523 = arith.muli %parallel_loop3A_521, %parallel_loop3A_522 : i32
        %parallel_loop3A_524 = arith.constant 0 : i32
        %parallel_loop3A_525 = arith.index_cast %parallel_loop3A_524 : i32 to index
        %parallel_loop3A_526 = arith.index_cast %parallel_loop3A_523 : i32 to index
        %parallel_loop3A_527 = tpu.vector_load %arg7[%parallel_loop3A_525, %parallel_loop3A_526] {strides = array<i32>} : memref<4x4096xf32, #tpu.memory_space<vmem>>, vector<16xf32>,
        %parallel_loop3A_528 = arith.mulf %parallel_loop3A_527, %parallel_loop3A_527 : vector<16xf32>
        %parallel_loop3A_529 = arith.addf %parallel_loop3A_485, %parallel_loop3A_528 : vector<16xf32>
        %parallel_loop3A_530 = arith.constant 4 : i32
        %parallel_loop3A_531 = arith.addi %parallel_loop3A_481, %parallel_loop3A_530 : i32
        %parallel_loop3A_532 = arith.constant 16 : i32
        %parallel_loop3A_533 = arith.muli %parallel_loop3A_531, %parallel_loop3A_532 : i32
        %parallel_loop3A_534 = arith.constant 0 : i32
        %parallel_loop3A_535 = arith.index_cast %parallel_loop3A_534 : i32 to index
        %parallel_loop3A_536 = arith.index_cast %parallel_loop3A_533 : i32 to index
        %parallel_loop3A_537 = tpu.vector_load %arg7[%parallel_loop3A_535, %parallel_loop3A_536] {strides = array<i32>} : memref<4x4096xf32, #tpu.memory_space<vmem>>, vector<16xf32>,
        %parallel_loop3A_538 = arith.mulf %parallel_loop3A_537, %parallel_loop3A_537 : vector<16xf32>
        %parallel_loop3A_539 = arith.addf %parallel_loop3A_486, %parallel_loop3A_538 : vector<16xf32>
        %parallel_loop3A_540 = arith.constant 5 : i32
        %parallel_loop3A_541 = arith.addi %parallel_loop3A_481, %parallel_loop3A_540 : i32
        %parallel_loop3A_542 = arith.constant 16 : i32
        %parallel_loop3A_543 = arith.muli %parallel_loop3A_541, %parallel_loop3A_542 : i32
        %parallel_loop3A_544 = arith.constant 0 : i32
        %parallel_loop3A_545 = arith.index_cast %parallel_loop3A_544 : i32 to index
        %parallel_loop3A_546 = arith.index_cast %parallel_loop3A_543 : i32 to index
        %parallel_loop3A_547 = tpu.vector_load %arg7[%parallel_loop3A_545, %parallel_loop3A_546] {strides = array<i32>} : memref<4x4096xf32, #tpu.memory_space<vmem>>, vector<16xf32>,
        %parallel_loop3A_548 = arith.mulf %parallel_loop3A_547, %parallel_loop3A_547 : vector<16xf32>
        %parallel_loop3A_549 = arith.addf %parallel_loop3A_487, %parallel_loop3A_548 : vector<16xf32>
        %parallel_loop3A_550 = arith.constant 6 : i32
        %parallel_loop3A_551 = arith.addi %parallel_loop3A_481, %parallel_loop3A_550 : i32
        %parallel_loop3A_552 = arith.constant 16 : i32
        %parallel_loop3A_553 = arith.muli %parallel_loop3A_551, %parallel_loop3A_552 : i32
        %parallel_loop3A_554 = arith.constant 0 : i32
        %parallel_loop3A_555 = arith.index_cast %parallel_loop3A_554 : i32 to index
        %parallel_loop3A_556 = arith.index_cast %parallel_loop3A_553 : i32 to index
        %parallel_loop3A_557 = tpu.vector_load %arg7[%parallel_loop3A_555, %parallel_loop3A_556] {strides = array<i32>} : memref<4x4096xf32, #tpu.memory_space<vmem>>, vector<16xf32>,
        %parallel_loop3A_558 = arith.mulf %parallel_loop3A_557, %parallel_loop3A_557 : vector<16xf32>
        %parallel_loop3A_559 = arith.addf %parallel_loop3A_488, %parallel_loop3A_558 : vector<16xf32>
        %parallel_loop3A_560 = arith.constant 7 : i32
        %parallel_loop3A_561 = arith.addi %parallel_loop3A_481, %parallel_loop3A_560 : i32
        %parallel_loop3A_562 = arith.constant 16 : i32
        %parallel_loop3A_563 = arith.muli %parallel_loop3A_561, %parallel_loop3A_562 : i32
        %parallel_loop3A_564 = arith.constant 0 : i32
        %parallel_loop3A_565 = arith.index_cast %parallel_loop3A_564 : i32 to index
        %parallel_loop3A_566 = arith.index_cast %parallel_loop3A_563 : i32 to index
        %parallel_loop3A_567 = tpu.vector_load %arg7[%parallel_loop3A_565, %parallel_loop3A_566] {strides = array<i32>} : memref<4x4096xf32, #tpu.memory_space<vmem>>, vector<16xf32>,
        %parallel_loop3A_568 = arith.mulf %parallel_loop3A_567, %parallel_loop3A_567 : vector<16xf32>
        %parallel_loop3A_569 = arith.addf %parallel_loop3A_489, %parallel_loop3A_568 : vector<16xf32>
        scf.yield %parallel_loop3A_499, %parallel_loop3A_509, %parallel_loop3A_519, %parallel_loop3A_529, %parallel_loop3A_539, %parallel_loop3A_549, %parallel_loop3A_559, %parallel_loop3A_569 : vector<16xf32>, vector<16xf32>, vector<16xf32>, vector<16xf32>, vector<16xf32>, vector<16xf32>, vector<16xf32>, vector<16xf32>
      } {sc.loop_unroll_factor = 2 : i64, sc.parallel_access}
      %add3A_282 = arith.addf %parallel_loop3A_281#0, %parallel_loop3A_281#1 : vector<16xf32>
      %add3A_283 = arith.addf %add3A_282, %parallel_loop3A_281#2 : vector<16xf32>
      %add3A_284 = arith.addf %add3A_283, %parallel_loop3A_281#3 : vector<16xf32>
      %add3A_285 = arith.addf %add3A_284, %parallel_loop3A_281#4 : vector<16xf32>
      %add3A_286 = arith.addf %add3A_285, %parallel_loop3A_281#5 : vector<16xf32>
      %add3A_287 = arith.addf %add3A_286, %parallel_loop3A_281#6 : vector<16xf32>
      %add3A_288 = arith.addf %add3A_287, %parallel_loop3A_281#7 : vector<16xf32>
      %broadcast_in_dim3A_289 = arith.constant true
      %broadcast_in_dim3A_290 = vector.broadcast %broadcast_in_dim3A_289 : i1 to vector<16xi1>
      %masked_cumsum3A_291 = tpu.scan <sum>, %add3A_288 masked %broadcast_in_dim3A_290 : vector<16xf32>, vector<16xi1> -> vector<16xf32>
      %slice3A_292 = vector.extract_strided_slice %masked_cumsum3A_291 {offsets = [15], sizes = [1], strides = [1]} : vector<16xf32> to vector<1xf32>
      %squeeze3A_293 = vector.extract %slice3A_292[0] : f32 from vector<1xf32>
      %mul3A_294 = arith.mulf %squeeze3A_293, %scan3A : f32
      %eq3A_295 = arith.constant 8 : i32
      %eq3A_296 = vector.broadcast %eq3A_295 : i32 to vector<16xi32>
      %eq3A_297 = arith.cmpi eq, %iota3A, %eq3A_296 : vector<16xi32>
      %broadcast_in_dim3A_298 = vector.broadcast %mul3A_294 : f32 to vector<16xf32>
      %select_n3A_299 = arith.select %eq3A_297, %broadcast_in_dim3A_298, %select_n3A_254 : vector<16xi1>, vector<16xf32>
      %parallel_loop3A_300 = arith.constant 0 : i32
      %parallel_loop3A_301 = arith.constant 256 : i32
      %parallel_loop3A_302 = arith.constant 8 : i32
      %parallel_loop3A_303:8 = scf.for %parallel_loop3A_481 = %parallel_loop3A_300 to %parallel_loop3A_301 step %parallel_loop3A_302 iter_args(%parallel_loop3A_482 = %broadcast_in_dim3A_5, %parallel_loop3A_483 = %broadcast_in_dim3A_7, %parallel_loop3A_484 = %broadcast_in_dim3A_9, %parallel_loop3A_485 = %broadcast_in_dim3A_11, %parallel_loop3A_486 = %broadcast_in_dim3A_13, %parallel_loop3A_487 = %broadcast_in_dim3A_15, %parallel_loop3A_488 = %broadcast_in_dim3A_17, %parallel_loop3A_489 = %broadcast_in_dim3A_19) -> (vector<16xf32>, vector<16xf32>, vector<16xf32>, vector<16xf32>, vector<16xf32>, vector<16xf32>, vector<16xf32>, vector<16xf32>)  : i32 {
        %parallel_loop3A_490 = arith.constant 0 : i32
        %parallel_loop3A_491 = arith.addi %parallel_loop3A_481, %parallel_loop3A_490 : i32
        %parallel_loop3A_492 = arith.constant 16 : i32
        %parallel_loop3A_493 = arith.muli %parallel_loop3A_491, %parallel_loop3A_492 : i32
        %parallel_loop3A_494 = arith.constant 1 : i32
        %parallel_loop3A_495 = arith.index_cast %parallel_loop3A_494 : i32 to index
        %parallel_loop3A_496 = arith.index_cast %parallel_loop3A_493 : i32 to index
        %parallel_loop3A_497 = tpu.vector_load %arg7[%parallel_loop3A_495, %parallel_loop3A_496] {strides = array<i32>} : memref<4x4096xf32, #tpu.memory_space<vmem>>, vector<16xf32>,
        %parallel_loop3A_498 = arith.mulf %parallel_loop3A_497, %parallel_loop3A_497 : vector<16xf32>
        %parallel_loop3A_499 = arith.addf %parallel_loop3A_482, %parallel_loop3A_498 : vector<16xf32>
        %parallel_loop3A_500 = arith.constant 1 : i32
        %parallel_loop3A_501 = arith.addi %parallel_loop3A_481, %parallel_loop3A_500 : i32
        %parallel_loop3A_502 = arith.constant 16 : i32
        %parallel_loop3A_503 = arith.muli %parallel_loop3A_501, %parallel_loop3A_502 : i32
        %parallel_loop3A_504 = arith.constant 1 : i32
        %parallel_loop3A_505 = arith.index_cast %parallel_loop3A_504 : i32 to index
        %parallel_loop3A_506 = arith.index_cast %parallel_loop3A_503 : i32 to index
        %parallel_loop3A_507 = tpu.vector_load %arg7[%parallel_loop3A_505, %parallel_loop3A_506] {strides = array<i32>} : memref<4x4096xf32, #tpu.memory_space<vmem>>, vector<16xf32>,
        %parallel_loop3A_508 = arith.mulf %parallel_loop3A_507, %parallel_loop3A_507 : vector<16xf32>
        %parallel_loop3A_509 = arith.addf %parallel_loop3A_483, %parallel_loop3A_508 : vector<16xf32>
        %parallel_loop3A_510 = arith.constant 2 : i32
        %parallel_loop3A_511 = arith.addi %parallel_loop3A_481, %parallel_loop3A_510 : i32
        %parallel_loop3A_512 = arith.constant 16 : i32
        %parallel_loop3A_513 = arith.muli %parallel_loop3A_511, %parallel_loop3A_512 : i32
        %parallel_loop3A_514 = arith.constant 1 : i32
        %parallel_loop3A_515 = arith.index_cast %parallel_loop3A_514 : i32 to index
        %parallel_loop3A_516 = arith.index_cast %parallel_loop3A_513 : i32 to index
        %parallel_loop3A_517 = tpu.vector_load %arg7[%parallel_loop3A_515, %parallel_loop3A_516] {strides = array<i32>} : memref<4x4096xf32, #tpu.memory_space<vmem>>, vector<16xf32>,
        %parallel_loop3A_518 = arith.mulf %parallel_loop3A_517, %parallel_loop3A_517 : vector<16xf32>
        %parallel_loop3A_519 = arith.addf %parallel_loop3A_484, %parallel_loop3A_518 : vector<16xf32>
        %parallel_loop3A_520 = arith.constant 3 : i32
        %parallel_loop3A_521 = arith.addi %parallel_loop3A_481, %parallel_loop3A_520 : i32
        %parallel_loop3A_522 = arith.constant 16 : i32
        %parallel_loop3A_523 = arith.muli %parallel_loop3A_521, %parallel_loop3A_522 : i32
        %parallel_loop3A_524 = arith.constant 1 : i32
        %parallel_loop3A_525 = arith.index_cast %parallel_loop3A_524 : i32 to index
        %parallel_loop3A_526 = arith.index_cast %parallel_loop3A_523 : i32 to index
        %parallel_loop3A_527 = tpu.vector_load %arg7[%parallel_loop3A_525, %parallel_loop3A_526] {strides = array<i32>} : memref<4x4096xf32, #tpu.memory_space<vmem>>, vector<16xf32>,
        %parallel_loop3A_528 = arith.mulf %parallel_loop3A_527, %parallel_loop3A_527 : vector<16xf32>
        %parallel_loop3A_529 = arith.addf %parallel_loop3A_485, %parallel_loop3A_528 : vector<16xf32>
        %parallel_loop3A_530 = arith.constant 4 : i32
        %parallel_loop3A_531 = arith.addi %parallel_loop3A_481, %parallel_loop3A_530 : i32
        %parallel_loop3A_532 = arith.constant 16 : i32
        %parallel_loop3A_533 = arith.muli %parallel_loop3A_531, %parallel_loop3A_532 : i32
        %parallel_loop3A_534 = arith.constant 1 : i32
        %parallel_loop3A_535 = arith.index_cast %parallel_loop3A_534 : i32 to index
        %parallel_loop3A_536 = arith.index_cast %parallel_loop3A_533 : i32 to index
        %parallel_loop3A_537 = tpu.vector_load %arg7[%parallel_loop3A_535, %parallel_loop3A_536] {strides = array<i32>} : memref<4x4096xf32, #tpu.memory_space<vmem>>, vector<16xf32>,
        %parallel_loop3A_538 = arith.mulf %parallel_loop3A_537, %parallel_loop3A_537 : vector<16xf32>
        %parallel_loop3A_539 = arith.addf %parallel_loop3A_486, %parallel_loop3A_538 : vector<16xf32>
        %parallel_loop3A_540 = arith.constant 5 : i32
        %parallel_loop3A_541 = arith.addi %parallel_loop3A_481, %parallel_loop3A_540 : i32
        %parallel_loop3A_542 = arith.constant 16 : i32
        %parallel_loop3A_543 = arith.muli %parallel_loop3A_541, %parallel_loop3A_542 : i32
        %parallel_loop3A_544 = arith.constant 1 : i32
        %parallel_loop3A_545 = arith.index_cast %parallel_loop3A_544 : i32 to index
        %parallel_loop3A_546 = arith.index_cast %parallel_loop3A_543 : i32 to index
        %parallel_loop3A_547 = tpu.vector_load %arg7[%parallel_loop3A_545, %parallel_loop3A_546] {strides = array<i32>} : memref<4x4096xf32, #tpu.memory_space<vmem>>, vector<16xf32>,
        %parallel_loop3A_548 = arith.mulf %parallel_loop3A_547, %parallel_loop3A_547 : vector<16xf32>
        %parallel_loop3A_549 = arith.addf %parallel_loop3A_487, %parallel_loop3A_548 : vector<16xf32>
        %parallel_loop3A_550 = arith.constant 6 : i32
        %parallel_loop3A_551 = arith.addi %parallel_loop3A_481, %parallel_loop3A_550 : i32
        %parallel_loop3A_552 = arith.constant 16 : i32
        %parallel_loop3A_553 = arith.muli %parallel_loop3A_551, %parallel_loop3A_552 : i32
        %parallel_loop3A_554 = arith.constant 1 : i32
        %parallel_loop3A_555 = arith.index_cast %parallel_loop3A_554 : i32 to index
        %parallel_loop3A_556 = arith.index_cast %parallel_loop3A_553 : i32 to index
        %parallel_loop3A_557 = tpu.vector_load %arg7[%parallel_loop3A_555, %parallel_loop3A_556] {strides = array<i32>} : memref<4x4096xf32, #tpu.memory_space<vmem>>, vector<16xf32>,
        %parallel_loop3A_558 = arith.mulf %parallel_loop3A_557, %parallel_loop3A_557 : vector<16xf32>
        %parallel_loop3A_559 = arith.addf %parallel_loop3A_488, %parallel_loop3A_558 : vector<16xf32>
        %parallel_loop3A_560 = arith.constant 7 : i32
        %parallel_loop3A_561 = arith.addi %parallel_loop3A_481, %parallel_loop3A_560 : i32
        %parallel_loop3A_562 = arith.constant 16 : i32
        %parallel_loop3A_563 = arith.muli %parallel_loop3A_561, %parallel_loop3A_562 : i32
        %parallel_loop3A_564 = arith.constant 1 : i32
        %parallel_loop3A_565 = arith.index_cast %parallel_loop3A_564 : i32 to index
        %parallel_loop3A_566 = arith.index_cast %parallel_loop3A_563 : i32 to index
        %parallel_loop3A_567 = tpu.vector_load %arg7[%parallel_loop3A_565, %parallel_loop3A_566] {strides = array<i32>} : memref<4x4096xf32, #tpu.memory_space<vmem>>, vector<16xf32>,
        %parallel_loop3A_568 = arith.mulf %parallel_loop3A_567, %parallel_loop3A_567 : vector<16xf32>
        %parallel_loop3A_569 = arith.addf %parallel_loop3A_489, %parallel_loop3A_568 : vector<16xf32>
        scf.yield %parallel_loop3A_499, %parallel_loop3A_509, %parallel_loop3A_519, %parallel_loop3A_529, %parallel_loop3A_539, %parallel_loop3A_549, %parallel_loop3A_559, %parallel_loop3A_569 : vector<16xf32>, vector<16xf32>, vector<16xf32>, vector<16xf32>, vector<16xf32>, vector<16xf32>, vector<16xf32>, vector<16xf32>
      } {sc.loop_unroll_factor = 2 : i64, sc.parallel_access}
      %add3A_304 = arith.addf %parallel_loop3A_303#0, %parallel_loop3A_303#1 : vector<16xf32>
      %add3A_305 = arith.addf %add3A_304, %parallel_loop3A_303#2 : vector<16xf32>
      %add3A_306 = arith.addf %add3A_305, %parallel_loop3A_303#3 : vector<16xf32>
      %add3A_307 = arith.addf %add3A_306, %parallel_loop3A_303#4 : vector<16xf32>
      %add3A_308 = arith.addf %add3A_307, %parallel_loop3A_303#5 : vector<16xf32>
      %add3A_309 = arith.addf %add3A_308, %parallel_loop3A_303#6 : vector<16xf32>
      %add3A_310 = arith.addf %add3A_309, %parallel_loop3A_303#7 : vector<16xf32>
      %broadcast_in_dim3A_311 = arith.constant true
      %broadcast_in_dim3A_312 = vector.broadcast %broadcast_in_dim3A_311 : i1 to vector<16xi1>
      %masked_cumsum3A_313 = tpu.scan <sum>, %add3A_310 masked %broadcast_in_dim3A_312 : vector<16xf32>, vector<16xi1> -> vector<16xf32>
      %slice3A_314 = vector.extract_strided_slice %masked_cumsum3A_313 {offsets = [15], sizes = [1], strides = [1]} : vector<16xf32> to vector<1xf32>
      %squeeze3A_315 = vector.extract %slice3A_314[0] : f32 from vector<1xf32>
      %mul3A_316 = arith.mulf %squeeze3A_315, %scan3A : f32
      %eq3A_317 = arith.constant 9 : i32
      %eq3A_318 = vector.broadcast %eq3A_317 : i32 to vector<16xi32>
      %eq3A_319 = arith.cmpi eq, %iota3A, %eq3A_318 : vector<16xi32>
      %broadcast_in_dim3A_320 = vector.broadcast %mul3A_316 : f32 to vector<16xf32>
      %select_n3A_321 = arith.select %eq3A_319, %broadcast_in_dim3A_320, %select_n3A_299 : vector<16xi1>, vector<16xf32>
      %parallel_loop3A_322 = arith.constant 0 : i32
      %parallel_loop3A_323 = arith.constant 256 : i32
      %parallel_loop3A_324 = arith.constant 8 : i32
      %parallel_loop3A_325:8 = scf.for %parallel_loop3A_481 = %parallel_loop3A_322 to %parallel_loop3A_323 step %parallel_loop3A_324 iter_args(%parallel_loop3A_482 = %broadcast_in_dim3A_5, %parallel_loop3A_483 = %broadcast_in_dim3A_7, %parallel_loop3A_484 = %broadcast_in_dim3A_9, %parallel_loop3A_485 = %broadcast_in_dim3A_11, %parallel_loop3A_486 = %broadcast_in_dim3A_13, %parallel_loop3A_487 = %broadcast_in_dim3A_15, %parallel_loop3A_488 = %broadcast_in_dim3A_17, %parallel_loop3A_489 = %broadcast_in_dim3A_19) -> (vector<16xf32>, vector<16xf32>, vector<16xf32>, vector<16xf32>, vector<16xf32>, vector<16xf32>, vector<16xf32>, vector<16xf32>)  : i32 {
        %parallel_loop3A_490 = arith.constant 0 : i32
        %parallel_loop3A_491 = arith.addi %parallel_loop3A_481, %parallel_loop3A_490 : i32
        %parallel_loop3A_492 = arith.constant 16 : i32
        %parallel_loop3A_493 = arith.muli %parallel_loop3A_491, %parallel_loop3A_492 : i32
        %parallel_loop3A_494 = arith.constant 2 : i32
        %parallel_loop3A_495 = arith.index_cast %parallel_loop3A_494 : i32 to index
        %parallel_loop3A_496 = arith.index_cast %parallel_loop3A_493 : i32 to index
        %parallel_loop3A_497 = tpu.vector_load %arg7[%parallel_loop3A_495, %parallel_loop3A_496] {strides = array<i32>} : memref<4x4096xf32, #tpu.memory_space<vmem>>, vector<16xf32>,
        %parallel_loop3A_498 = arith.mulf %parallel_loop3A_497, %parallel_loop3A_497 : vector<16xf32>
        %parallel_loop3A_499 = arith.addf %parallel_loop3A_482, %parallel_loop3A_498 : vector<16xf32>
        %parallel_loop3A_500 = arith.constant 1 : i32
        %parallel_loop3A_501 = arith.addi %parallel_loop3A_481, %parallel_loop3A_500 : i32
        %parallel_loop3A_502 = arith.constant 16 : i32
        %parallel_loop3A_503 = arith.muli %parallel_loop3A_501, %parallel_loop3A_502 : i32
        %parallel_loop3A_504 = arith.constant 2 : i32
        %parallel_loop3A_505 = arith.index_cast %parallel_loop3A_504 : i32 to index
        %parallel_loop3A_506 = arith.index_cast %parallel_loop3A_503 : i32 to index
        %parallel_loop3A_507 = tpu.vector_load %arg7[%parallel_loop3A_505, %parallel_loop3A_506] {strides = array<i32>} : memref<4x4096xf32, #tpu.memory_space<vmem>>, vector<16xf32>,
        %parallel_loop3A_508 = arith.mulf %parallel_loop3A_507, %parallel_loop3A_507 : vector<16xf32>
        %parallel_loop3A_509 = arith.addf %parallel_loop3A_483, %parallel_loop3A_508 : vector<16xf32>
        %parallel_loop3A_510 = arith.constant 2 : i32
        %parallel_loop3A_511 = arith.addi %parallel_loop3A_481, %parallel_loop3A_510 : i32
        %parallel_loop3A_512 = arith.constant 16 : i32
        %parallel_loop3A_513 = arith.muli %parallel_loop3A_511, %parallel_loop3A_512 : i32
        %parallel_loop3A_514 = arith.constant 2 : i32
        %parallel_loop3A_515 = arith.index_cast %parallel_loop3A_514 : i32 to index
        %parallel_loop3A_516 = arith.index_cast %parallel_loop3A_513 : i32 to index
        %parallel_loop3A_517 = tpu.vector_load %arg7[%parallel_loop3A_515, %parallel_loop3A_516] {strides = array<i32>} : memref<4x4096xf32, #tpu.memory_space<vmem>>, vector<16xf32>,
        %parallel_loop3A_518 = arith.mulf %parallel_loop3A_517, %parallel_loop3A_517 : vector<16xf32>
        %parallel_loop3A_519 = arith.addf %parallel_loop3A_484, %parallel_loop3A_518 : vector<16xf32>
        %parallel_loop3A_520 = arith.constant 3 : i32
        %parallel_loop3A_521 = arith.addi %parallel_loop3A_481, %parallel_loop3A_520 : i32
        %parallel_loop3A_522 = arith.constant 16 : i32
        %parallel_loop3A_523 = arith.muli %parallel_loop3A_521, %parallel_loop3A_522 : i32
        %parallel_loop3A_524 = arith.constant 2 : i32
        %parallel_loop3A_525 = arith.index_cast %parallel_loop3A_524 : i32 to index
        %parallel_loop3A_526 = arith.index_cast %parallel_loop3A_523 : i32 to index
        %parallel_loop3A_527 = tpu.vector_load %arg7[%parallel_loop3A_525, %parallel_loop3A_526] {strides = array<i32>} : memref<4x4096xf32, #tpu.memory_space<vmem>>, vector<16xf32>,
        %parallel_loop3A_528 = arith.mulf %parallel_loop3A_527, %parallel_loop3A_527 : vector<16xf32>
        %parallel_loop3A_529 = arith.addf %parallel_loop3A_485, %parallel_loop3A_528 : vector<16xf32>
        %parallel_loop3A_530 = arith.constant 4 : i32
        %parallel_loop3A_531 = arith.addi %parallel_loop3A_481, %parallel_loop3A_530 : i32
        %parallel_loop3A_532 = arith.constant 16 : i32
        %parallel_loop3A_533 = arith.muli %parallel_loop3A_531, %parallel_loop3A_532 : i32
        %parallel_loop3A_534 = arith.constant 2 : i32
        %parallel_loop3A_535 = arith.index_cast %parallel_loop3A_534 : i32 to index
        %parallel_loop3A_536 = arith.index_cast %parallel_loop3A_533 : i32 to index
        %parallel_loop3A_537 = tpu.vector_load %arg7[%parallel_loop3A_535, %parallel_loop3A_536] {strides = array<i32>} : memref<4x4096xf32, #tpu.memory_space<vmem>>, vector<16xf32>,
        %parallel_loop3A_538 = arith.mulf %parallel_loop3A_537, %parallel_loop3A_537 : vector<16xf32>
        %parallel_loop3A_539 = arith.addf %parallel_loop3A_486, %parallel_loop3A_538 : vector<16xf32>
        %parallel_loop3A_540 = arith.constant 5 : i32
        %parallel_loop3A_541 = arith.addi %parallel_loop3A_481, %parallel_loop3A_540 : i32
        %parallel_loop3A_542 = arith.constant 16 : i32
        %parallel_loop3A_543 = arith.muli %parallel_loop3A_541, %parallel_loop3A_542 : i32
        %parallel_loop3A_544 = arith.constant 2 : i32
        %parallel_loop3A_545 = arith.index_cast %parallel_loop3A_544 : i32 to index
        %parallel_loop3A_546 = arith.index_cast %parallel_loop3A_543 : i32 to index
        %parallel_loop3A_547 = tpu.vector_load %arg7[%parallel_loop3A_545, %parallel_loop3A_546] {strides = array<i32>} : memref<4x4096xf32, #tpu.memory_space<vmem>>, vector<16xf32>,
        %parallel_loop3A_548 = arith.mulf %parallel_loop3A_547, %parallel_loop3A_547 : vector<16xf32>
        %parallel_loop3A_549 = arith.addf %parallel_loop3A_487, %parallel_loop3A_548 : vector<16xf32>
        %parallel_loop3A_550 = arith.constant 6 : i32
        %parallel_loop3A_551 = arith.addi %parallel_loop3A_481, %parallel_loop3A_550 : i32
        %parallel_loop3A_552 = arith.constant 16 : i32
        %parallel_loop3A_553 = arith.muli %parallel_loop3A_551, %parallel_loop3A_552 : i32
        %parallel_loop3A_554 = arith.constant 2 : i32
        %parallel_loop3A_555 = arith.index_cast %parallel_loop3A_554 : i32 to index
        %parallel_loop3A_556 = arith.index_cast %parallel_loop3A_553 : i32 to index
        %parallel_loop3A_557 = tpu.vector_load %arg7[%parallel_loop3A_555, %parallel_loop3A_556] {strides = array<i32>} : memref<4x4096xf32, #tpu.memory_space<vmem>>, vector<16xf32>,
        %parallel_loop3A_558 = arith.mulf %parallel_loop3A_557, %parallel_loop3A_557 : vector<16xf32>
        %parallel_loop3A_559 = arith.addf %parallel_loop3A_488, %parallel_loop3A_558 : vector<16xf32>
        %parallel_loop3A_560 = arith.constant 7 : i32
        %parallel_loop3A_561 = arith.addi %parallel_loop3A_481, %parallel_loop3A_560 : i32
        %parallel_loop3A_562 = arith.constant 16 : i32
        %parallel_loop3A_563 = arith.muli %parallel_loop3A_561, %parallel_loop3A_562 : i32
        %parallel_loop3A_564 = arith.constant 2 : i32
        %parallel_loop3A_565 = arith.index_cast %parallel_loop3A_564 : i32 to index
        %parallel_loop3A_566 = arith.index_cast %parallel_loop3A_563 : i32 to index
        %parallel_loop3A_567 = tpu.vector_load %arg7[%parallel_loop3A_565, %parallel_loop3A_566] {strides = array<i32>} : memref<4x4096xf32, #tpu.memory_space<vmem>>, vector<16xf32>,
        %parallel_loop3A_568 = arith.mulf %parallel_loop3A_567, %parallel_loop3A_567 : vector<16xf32>
        %parallel_loop3A_569 = arith.addf %parallel_loop3A_489, %parallel_loop3A_568 : vector<16xf32>
        scf.yield %parallel_loop3A_499, %parallel_loop3A_509, %parallel_loop3A_519, %parallel_loop3A_529, %parallel_loop3A_539, %parallel_loop3A_549, %parallel_loop3A_559, %parallel_loop3A_569 : vector<16xf32>, vector<16xf32>, vector<16xf32>, vector<16xf32>, vector<16xf32>, vector<16xf32>, vector<16xf32>, vector<16xf32>
      } {sc.loop_unroll_factor = 2 : i64, sc.parallel_access}
      %add3A_326 = arith.addf %parallel_loop3A_325#0, %parallel_loop3A_325#1 : vector<16xf32>
      %add3A_327 = arith.addf %add3A_326, %parallel_loop3A_325#2 : vector<16xf32>
      %add3A_328 = arith.addf %add3A_327, %parallel_loop3A_325#3 : vector<16xf32>
      %add3A_329 = arith.addf %add3A_328, %parallel_loop3A_325#4 : vector<16xf32>
      %add3A_330 = arith.addf %add3A_329, %parallel_loop3A_325#5 : vector<16xf32>
      %add3A_331 = arith.addf %add3A_330, %parallel_loop3A_325#6 : vector<16xf32>
      %add3A_332 = arith.addf %add3A_331, %parallel_loop3A_325#7 : vector<16xf32>
      %broadcast_in_dim3A_333 = arith.constant true
      %broadcast_in_dim3A_334 = vector.broadcast %broadcast_in_dim3A_333 : i1 to vector<16xi1>
      %masked_cumsum3A_335 = tpu.scan <sum>, %add3A_332 masked %broadcast_in_dim3A_334 : vector<16xf32>, vector<16xi1> -> vector<16xf32>
      %slice3A_336 = vector.extract_strided_slice %masked_cumsum3A_335 {offsets = [15], sizes = [1], strides = [1]} : vector<16xf32> to vector<1xf32>
      %squeeze3A_337 = vector.extract %slice3A_336[0] : f32 from vector<1xf32>
      %mul3A_338 = arith.mulf %squeeze3A_337, %scan3A : f32
      %eq3A_339 = arith.constant 10 : i32
      %eq3A_340 = vector.broadcast %eq3A_339 : i32 to vector<16xi32>
      %eq3A_341 = arith.cmpi eq, %iota3A, %eq3A_340 : vector<16xi32>
      %broadcast_in_dim3A_342 = vector.broadcast %mul3A_338 : f32 to vector<16xf32>
      %select_n3A_343 = arith.select %eq3A_341, %broadcast_in_dim3A_342, %select_n3A_321 : vector<16xi1>, vector<16xf32>
      %parallel_loop3A_344 = arith.constant 0 : i32
      %parallel_loop3A_345 = arith.constant 256 : i32
      %parallel_loop3A_346 = arith.constant 8 : i32
      %parallel_loop3A_347:8 = scf.for %parallel_loop3A_481 = %parallel_loop3A_344 to %parallel_loop3A_345 step %parallel_loop3A_346 iter_args(%parallel_loop3A_482 = %broadcast_in_dim3A_5, %parallel_loop3A_483 = %broadcast_in_dim3A_7, %parallel_loop3A_484 = %broadcast_in_dim3A_9, %parallel_loop3A_485 = %broadcast_in_dim3A_11, %parallel_loop3A_486 = %broadcast_in_dim3A_13, %parallel_loop3A_487 = %broadcast_in_dim3A_15, %parallel_loop3A_488 = %broadcast_in_dim3A_17, %parallel_loop3A_489 = %broadcast_in_dim3A_19) -> (vector<16xf32>, vector<16xf32>, vector<16xf32>, vector<16xf32>, vector<16xf32>, vector<16xf32>, vector<16xf32>, vector<16xf32>)  : i32 {
        %parallel_loop3A_490 = arith.constant 0 : i32
        %parallel_loop3A_491 = arith.addi %parallel_loop3A_481, %parallel_loop3A_490 : i32
        %parallel_loop3A_492 = arith.constant 16 : i32
        %parallel_loop3A_493 = arith.muli %parallel_loop3A_491, %parallel_loop3A_492 : i32
        %parallel_loop3A_494 = arith.constant 3 : i32
        %parallel_loop3A_495 = arith.index_cast %parallel_loop3A_494 : i32 to index
        %parallel_loop3A_496 = arith.index_cast %parallel_loop3A_493 : i32 to index
        %parallel_loop3A_497 = tpu.vector_load %arg7[%parallel_loop3A_495, %parallel_loop3A_496] {strides = array<i32>} : memref<4x4096xf32, #tpu.memory_space<vmem>>, vector<16xf32>,
        %parallel_loop3A_498 = arith.mulf %parallel_loop3A_497, %parallel_loop3A_497 : vector<16xf32>
        %parallel_loop3A_499 = arith.addf %parallel_loop3A_482, %parallel_loop3A_498 : vector<16xf32>
        %parallel_loop3A_500 = arith.constant 1 : i32
        %parallel_loop3A_501 = arith.addi %parallel_loop3A_481, %parallel_loop3A_500 : i32
        %parallel_loop3A_502 = arith.constant 16 : i32
        %parallel_loop3A_503 = arith.muli %parallel_loop3A_501, %parallel_loop3A_502 : i32
        %parallel_loop3A_504 = arith.constant 3 : i32
        %parallel_loop3A_505 = arith.index_cast %parallel_loop3A_504 : i32 to index
        %parallel_loop3A_506 = arith.index_cast %parallel_loop3A_503 : i32 to index
        %parallel_loop3A_507 = tpu.vector_load %arg7[%parallel_loop3A_505, %parallel_loop3A_506] {strides = array<i32>} : memref<4x4096xf32, #tpu.memory_space<vmem>>, vector<16xf32>,
        %parallel_loop3A_508 = arith.mulf %parallel_loop3A_507, %parallel_loop3A_507 : vector<16xf32>
        %parallel_loop3A_509 = arith.addf %parallel_loop3A_483, %parallel_loop3A_508 : vector<16xf32>
        %parallel_loop3A_510 = arith.constant 2 : i32
        %parallel_loop3A_511 = arith.addi %parallel_loop3A_481, %parallel_loop3A_510 : i32
        %parallel_loop3A_512 = arith.constant 16 : i32
        %parallel_loop3A_513 = arith.muli %parallel_loop3A_511, %parallel_loop3A_512 : i32
        %parallel_loop3A_514 = arith.constant 3 : i32
        %parallel_loop3A_515 = arith.index_cast %parallel_loop3A_514 : i32 to index
        %parallel_loop3A_516 = arith.index_cast %parallel_loop3A_513 : i32 to index
        %parallel_loop3A_517 = tpu.vector_load %arg7[%parallel_loop3A_515, %parallel_loop3A_516] {strides = array<i32>} : memref<4x4096xf32, #tpu.memory_space<vmem>>, vector<16xf32>,
        %parallel_loop3A_518 = arith.mulf %parallel_loop3A_517, %parallel_loop3A_517 : vector<16xf32>
        %parallel_loop3A_519 = arith.addf %parallel_loop3A_484, %parallel_loop3A_518 : vector<16xf32>
        %parallel_loop3A_520 = arith.constant 3 : i32
        %parallel_loop3A_521 = arith.addi %parallel_loop3A_481, %parallel_loop3A_520 : i32
        %parallel_loop3A_522 = arith.constant 16 : i32
        %parallel_loop3A_523 = arith.muli %parallel_loop3A_521, %parallel_loop3A_522 : i32
        %parallel_loop3A_524 = arith.constant 3 : i32
        %parallel_loop3A_525 = arith.index_cast %parallel_loop3A_524 : i32 to index
        %parallel_loop3A_526 = arith.index_cast %parallel_loop3A_523 : i32 to index
        %parallel_loop3A_527 = tpu.vector_load %arg7[%parallel_loop3A_525, %parallel_loop3A_526] {strides = array<i32>} : memref<4x4096xf32, #tpu.memory_space<vmem>>, vector<16xf32>,
        %parallel_loop3A_528 = arith.mulf %parallel_loop3A_527, %parallel_loop3A_527 : vector<16xf32>
        %parallel_loop3A_529 = arith.addf %parallel_loop3A_485, %parallel_loop3A_528 : vector<16xf32>
        %parallel_loop3A_530 = arith.constant 4 : i32
        %parallel_loop3A_531 = arith.addi %parallel_loop3A_481, %parallel_loop3A_530 : i32
        %parallel_loop3A_532 = arith.constant 16 : i32
        %parallel_loop3A_533 = arith.muli %parallel_loop3A_531, %parallel_loop3A_532 : i32
        %parallel_loop3A_534 = arith.constant 3 : i32
        %parallel_loop3A_535 = arith.index_cast %parallel_loop3A_534 : i32 to index
        %parallel_loop3A_536 = arith.index_cast %parallel_loop3A_533 : i32 to index
        %parallel_loop3A_537 = tpu.vector_load %arg7[%parallel_loop3A_535, %parallel_loop3A_536] {strides = array<i32>} : memref<4x4096xf32, #tpu.memory_space<vmem>>, vector<16xf32>,
        %parallel_loop3A_538 = arith.mulf %parallel_loop3A_537, %parallel_loop3A_537 : vector<16xf32>
        %parallel_loop3A_539 = arith.addf %parallel_loop3A_486, %parallel_loop3A_538 : vector<16xf32>
        %parallel_loop3A_540 = arith.constant 5 : i32
        %parallel_loop3A_541 = arith.addi %parallel_loop3A_481, %parallel_loop3A_540 : i32
        %parallel_loop3A_542 = arith.constant 16 : i32
        %parallel_loop3A_543 = arith.muli %parallel_loop3A_541, %parallel_loop3A_542 : i32
        %parallel_loop3A_544 = arith.constant 3 : i32
        %parallel_loop3A_545 = arith.index_cast %parallel_loop3A_544 : i32 to index
        %parallel_loop3A_546 = arith.index_cast %parallel_loop3A_543 : i32 to index
        %parallel_loop3A_547 = tpu.vector_load %arg7[%parallel_loop3A_545, %parallel_loop3A_546] {strides = array<i32>} : memref<4x4096xf32, #tpu.memory_space<vmem>>, vector<16xf32>,
        %parallel_loop3A_548 = arith.mulf %parallel_loop3A_547, %parallel_loop3A_547 : vector<16xf32>
        %parallel_loop3A_549 = arith.addf %parallel_loop3A_487, %parallel_loop3A_548 : vector<16xf32>
        %parallel_loop3A_550 = arith.constant 6 : i32
        %parallel_loop3A_551 = arith.addi %parallel_loop3A_481, %parallel_loop3A_550 : i32
        %parallel_loop3A_552 = arith.constant 16 : i32
        %parallel_loop3A_553 = arith.muli %parallel_loop3A_551, %parallel_loop3A_552 : i32
        %parallel_loop3A_554 = arith.constant 3 : i32
        %parallel_loop3A_555 = arith.index_cast %parallel_loop3A_554 : i32 to index
        %parallel_loop3A_556 = arith.index_cast %parallel_loop3A_553 : i32 to index
        %parallel_loop3A_557 = tpu.vector_load %arg7[%parallel_loop3A_555, %parallel_loop3A_556] {strides = array<i32>} : memref<4x4096xf32, #tpu.memory_space<vmem>>, vector<16xf32>,
        %parallel_loop3A_558 = arith.mulf %parallel_loop3A_557, %parallel_loop3A_557 : vector<16xf32>
        %parallel_loop3A_559 = arith.addf %parallel_loop3A_488, %parallel_loop3A_558 : vector<16xf32>
        %parallel_loop3A_560 = arith.constant 7 : i32
        %parallel_loop3A_561 = arith.addi %parallel_loop3A_481, %parallel_loop3A_560 : i32
        %parallel_loop3A_562 = arith.constant 16 : i32
        %parallel_loop3A_563 = arith.muli %parallel_loop3A_561, %parallel_loop3A_562 : i32
        %parallel_loop3A_564 = arith.constant 3 : i32
        %parallel_loop3A_565 = arith.index_cast %parallel_loop3A_564 : i32 to index
        %parallel_loop3A_566 = arith.index_cast %parallel_loop3A_563 : i32 to index
        %parallel_loop3A_567 = tpu.vector_load %arg7[%parallel_loop3A_565, %parallel_loop3A_566] {strides = array<i32>} : memref<4x4096xf32, #tpu.memory_space<vmem>>, vector<16xf32>,
        %parallel_loop3A_568 = arith.mulf %parallel_loop3A_567, %parallel_loop3A_567 : vector<16xf32>
        %parallel_loop3A_569 = arith.addf %parallel_loop3A_489, %parallel_loop3A_568 : vector<16xf32>
        scf.yield %parallel_loop3A_499, %parallel_loop3A_509, %parallel_loop3A_519, %parallel_loop3A_529, %parallel_loop3A_539, %parallel_loop3A_549, %parallel_loop3A_559, %parallel_loop3A_569 : vector<16xf32>, vector<16xf32>, vector<16xf32>, vector<16xf32>, vector<16xf32>, vector<16xf32>, vector<16xf32>, vector<16xf32>
      } {sc.loop_unroll_factor = 2 : i64, sc.parallel_access}
      %add3A_348 = arith.addf %parallel_loop3A_347#0, %parallel_loop3A_347#1 : vector<16xf32>
      %add3A_349 = arith.addf %add3A_348, %parallel_loop3A_347#2 : vector<16xf32>
      %add3A_350 = arith.addf %add3A_349, %parallel_loop3A_347#3 : vector<16xf32>
      %add3A_351 = arith.addf %add3A_350, %parallel_loop3A_347#4 : vector<16xf32>
      %add3A_352 = arith.addf %add3A_351, %parallel_loop3A_347#5 : vector<16xf32>
      %add3A_353 = arith.addf %add3A_352, %parallel_loop3A_347#6 : vector<16xf32>
      %add3A_354 = arith.addf %add3A_353, %parallel_loop3A_347#7 : vector<16xf32>
      %broadcast_in_dim3A_355 = arith.constant true
      %broadcast_in_dim3A_356 = vector.broadcast %broadcast_in_dim3A_355 : i1 to vector<16xi1>
      %masked_cumsum3A_357 = tpu.scan <sum>, %add3A_354 masked %broadcast_in_dim3A_356 : vector<16xf32>, vector<16xi1> -> vector<16xf32>
      %slice3A_358 = vector.extract_strided_slice %masked_cumsum3A_357 {offsets = [15], sizes = [1], strides = [1]} : vector<16xf32> to vector<1xf32>
      %squeeze3A_359 = vector.extract %slice3A_358[0] : f32 from vector<1xf32>
      %mul3A_360 = arith.mulf %squeeze3A_359, %scan3A : f32
      %eq3A_361 = arith.constant 11 : i32
      %eq3A_362 = vector.broadcast %eq3A_361 : i32 to vector<16xi32>
      %eq3A_363 = arith.cmpi eq, %iota3A, %eq3A_362 : vector<16xi32>
      %broadcast_in_dim3A_364 = vector.broadcast %mul3A_360 : f32 to vector<16xf32>
      %select_n3A_365 = arith.select %eq3A_363, %broadcast_in_dim3A_364, %select_n3A_343 : vector<16xi1>, vector<16xf32>
      %mul3A_366 = arith.constant 4 : i32
      %mul3A_367 = arith.muli %scan3A_39, %mul3A_366 : i32
      %add3A_368 = arith.constant 3 : i32
      %add3A_369 = arith.addi %mul3A_367, %add3A_368 : i32
      %dma_wait3A_370 = arith.constant 0 : i32
      %dma_wait3A_371 = arith.constant 0 : i32
      %dma_wait3A_372 = tpu.memref_slice %arg2[%dma_wait3A_370, %dma_wait3A_371] : memref<16384x4096xf32, #tpu.memory_space<hbm>> -> memref<4x4096xf32, #tpu.memory_space<hbm>>
      %dma_wait3A_373 = arith.constant 0 : i32
      %dma_wait3A_374 = arith.constant 0 : i32
      %dma_wait3A_375 = tpu.memref_slice %arg2[%dma_wait3A_373, %dma_wait3A_374] : memref<16384x4096xf32, #tpu.memory_space<hbm>> -> memref<4x4096xf32, #tpu.memory_space<hbm>>
      tpu.wait_dma2 semaphore(%arg13 : memref<!tpu.dma_semaphore, #tpu.memory_space<semaphore_mem>>) src(%dma_wait3A_375 : memref<4x4096xf32, #tpu.memory_space<hbm>>) dst(%arg8 : memref<4x4096xf32, #tpu.memory_space<vmem>>)
      %dma_wait3A_376 = arith.constant 0 : i32
      %dma_wait3A_377 = arith.constant 0 : i32
      %dma_wait3A_378 = tpu.memref_slice %arg4[%dma_wait3A_376, %dma_wait3A_377] : memref<1000x4096xf32, #tpu.memory_space<hbm>> -> memref<4x4096xf32, #tpu.memory_space<hbm>>
      %dma_wait3A_379 = arith.constant 0 : i32
      %dma_wait3A_380 = arith.constant 0 : i32
      %dma_wait3A_381 = tpu.memref_slice %arg4[%dma_wait3A_379, %dma_wait3A_380] : memref<1000x4096xf32, #tpu.memory_space<hbm>> -> memref<4x4096xf32, #tpu.memory_space<hbm>>
      tpu.wait_dma2 semaphore(%arg15 : memref<!tpu.dma_semaphore, #tpu.memory_space<semaphore_mem>>) src(%dma_wait3A_381 : memref<4x4096xf32, #tpu.memory_space<hbm>>) dst(%arg10 : memref<4x4096xf32, #tpu.memory_space<vmem>>)
      %add3A_382 = arith.constant 1 : i32
      %add3A_383 = arith.addi %add3A_369, %add3A_382 : i32
      %lt3A_384 = arith.constant 128 : i32
      %lt3A_385 = arith.cmpi slt, %add3A_383, %lt3A_384 : i32
      %convert_element_type3A_386 = arith.extui %lt3A_385 : i1 to i32
      %cond3A_387 = arith.constant 0 : i32
      %cond3A_388 = arith.cmpi ne, %convert_element_type3A_386, %cond3A_387 : i32
      scf.if %cond3A_388 {
        %add3A_481 = arith.constant 1 : i32
        %add3A_482 = arith.addi %add3A_369, %add3A_481 : i32
        %mul3A_483 = arith.constant 4 : i32
        %mul3A_484 = arith.muli %add3A_482, %mul3A_483 : i32
        %add3A_485 = arith.addi %mul3A_2, %mul3A_484 : i32
        %dma_start3A_486 = arith.constant 0 : i32
        %dma_start3A_487 = tpu.memref_slice %arg2[%add3A_485, %dma_start3A_486] : memref<16384x4096xf32, #tpu.memory_space<hbm>> -> memref<4x4096xf32, #tpu.memory_space<hbm>>
        %dma_start3A_488 = arith.constant 0 : i32
        %dma_start3A_489 = tpu.memref_slice %arg2[%add3A_485, %dma_start3A_488] : memref<16384x4096xf32, #tpu.memory_space<hbm>> -> memref<4x4096xf32, #tpu.memory_space<hbm>>
        tpu.enqueue_dma source(%dma_start3A_489 : memref<4x4096xf32, #tpu.memory_space<hbm>>) target(%arg7 : memref<4x4096xf32, #tpu.memory_space<vmem>>) target_semaphore(%arg12 : memref<!tpu.dma_semaphore, #tpu.memory_space<semaphore_mem>>)
        %dma_start3A_490 = arith.constant 0 : i32
        %dma_start3A_491 = tpu.memref_slice %arg6[%add3A_482, %dma_start3A_490] : memref<128x4xi32, #tpu.memory_space<vmem>> -> memref<1x4xi32, #tpu.memory_space<vmem>>
        %dma_start3A_492 = tpu.memref_squeeze %dma_start3A_491 : memref<1x4xi32, #tpu.memory_space<vmem>> -> memref<4xi32, #tpu.memory_space<vmem>>
        %dma_start3A_493 = arith.constant 0 : i32
        %dma_start3A_494 = arith.constant 0 : i32
        %dma_start3A_495 = tpu.memref_slice %arg4[%dma_start3A_493, %dma_start3A_494] : memref<1000x4096xf32, #tpu.memory_space<hbm>> -> memref<1000x4096xf32, #tpu.memory_space<hbm>>
        tpu.enqueue_indirect_dma source(%dma_start3A_495 : memref<1000x4096xf32, #tpu.memory_space<hbm>>) target(%arg9 : memref<4x4096xf32, #tpu.memory_space<vmem>>) offsets(%dma_start3A_492 : memref<4xi32, #tpu.memory_space<vmem>>) semaphore(%arg14 : memref<!tpu.dma_semaphore, #tpu.memory_space<semaphore_mem>>)
      } else {
      }
      %parallel_loop3A_389 = arith.constant 0 : i32
      %parallel_loop3A_390 = arith.constant 256 : i32
      %parallel_loop3A_391 = arith.constant 8 : i32
      %parallel_loop3A_392:8 = scf.for %parallel_loop3A_481 = %parallel_loop3A_389 to %parallel_loop3A_390 step %parallel_loop3A_391 iter_args(%parallel_loop3A_482 = %broadcast_in_dim3A_5, %parallel_loop3A_483 = %broadcast_in_dim3A_7, %parallel_loop3A_484 = %broadcast_in_dim3A_9, %parallel_loop3A_485 = %broadcast_in_dim3A_11, %parallel_loop3A_486 = %broadcast_in_dim3A_13, %parallel_loop3A_487 = %broadcast_in_dim3A_15, %parallel_loop3A_488 = %broadcast_in_dim3A_17, %parallel_loop3A_489 = %broadcast_in_dim3A_19) -> (vector<16xf32>, vector<16xf32>, vector<16xf32>, vector<16xf32>, vector<16xf32>, vector<16xf32>, vector<16xf32>, vector<16xf32>)  : i32 {
        %parallel_loop3A_490 = arith.constant 0 : i32
        %parallel_loop3A_491 = arith.addi %parallel_loop3A_481, %parallel_loop3A_490 : i32
        %parallel_loop3A_492 = arith.constant 16 : i32
        %parallel_loop3A_493 = arith.muli %parallel_loop3A_491, %parallel_loop3A_492 : i32
        %parallel_loop3A_494 = arith.constant 0 : i32
        %parallel_loop3A_495 = arith.index_cast %parallel_loop3A_494 : i32 to index
        %parallel_loop3A_496 = arith.index_cast %parallel_loop3A_493 : i32 to index
        %parallel_loop3A_497 = tpu.vector_load %arg8[%parallel_loop3A_495, %parallel_loop3A_496] {strides = array<i32>} : memref<4x4096xf32, #tpu.memory_space<vmem>>, vector<16xf32>,
        %parallel_loop3A_498 = arith.mulf %parallel_loop3A_497, %parallel_loop3A_497 : vector<16xf32>
        %parallel_loop3A_499 = arith.addf %parallel_loop3A_482, %parallel_loop3A_498 : vector<16xf32>
        %parallel_loop3A_500 = arith.constant 1 : i32
        %parallel_loop3A_501 = arith.addi %parallel_loop3A_481, %parallel_loop3A_500 : i32
        %parallel_loop3A_502 = arith.constant 16 : i32
        %parallel_loop3A_503 = arith.muli %parallel_loop3A_501, %parallel_loop3A_502 : i32
        %parallel_loop3A_504 = arith.constant 0 : i32
        %parallel_loop3A_505 = arith.index_cast %parallel_loop3A_504 : i32 to index
        %parallel_loop3A_506 = arith.index_cast %parallel_loop3A_503 : i32 to index
        %parallel_loop3A_507 = tpu.vector_load %arg8[%parallel_loop3A_505, %parallel_loop3A_506] {strides = array<i32>} : memref<4x4096xf32, #tpu.memory_space<vmem>>, vector<16xf32>,
        %parallel_loop3A_508 = arith.mulf %parallel_loop3A_507, %parallel_loop3A_507 : vector<16xf32>
        %parallel_loop3A_509 = arith.addf %parallel_loop3A_483, %parallel_loop3A_508 : vector<16xf32>
        %parallel_loop3A_510 = arith.constant 2 : i32
        %parallel_loop3A_511 = arith.addi %parallel_loop3A_481, %parallel_loop3A_510 : i32
        %parallel_loop3A_512 = arith.constant 16 : i32
        %parallel_loop3A_513 = arith.muli %parallel_loop3A_511, %parallel_loop3A_512 : i32
        %parallel_loop3A_514 = arith.constant 0 : i32
        %parallel_loop3A_515 = arith.index_cast %parallel_loop3A_514 : i32 to index
        %parallel_loop3A_516 = arith.index_cast %parallel_loop3A_513 : i32 to index
        %parallel_loop3A_517 = tpu.vector_load %arg8[%parallel_loop3A_515, %parallel_loop3A_516] {strides = array<i32>} : memref<4x4096xf32, #tpu.memory_space<vmem>>, vector<16xf32>,
        %parallel_loop3A_518 = arith.mulf %parallel_loop3A_517, %parallel_loop3A_517 : vector<16xf32>
        %parallel_loop3A_519 = arith.addf %parallel_loop3A_484, %parallel_loop3A_518 : vector<16xf32>
        %parallel_loop3A_520 = arith.constant 3 : i32
        %parallel_loop3A_521 = arith.addi %parallel_loop3A_481, %parallel_loop3A_520 : i32
        %parallel_loop3A_522 = arith.constant 16 : i32
        %parallel_loop3A_523 = arith.muli %parallel_loop3A_521, %parallel_loop3A_522 : i32
        %parallel_loop3A_524 = arith.constant 0 : i32
        %parallel_loop3A_525 = arith.index_cast %parallel_loop3A_524 : i32 to index
        %parallel_loop3A_526 = arith.index_cast %parallel_loop3A_523 : i32 to index
        %parallel_loop3A_527 = tpu.vector_load %arg8[%parallel_loop3A_525, %parallel_loop3A_526] {strides = array<i32>} : memref<4x4096xf32, #tpu.memory_space<vmem>>, vector<16xf32>,
        %parallel_loop3A_528 = arith.mulf %parallel_loop3A_527, %parallel_loop3A_527 : vector<16xf32>
        %parallel_loop3A_529 = arith.addf %parallel_loop3A_485, %parallel_loop3A_528 : vector<16xf32>
        %parallel_loop3A_530 = arith.constant 4 : i32
        %parallel_loop3A_531 = arith.addi %parallel_loop3A_481, %parallel_loop3A_530 : i32
        %parallel_loop3A_532 = arith.constant 16 : i32
        %parallel_loop3A_533 = arith.muli %parallel_loop3A_531, %parallel_loop3A_532 : i32
        %parallel_loop3A_534 = arith.constant 0 : i32
        %parallel_loop3A_535 = arith.index_cast %parallel_loop3A_534 : i32 to index
        %parallel_loop3A_536 = arith.index_cast %parallel_loop3A_533 : i32 to index
        %parallel_loop3A_537 = tpu.vector_load %arg8[%parallel_loop3A_535, %parallel_loop3A_536] {strides = array<i32>} : memref<4x4096xf32, #tpu.memory_space<vmem>>, vector<16xf32>,
        %parallel_loop3A_538 = arith.mulf %parallel_loop3A_537, %parallel_loop3A_537 : vector<16xf32>
        %parallel_loop3A_539 = arith.addf %parallel_loop3A_486, %parallel_loop3A_538 : vector<16xf32>
        %parallel_loop3A_540 = arith.constant 5 : i32
        %parallel_loop3A_541 = arith.addi %parallel_loop3A_481, %parallel_loop3A_540 : i32
        %parallel_loop3A_542 = arith.constant 16 : i32
        %parallel_loop3A_543 = arith.muli %parallel_loop3A_541, %parallel_loop3A_542 : i32
        %parallel_loop3A_544 = arith.constant 0 : i32
        %parallel_loop3A_545 = arith.index_cast %parallel_loop3A_544 : i32 to index
        %parallel_loop3A_546 = arith.index_cast %parallel_loop3A_543 : i32 to index
        %parallel_loop3A_547 = tpu.vector_load %arg8[%parallel_loop3A_545, %parallel_loop3A_546] {strides = array<i32>} : memref<4x4096xf32, #tpu.memory_space<vmem>>, vector<16xf32>,
        %parallel_loop3A_548 = arith.mulf %parallel_loop3A_547, %parallel_loop3A_547 : vector<16xf32>
        %parallel_loop3A_549 = arith.addf %parallel_loop3A_487, %parallel_loop3A_548 : vector<16xf32>
        %parallel_loop3A_550 = arith.constant 6 : i32
        %parallel_loop3A_551 = arith.addi %parallel_loop3A_481, %parallel_loop3A_550 : i32
        %parallel_loop3A_552 = arith.constant 16 : i32
        %parallel_loop3A_553 = arith.muli %parallel_loop3A_551, %parallel_loop3A_552 : i32
        %parallel_loop3A_554 = arith.constant 0 : i32
        %parallel_loop3A_555 = arith.index_cast %parallel_loop3A_554 : i32 to index
        %parallel_loop3A_556 = arith.index_cast %parallel_loop3A_553 : i32 to index
        %parallel_loop3A_557 = tpu.vector_load %arg8[%parallel_loop3A_555, %parallel_loop3A_556] {strides = array<i32>} : memref<4x4096xf32, #tpu.memory_space<vmem>>, vector<16xf32>,
        %parallel_loop3A_558 = arith.mulf %parallel_loop3A_557, %parallel_loop3A_557 : vector<16xf32>
        %parallel_loop3A_559 = arith.addf %parallel_loop3A_488, %parallel_loop3A_558 : vector<16xf32>
        %parallel_loop3A_560 = arith.constant 7 : i32
        %parallel_loop3A_561 = arith.addi %parallel_loop3A_481, %parallel_loop3A_560 : i32
        %parallel_loop3A_562 = arith.constant 16 : i32
        %parallel_loop3A_563 = arith.muli %parallel_loop3A_561, %parallel_loop3A_562 : i32
        %parallel_loop3A_564 = arith.constant 0 : i32
        %parallel_loop3A_565 = arith.index_cast %parallel_loop3A_564 : i32 to index
        %parallel_loop3A_566 = arith.index_cast %parallel_loop3A_563 : i32 to index
        %parallel_loop3A_567 = tpu.vector_load %arg8[%parallel_loop3A_565, %parallel_loop3A_566] {strides = array<i32>} : memref<4x4096xf32, #tpu.memory_space<vmem>>, vector<16xf32>,
        %parallel_loop3A_568 = arith.mulf %parallel_loop3A_567, %parallel_loop3A_567 : vector<16xf32>
        %parallel_loop3A_569 = arith.addf %parallel_loop3A_489, %parallel_loop3A_568 : vector<16xf32>
        scf.yield %parallel_loop3A_499, %parallel_loop3A_509, %parallel_loop3A_519, %parallel_loop3A_529, %parallel_loop3A_539, %parallel_loop3A_549, %parallel_loop3A_559, %parallel_loop3A_569 : vector<16xf32>, vector<16xf32>, vector<16xf32>, vector<16xf32>, vector<16xf32>, vector<16xf32>, vector<16xf32>, vector<16xf32>
      } {sc.loop_unroll_factor = 2 : i64, sc.parallel_access}
      %add3A_393 = arith.addf %parallel_loop3A_392#0, %parallel_loop3A_392#1 : vector<16xf32>
      %add3A_394 = arith.addf %add3A_393, %parallel_loop3A_392#2 : vector<16xf32>
      %add3A_395 = arith.addf %add3A_394, %parallel_loop3A_392#3 : vector<16xf32>
      %add3A_396 = arith.addf %add3A_395, %parallel_loop3A_392#4 : vector<16xf32>
      %add3A_397 = arith.addf %add3A_396, %parallel_loop3A_392#5 : vector<16xf32>
      %add3A_398 = arith.addf %add3A_397, %parallel_loop3A_392#6 : vector<16xf32>
      %add3A_399 = arith.addf %add3A_398, %parallel_loop3A_392#7 : vector<16xf32>
      %broadcast_in_dim3A_400 = arith.constant true
      %broadcast_in_dim3A_401 = vector.broadcast %broadcast_in_dim3A_400 : i1 to vector<16xi1>
      %masked_cumsum3A_402 = tpu.scan <sum>, %add3A_399 masked %broadcast_in_dim3A_401 : vector<16xf32>, vector<16xi1> -> vector<16xf32>
      %slice3A_403 = vector.extract_strided_slice %masked_cumsum3A_402 {offsets = [15], sizes = [1], strides = [1]} : vector<16xf32> to vector<1xf32>
      %squeeze3A_404 = vector.extract %slice3A_403[0] : f32 from vector<1xf32>
      %mul3A_405 = arith.mulf %squeeze3A_404, %scan3A : f32
      %eq3A_406 = arith.constant 12 : i32
      %eq3A_407 = vector.broadcast %eq3A_406 : i32 to vector<16xi32>
      %eq3A_408 = arith.cmpi eq, %iota3A, %eq3A_407 : vector<16xi32>
      %broadcast_in_dim3A_409 = vector.broadcast %mul3A_405 : f32 to vector<16xf32>
      %select_n3A_410 = arith.select %eq3A_408, %broadcast_in_dim3A_409, %select_n3A_365 : vector<16xi1>, vector<16xf32>
      %parallel_loop3A_411 = arith.constant 0 : i32
      %parallel_loop3A_412 = arith.constant 256 : i32
      %parallel_loop3A_413 = arith.constant 8 : i32
      %parallel_loop3A_414:8 = scf.for %parallel_loop3A_481 = %parallel_loop3A_411 to %parallel_loop3A_412 step %parallel_loop3A_413 iter_args(%parallel_loop3A_482 = %broadcast_in_dim3A_5, %parallel_loop3A_483 = %broadcast_in_dim3A_7, %parallel_loop3A_484 = %broadcast_in_dim3A_9, %parallel_loop3A_485 = %broadcast_in_dim3A_11, %parallel_loop3A_486 = %broadcast_in_dim3A_13, %parallel_loop3A_487 = %broadcast_in_dim3A_15, %parallel_loop3A_488 = %broadcast_in_dim3A_17, %parallel_loop3A_489 = %broadcast_in_dim3A_19) -> (vector<16xf32>, vector<16xf32>, vector<16xf32>, vector<16xf32>, vector<16xf32>, vector<16xf32>, vector<16xf32>, vector<16xf32>)  : i32 {
        %parallel_loop3A_490 = arith.constant 0 : i32
        %parallel_loop3A_491 = arith.addi %parallel_loop3A_481, %parallel_loop3A_490 : i32
        %parallel_loop3A_492 = arith.constant 16 : i32
        %parallel_loop3A_493 = arith.muli %parallel_loop3A_491, %parallel_loop3A_492 : i32
        %parallel_loop3A_494 = arith.constant 1 : i32
        %parallel_loop3A_495 = arith.index_cast %parallel_loop3A_494 : i32 to index
        %parallel_loop3A_496 = arith.index_cast %parallel_loop3A_493 : i32 to index
        %parallel_loop3A_497 = tpu.vector_load %arg8[%parallel_loop3A_495, %parallel_loop3A_496] {strides = array<i32>} : memref<4x4096xf32, #tpu.memory_space<vmem>>, vector<16xf32>,
        %parallel_loop3A_498 = arith.mulf %parallel_loop3A_497, %parallel_loop3A_497 : vector<16xf32>
        %parallel_loop3A_499 = arith.addf %parallel_loop3A_482, %parallel_loop3A_498 : vector<16xf32>
        %parallel_loop3A_500 = arith.constant 1 : i32
        %parallel_loop3A_501 = arith.addi %parallel_loop3A_481, %parallel_loop3A_500 : i32
        %parallel_loop3A_502 = arith.constant 16 : i32
        %parallel_loop3A_503 = arith.muli %parallel_loop3A_501, %parallel_loop3A_502 : i32
        %parallel_loop3A_504 = arith.constant 1 : i32
        %parallel_loop3A_505 = arith.index_cast %parallel_loop3A_504 : i32 to index
        %parallel_loop3A_506 = arith.index_cast %parallel_loop3A_503 : i32 to index
        %parallel_loop3A_507 = tpu.vector_load %arg8[%parallel_loop3A_505, %parallel_loop3A_506] {strides = array<i32>} : memref<4x4096xf32, #tpu.memory_space<vmem>>, vector<16xf32>,
        %parallel_loop3A_508 = arith.mulf %parallel_loop3A_507, %parallel_loop3A_507 : vector<16xf32>
        %parallel_loop3A_509 = arith.addf %parallel_loop3A_483, %parallel_loop3A_508 : vector<16xf32>
        %parallel_loop3A_510 = arith.constant 2 : i32
        %parallel_loop3A_511 = arith.addi %parallel_loop3A_481, %parallel_loop3A_510 : i32
        %parallel_loop3A_512 = arith.constant 16 : i32
        %parallel_loop3A_513 = arith.muli %parallel_loop3A_511, %parallel_loop3A_512 : i32
        %parallel_loop3A_514 = arith.constant 1 : i32
        %parallel_loop3A_515 = arith.index_cast %parallel_loop3A_514 : i32 to index
        %parallel_loop3A_516 = arith.index_cast %parallel_loop3A_513 : i32 to index
        %parallel_loop3A_517 = tpu.vector_load %arg8[%parallel_loop3A_515, %parallel_loop3A_516] {strides = array<i32>} : memref<4x4096xf32, #tpu.memory_space<vmem>>, vector<16xf32>,
        %parallel_loop3A_518 = arith.mulf %parallel_loop3A_517, %parallel_loop3A_517 : vector<16xf32>
        %parallel_loop3A_519 = arith.addf %parallel_loop3A_484, %parallel_loop3A_518 : vector<16xf32>
        %parallel_loop3A_520 = arith.constant 3 : i32
        %parallel_loop3A_521 = arith.addi %parallel_loop3A_481, %parallel_loop3A_520 : i32
        %parallel_loop3A_522 = arith.constant 16 : i32
        %parallel_loop3A_523 = arith.muli %parallel_loop3A_521, %parallel_loop3A_522 : i32
        %parallel_loop3A_524 = arith.constant 1 : i32
        %parallel_loop3A_525 = arith.index_cast %parallel_loop3A_524 : i32 to index
        %parallel_loop3A_526 = arith.index_cast %parallel_loop3A_523 : i32 to index
        %parallel_loop3A_527 = tpu.vector_load %arg8[%parallel_loop3A_525, %parallel_loop3A_526] {strides = array<i32>} : memref<4x4096xf32, #tpu.memory_space<vmem>>, vector<16xf32>,
        %parallel_loop3A_528 = arith.mulf %parallel_loop3A_527, %parallel_loop3A_527 : vector<16xf32>
        %parallel_loop3A_529 = arith.addf %parallel_loop3A_485, %parallel_loop3A_528 : vector<16xf32>
        %parallel_loop3A_530 = arith.constant 4 : i32
        %parallel_loop3A_531 = arith.addi %parallel_loop3A_481, %parallel_loop3A_530 : i32
        %parallel_loop3A_532 = arith.constant 16 : i32
        %parallel_loop3A_533 = arith.muli %parallel_loop3A_531, %parallel_loop3A_532 : i32
        %parallel_loop3A_534 = arith.constant 1 : i32
        %parallel_loop3A_535 = arith.index_cast %parallel_loop3A_534 : i32 to index
        %parallel_loop3A_536 = arith.index_cast %parallel_loop3A_533 : i32 to index
        %parallel_loop3A_537 = tpu.vector_load %arg8[%parallel_loop3A_535, %parallel_loop3A_536] {strides = array<i32>} : memref<4x4096xf32, #tpu.memory_space<vmem>>, vector<16xf32>,
        %parallel_loop3A_538 = arith.mulf %parallel_loop3A_537, %parallel_loop3A_537 : vector<16xf32>
        %parallel_loop3A_539 = arith.addf %parallel_loop3A_486, %parallel_loop3A_538 : vector<16xf32>
        %parallel_loop3A_540 = arith.constant 5 : i32
        %parallel_loop3A_541 = arith.addi %parallel_loop3A_481, %parallel_loop3A_540 : i32
        %parallel_loop3A_542 = arith.constant 16 : i32
        %parallel_loop3A_543 = arith.muli %parallel_loop3A_541, %parallel_loop3A_542 : i32
        %parallel_loop3A_544 = arith.constant 1 : i32
        %parallel_loop3A_545 = arith.index_cast %parallel_loop3A_544 : i32 to index
        %parallel_loop3A_546 = arith.index_cast %parallel_loop3A_543 : i32 to index
        %parallel_loop3A_547 = tpu.vector_load %arg8[%parallel_loop3A_545, %parallel_loop3A_546] {strides = array<i32>} : memref<4x4096xf32, #tpu.memory_space<vmem>>, vector<16xf32>,
        %parallel_loop3A_548 = arith.mulf %parallel_loop3A_547, %parallel_loop3A_547 : vector<16xf32>
        %parallel_loop3A_549 = arith.addf %parallel_loop3A_487, %parallel_loop3A_548 : vector<16xf32>
        %parallel_loop3A_550 = arith.constant 6 : i32
        %parallel_loop3A_551 = arith.addi %parallel_loop3A_481, %parallel_loop3A_550 : i32
        %parallel_loop3A_552 = arith.constant 16 : i32
        %parallel_loop3A_553 = arith.muli %parallel_loop3A_551, %parallel_loop3A_552 : i32
        %parallel_loop3A_554 = arith.constant 1 : i32
        %parallel_loop3A_555 = arith.index_cast %parallel_loop3A_554 : i32 to index
        %parallel_loop3A_556 = arith.index_cast %parallel_loop3A_553 : i32 to index
        %parallel_loop3A_557 = tpu.vector_load %arg8[%parallel_loop3A_555, %parallel_loop3A_556] {strides = array<i32>} : memref<4x4096xf32, #tpu.memory_space<vmem>>, vector<16xf32>,
        %parallel_loop3A_558 = arith.mulf %parallel_loop3A_557, %parallel_loop3A_557 : vector<16xf32>
        %parallel_loop3A_559 = arith.addf %parallel_loop3A_488, %parallel_loop3A_558 : vector<16xf32>
        %parallel_loop3A_560 = arith.constant 7 : i32
        %parallel_loop3A_561 = arith.addi %parallel_loop3A_481, %parallel_loop3A_560 : i32
        %parallel_loop3A_562 = arith.constant 16 : i32
        %parallel_loop3A_563 = arith.muli %parallel_loop3A_561, %parallel_loop3A_562 : i32
        %parallel_loop3A_564 = arith.constant 1 : i32
        %parallel_loop3A_565 = arith.index_cast %parallel_loop3A_564 : i32 to index
        %parallel_loop3A_566 = arith.index_cast %parallel_loop3A_563 : i32 to index
        %parallel_loop3A_567 = tpu.vector_load %arg8[%parallel_loop3A_565, %parallel_loop3A_566] {strides = array<i32>} : memref<4x4096xf32, #tpu.memory_space<vmem>>, vector<16xf32>,
        %parallel_loop3A_568 = arith.mulf %parallel_loop3A_567, %parallel_loop3A_567 : vector<16xf32>
        %parallel_loop3A_569 = arith.addf %parallel_loop3A_489, %parallel_loop3A_568 : vector<16xf32>
        scf.yield %parallel_loop3A_499, %parallel_loop3A_509, %parallel_loop3A_519, %parallel_loop3A_529, %parallel_loop3A_539, %parallel_loop3A_549, %parallel_loop3A_559, %parallel_loop3A_569 : vector<16xf32>, vector<16xf32>, vector<16xf32>, vector<16xf32>, vector<16xf32>, vector<16xf32>, vector<16xf32>, vector<16xf32>
      } {sc.loop_unroll_factor = 2 : i64, sc.parallel_access}
      %add3A_415 = arith.addf %parallel_loop3A_414#0, %parallel_loop3A_414#1 : vector<16xf32>
      %add3A_416 = arith.addf %add3A_415, %parallel_loop3A_414#2 : vector<16xf32>
      %add3A_417 = arith.addf %add3A_416, %parallel_loop3A_414#3 : vector<16xf32>
      %add3A_418 = arith.addf %add3A_417, %parallel_loop3A_414#4 : vector<16xf32>
      %add3A_419 = arith.addf %add3A_418, %parallel_loop3A_414#5 : vector<16xf32>
      %add3A_420 = arith.addf %add3A_419, %parallel_loop3A_414#6 : vector<16xf32>
      %add3A_421 = arith.addf %add3A_420, %parallel_loop3A_414#7 : vector<16xf32>
      %broadcast_in_dim3A_422 = arith.constant true
      %broadcast_in_dim3A_423 = vector.broadcast %broadcast_in_dim3A_422 : i1 to vector<16xi1>
      %masked_cumsum3A_424 = tpu.scan <sum>, %add3A_421 masked %broadcast_in_dim3A_423 : vector<16xf32>, vector<16xi1> -> vector<16xf32>
      %slice3A_425 = vector.extract_strided_slice %masked_cumsum3A_424 {offsets = [15], sizes = [1], strides = [1]} : vector<16xf32> to vector<1xf32>
      %squeeze3A_426 = vector.extract %slice3A_425[0] : f32 from vector<1xf32>
      %mul3A_427 = arith.mulf %squeeze3A_426, %scan3A : f32
      %eq3A_428 = arith.constant 13 : i32
      %eq3A_429 = vector.broadcast %eq3A_428 : i32 to vector<16xi32>
      %eq3A_430 = arith.cmpi eq, %iota3A, %eq3A_429 : vector<16xi32>
      %broadcast_in_dim3A_431 = vector.broadcast %mul3A_427 : f32 to vector<16xf32>
      %select_n3A_432 = arith.select %eq3A_430, %broadcast_in_dim3A_431, %select_n3A_410 : vector<16xi1>, vector<16xf32>
      %parallel_loop3A_433 = arith.constant 0 : i32
      %parallel_loop3A_434 = arith.constant 256 : i32
      %parallel_loop3A_435 = arith.constant 8 : i32
      %parallel_loop3A_436:8 = scf.for %parallel_loop3A_481 = %parallel_loop3A_433 to %parallel_loop3A_434 step %parallel_loop3A_435 iter_args(%parallel_loop3A_482 = %broadcast_in_dim3A_5, %parallel_loop3A_483 = %broadcast_in_dim3A_7, %parallel_loop3A_484 = %broadcast_in_dim3A_9, %parallel_loop3A_485 = %broadcast_in_dim3A_11, %parallel_loop3A_486 = %broadcast_in_dim3A_13, %parallel_loop3A_487 = %broadcast_in_dim3A_15, %parallel_loop3A_488 = %broadcast_in_dim3A_17, %parallel_loop3A_489 = %broadcast_in_dim3A_19) -> (vector<16xf32>, vector<16xf32>, vector<16xf32>, vector<16xf32>, vector<16xf32>, vector<16xf32>, vector<16xf32>, vector<16xf32>)  : i32 {
        %parallel_loop3A_490 = arith.constant 0 : i32
        %parallel_loop3A_491 = arith.addi %parallel_loop3A_481, %parallel_loop3A_490 : i32
        %parallel_loop3A_492 = arith.constant 16 : i32
        %parallel_loop3A_493 = arith.muli %parallel_loop3A_491, %parallel_loop3A_492 : i32
        %parallel_loop3A_494 = arith.constant 2 : i32
        %parallel_loop3A_495 = arith.index_cast %parallel_loop3A_494 : i32 to index
        %parallel_loop3A_496 = arith.index_cast %parallel_loop3A_493 : i32 to index
        %parallel_loop3A_497 = tpu.vector_load %arg8[%parallel_loop3A_495, %parallel_loop3A_496] {strides = array<i32>} : memref<4x4096xf32, #tpu.memory_space<vmem>>, vector<16xf32>,
        %parallel_loop3A_498 = arith.mulf %parallel_loop3A_497, %parallel_loop3A_497 : vector<16xf32>
        %parallel_loop3A_499 = arith.addf %parallel_loop3A_482, %parallel_loop3A_498 : vector<16xf32>
        %parallel_loop3A_500 = arith.constant 1 : i32
        %parallel_loop3A_501 = arith.addi %parallel_loop3A_481, %parallel_loop3A_500 : i32
        %parallel_loop3A_502 = arith.constant 16 : i32
        %parallel_loop3A_503 = arith.muli %parallel_loop3A_501, %parallel_loop3A_502 : i32
        %parallel_loop3A_504 = arith.constant 2 : i32
        %parallel_loop3A_505 = arith.index_cast %parallel_loop3A_504 : i32 to index
        %parallel_loop3A_506 = arith.index_cast %parallel_loop3A_503 : i32 to index
        %parallel_loop3A_507 = tpu.vector_load %arg8[%parallel_loop3A_505, %parallel_loop3A_506] {strides = array<i32>} : memref<4x4096xf32, #tpu.memory_space<vmem>>, vector<16xf32>,
        %parallel_loop3A_508 = arith.mulf %parallel_loop3A_507, %parallel_loop3A_507 : vector<16xf32>
        %parallel_loop3A_509 = arith.addf %parallel_loop3A_483, %parallel_loop3A_508 : vector<16xf32>
        %parallel_loop3A_510 = arith.constant 2 : i32
        %parallel_loop3A_511 = arith.addi %parallel_loop3A_481, %parallel_loop3A_510 : i32
        %parallel_loop3A_512 = arith.constant 16 : i32
        %parallel_loop3A_513 = arith.muli %parallel_loop3A_511, %parallel_loop3A_512 : i32
        %parallel_loop3A_514 = arith.constant 2 : i32
        %parallel_loop3A_515 = arith.index_cast %parallel_loop3A_514 : i32 to index
        %parallel_loop3A_516 = arith.index_cast %parallel_loop3A_513 : i32 to index
        %parallel_loop3A_517 = tpu.vector_load %arg8[%parallel_loop3A_515, %parallel_loop3A_516] {strides = array<i32>} : memref<4x4096xf32, #tpu.memory_space<vmem>>, vector<16xf32>,
        %parallel_loop3A_518 = arith.mulf %parallel_loop3A_517, %parallel_loop3A_517 : vector<16xf32>
        %parallel_loop3A_519 = arith.addf %parallel_loop3A_484, %parallel_loop3A_518 : vector<16xf32>
        %parallel_loop3A_520 = arith.constant 3 : i32
        %parallel_loop3A_521 = arith.addi %parallel_loop3A_481, %parallel_loop3A_520 : i32
        %parallel_loop3A_522 = arith.constant 16 : i32
        %parallel_loop3A_523 = arith.muli %parallel_loop3A_521, %parallel_loop3A_522 : i32
        %parallel_loop3A_524 = arith.constant 2 : i32
        %parallel_loop3A_525 = arith.index_cast %parallel_loop3A_524 : i32 to index
        %parallel_loop3A_526 = arith.index_cast %parallel_loop3A_523 : i32 to index
        %parallel_loop3A_527 = tpu.vector_load %arg8[%parallel_loop3A_525, %parallel_loop3A_526] {strides = array<i32>} : memref<4x4096xf32, #tpu.memory_space<vmem>>, vector<16xf32>,
        %parallel_loop3A_528 = arith.mulf %parallel_loop3A_527, %parallel_loop3A_527 : vector<16xf32>
        %parallel_loop3A_529 = arith.addf %parallel_loop3A_485, %parallel_loop3A_528 : vector<16xf32>
        %parallel_loop3A_530 = arith.constant 4 : i32
        %parallel_loop3A_531 = arith.addi %parallel_loop3A_481, %parallel_loop3A_530 : i32
        %parallel_loop3A_532 = arith.constant 16 : i32
        %parallel_loop3A_533 = arith.muli %parallel_loop3A_531, %parallel_loop3A_532 : i32
        %parallel_loop3A_534 = arith.constant 2 : i32
        %parallel_loop3A_535 = arith.index_cast %parallel_loop3A_534 : i32 to index
        %parallel_loop3A_536 = arith.index_cast %parallel_loop3A_533 : i32 to index
        %parallel_loop3A_537 = tpu.vector_load %arg8[%parallel_loop3A_535, %parallel_loop3A_536] {strides = array<i32>} : memref<4x4096xf32, #tpu.memory_space<vmem>>, vector<16xf32>,
        %parallel_loop3A_538 = arith.mulf %parallel_loop3A_537, %parallel_loop3A_537 : vector<16xf32>
        %parallel_loop3A_539 = arith.addf %parallel_loop3A_486, %parallel_loop3A_538 : vector<16xf32>
        %parallel_loop3A_540 = arith.constant 5 : i32
        %parallel_loop3A_541 = arith.addi %parallel_loop3A_481, %parallel_loop3A_540 : i32
        %parallel_loop3A_542 = arith.constant 16 : i32
        %parallel_loop3A_543 = arith.muli %parallel_loop3A_541, %parallel_loop3A_542 : i32
        %parallel_loop3A_544 = arith.constant 2 : i32
        %parallel_loop3A_545 = arith.index_cast %parallel_loop3A_544 : i32 to index
        %parallel_loop3A_546 = arith.index_cast %parallel_loop3A_543 : i32 to index
        %parallel_loop3A_547 = tpu.vector_load %arg8[%parallel_loop3A_545, %parallel_loop3A_546] {strides = array<i32>} : memref<4x4096xf32, #tpu.memory_space<vmem>>, vector<16xf32>,
        %parallel_loop3A_548 = arith.mulf %parallel_loop3A_547, %parallel_loop3A_547 : vector<16xf32>
        %parallel_loop3A_549 = arith.addf %parallel_loop3A_487, %parallel_loop3A_548 : vector<16xf32>
        %parallel_loop3A_550 = arith.constant 6 : i32
        %parallel_loop3A_551 = arith.addi %parallel_loop3A_481, %parallel_loop3A_550 : i32
        %parallel_loop3A_552 = arith.constant 16 : i32
        %parallel_loop3A_553 = arith.muli %parallel_loop3A_551, %parallel_loop3A_552 : i32
        %parallel_loop3A_554 = arith.constant 2 : i32
        %parallel_loop3A_555 = arith.index_cast %parallel_loop3A_554 : i32 to index
        %parallel_loop3A_556 = arith.index_cast %parallel_loop3A_553 : i32 to index
        %parallel_loop3A_557 = tpu.vector_load %arg8[%parallel_loop3A_555, %parallel_loop3A_556] {strides = array<i32>} : memref<4x4096xf32, #tpu.memory_space<vmem>>, vector<16xf32>,
        %parallel_loop3A_558 = arith.mulf %parallel_loop3A_557, %parallel_loop3A_557 : vector<16xf32>
        %parallel_loop3A_559 = arith.addf %parallel_loop3A_488, %parallel_loop3A_558 : vector<16xf32>
        %parallel_loop3A_560 = arith.constant 7 : i32
        %parallel_loop3A_561 = arith.addi %parallel_loop3A_481, %parallel_loop3A_560 : i32
        %parallel_loop3A_562 = arith.constant 16 : i32
        %parallel_loop3A_563 = arith.muli %parallel_loop3A_561, %parallel_loop3A_562 : i32
        %parallel_loop3A_564 = arith.constant 2 : i32
        %parallel_loop3A_565 = arith.index_cast %parallel_loop3A_564 : i32 to index
        %parallel_loop3A_566 = arith.index_cast %parallel_loop3A_563 : i32 to index
        %parallel_loop3A_567 = tpu.vector_load %arg8[%parallel_loop3A_565, %parallel_loop3A_566] {strides = array<i32>} : memref<4x4096xf32, #tpu.memory_space<vmem>>, vector<16xf32>,
        %parallel_loop3A_568 = arith.mulf %parallel_loop3A_567, %parallel_loop3A_567 : vector<16xf32>
        %parallel_loop3A_569 = arith.addf %parallel_loop3A_489, %parallel_loop3A_568 : vector<16xf32>
        scf.yield %parallel_loop3A_499, %parallel_loop3A_509, %parallel_loop3A_519, %parallel_loop3A_529, %parallel_loop3A_539, %parallel_loop3A_549, %parallel_loop3A_559, %parallel_loop3A_569 : vector<16xf32>, vector<16xf32>, vector<16xf32>, vector<16xf32>, vector<16xf32>, vector<16xf32>, vector<16xf32>, vector<16xf32>
      } {sc.loop_unroll_factor = 2 : i64, sc.parallel_access}
      %add3A_437 = arith.addf %parallel_loop3A_436#0, %parallel_loop3A_436#1 : vector<16xf32>
      %add3A_438 = arith.addf %add3A_437, %parallel_loop3A_436#2 : vector<16xf32>
      %add3A_439 = arith.addf %add3A_438, %parallel_loop3A_436#3 : vector<16xf32>
      %add3A_440 = arith.addf %add3A_439, %parallel_loop3A_436#4 : vector<16xf32>
      %add3A_441 = arith.addf %add3A_440, %parallel_loop3A_436#5 : vector<16xf32>
      %add3A_442 = arith.addf %add3A_441, %parallel_loop3A_436#6 : vector<16xf32>
      %add3A_443 = arith.addf %add3A_442, %parallel_loop3A_436#7 : vector<16xf32>
      %broadcast_in_dim3A_444 = arith.constant true
      %broadcast_in_dim3A_445 = vector.broadcast %broadcast_in_dim3A_444 : i1 to vector<16xi1>
      %masked_cumsum3A_446 = tpu.scan <sum>, %add3A_443 masked %broadcast_in_dim3A_445 : vector<16xf32>, vector<16xi1> -> vector<16xf32>
      %slice3A_447 = vector.extract_strided_slice %masked_cumsum3A_446 {offsets = [15], sizes = [1], strides = [1]} : vector<16xf32> to vector<1xf32>
      %squeeze3A_448 = vector.extract %slice3A_447[0] : f32 from vector<1xf32>
      %mul3A_449 = arith.mulf %squeeze3A_448, %scan3A : f32
      %eq3A_450 = arith.constant 14 : i32
      %eq3A_451 = vector.broadcast %eq3A_450 : i32 to vector<16xi32>
      %eq3A_452 = arith.cmpi eq, %iota3A, %eq3A_451 : vector<16xi32>
      %broadcast_in_dim3A_453 = vector.broadcast %mul3A_449 : f32 to vector<16xf32>
      %select_n3A_454 = arith.select %eq3A_452, %broadcast_in_dim3A_453, %select_n3A_432 : vector<16xi1>, vector<16xf32>
      %parallel_loop3A_455 = arith.constant 0 : i32
      %parallel_loop3A_456 = arith.constant 256 : i32
      %parallel_loop3A_457 = arith.constant 8 : i32
      %parallel_loop3A_458:8 = scf.for %parallel_loop3A_481 = %parallel_loop3A_455 to %parallel_loop3A_456 step %parallel_loop3A_457 iter_args(%parallel_loop3A_482 = %broadcast_in_dim3A_5, %parallel_loop3A_483 = %broadcast_in_dim3A_7, %parallel_loop3A_484 = %broadcast_in_dim3A_9, %parallel_loop3A_485 = %broadcast_in_dim3A_11, %parallel_loop3A_486 = %broadcast_in_dim3A_13, %parallel_loop3A_487 = %broadcast_in_dim3A_15, %parallel_loop3A_488 = %broadcast_in_dim3A_17, %parallel_loop3A_489 = %broadcast_in_dim3A_19) -> (vector<16xf32>, vector<16xf32>, vector<16xf32>, vector<16xf32>, vector<16xf32>, vector<16xf32>, vector<16xf32>, vector<16xf32>)  : i32 {
        %parallel_loop3A_490 = arith.constant 0 : i32
        %parallel_loop3A_491 = arith.addi %parallel_loop3A_481, %parallel_loop3A_490 : i32
        %parallel_loop3A_492 = arith.constant 16 : i32
        %parallel_loop3A_493 = arith.muli %parallel_loop3A_491, %parallel_loop3A_492 : i32
        %parallel_loop3A_494 = arith.constant 3 : i32
        %parallel_loop3A_495 = arith.index_cast %parallel_loop3A_494 : i32 to index
        %parallel_loop3A_496 = arith.index_cast %parallel_loop3A_493 : i32 to index
        %parallel_loop3A_497 = tpu.vector_load %arg8[%parallel_loop3A_495, %parallel_loop3A_496] {strides = array<i32>} : memref<4x4096xf32, #tpu.memory_space<vmem>>, vector<16xf32>,
        %parallel_loop3A_498 = arith.mulf %parallel_loop3A_497, %parallel_loop3A_497 : vector<16xf32>
        %parallel_loop3A_499 = arith.addf %parallel_loop3A_482, %parallel_loop3A_498 : vector<16xf32>
        %parallel_loop3A_500 = arith.constant 1 : i32
        %parallel_loop3A_501 = arith.addi %parallel_loop3A_481, %parallel_loop3A_500 : i32
        %parallel_loop3A_502 = arith.constant 16 : i32
        %parallel_loop3A_503 = arith.muli %parallel_loop3A_501, %parallel_loop3A_502 : i32
        %parallel_loop3A_504 = arith.constant 3 : i32
        %parallel_loop3A_505 = arith.index_cast %parallel_loop3A_504 : i32 to index
        %parallel_loop3A_506 = arith.index_cast %parallel_loop3A_503 : i32 to index
        %parallel_loop3A_507 = tpu.vector_load %arg8[%parallel_loop3A_505, %parallel_loop3A_506] {strides = array<i32>} : memref<4x4096xf32, #tpu.memory_space<vmem>>, vector<16xf32>,
        %parallel_loop3A_508 = arith.mulf %parallel_loop3A_507, %parallel_loop3A_507 : vector<16xf32>
        %parallel_loop3A_509 = arith.addf %parallel_loop3A_483, %parallel_loop3A_508 : vector<16xf32>
        %parallel_loop3A_510 = arith.constant 2 : i32
        %parallel_loop3A_511 = arith.addi %parallel_loop3A_481, %parallel_loop3A_510 : i32
        %parallel_loop3A_512 = arith.constant 16 : i32
        %parallel_loop3A_513 = arith.muli %parallel_loop3A_511, %parallel_loop3A_512 : i32
        %parallel_loop3A_514 = arith.constant 3 : i32
        %parallel_loop3A_515 = arith.index_cast %parallel_loop3A_514 : i32 to index
        %parallel_loop3A_516 = arith.index_cast %parallel_loop3A_513 : i32 to index
        %parallel_loop3A_517 = tpu.vector_load %arg8[%parallel_loop3A_515, %parallel_loop3A_516] {strides = array<i32>} : memref<4x4096xf32, #tpu.memory_space<vmem>>, vector<16xf32>,
        %parallel_loop3A_518 = arith.mulf %parallel_loop3A_517, %parallel_loop3A_517 : vector<16xf32>
        %parallel_loop3A_519 = arith.addf %parallel_loop3A_484, %parallel_loop3A_518 : vector<16xf32>
        %parallel_loop3A_520 = arith.constant 3 : i32
        %parallel_loop3A_521 = arith.addi %parallel_loop3A_481, %parallel_loop3A_520 : i32
        %parallel_loop3A_522 = arith.constant 16 : i32
        %parallel_loop3A_523 = arith.muli %parallel_loop3A_521, %parallel_loop3A_522 : i32
        %parallel_loop3A_524 = arith.constant 3 : i32
        %parallel_loop3A_525 = arith.index_cast %parallel_loop3A_524 : i32 to index
        %parallel_loop3A_526 = arith.index_cast %parallel_loop3A_523 : i32 to index
        %parallel_loop3A_527 = tpu.vector_load %arg8[%parallel_loop3A_525, %parallel_loop3A_526] {strides = array<i32>} : memref<4x4096xf32, #tpu.memory_space<vmem>>, vector<16xf32>,
        %parallel_loop3A_528 = arith.mulf %parallel_loop3A_527, %parallel_loop3A_527 : vector<16xf32>
        %parallel_loop3A_529 = arith.addf %parallel_loop3A_485, %parallel_loop3A_528 : vector<16xf32>
        %parallel_loop3A_530 = arith.constant 4 : i32
        %parallel_loop3A_531 = arith.addi %parallel_loop3A_481, %parallel_loop3A_530 : i32
        %parallel_loop3A_532 = arith.constant 16 : i32
        %parallel_loop3A_533 = arith.muli %parallel_loop3A_531, %parallel_loop3A_532 : i32
        %parallel_loop3A_534 = arith.constant 3 : i32
        %parallel_loop3A_535 = arith.index_cast %parallel_loop3A_534 : i32 to index
        %parallel_loop3A_536 = arith.index_cast %parallel_loop3A_533 : i32 to index
        %parallel_loop3A_537 = tpu.vector_load %arg8[%parallel_loop3A_535, %parallel_loop3A_536] {strides = array<i32>} : memref<4x4096xf32, #tpu.memory_space<vmem>>, vector<16xf32>,
        %parallel_loop3A_538 = arith.mulf %parallel_loop3A_537, %parallel_loop3A_537 : vector<16xf32>
        %parallel_loop3A_539 = arith.addf %parallel_loop3A_486, %parallel_loop3A_538 : vector<16xf32>
        %parallel_loop3A_540 = arith.constant 5 : i32
        %parallel_loop3A_541 = arith.addi %parallel_loop3A_481, %parallel_loop3A_540 : i32
        %parallel_loop3A_542 = arith.constant 16 : i32
        %parallel_loop3A_543 = arith.muli %parallel_loop3A_541, %parallel_loop3A_542 : i32
        %parallel_loop3A_544 = arith.constant 3 : i32
        %parallel_loop3A_545 = arith.index_cast %parallel_loop3A_544 : i32 to index
        %parallel_loop3A_546 = arith.index_cast %parallel_loop3A_543 : i32 to index
        %parallel_loop3A_547 = tpu.vector_load %arg8[%parallel_loop3A_545, %parallel_loop3A_546] {strides = array<i32>} : memref<4x4096xf32, #tpu.memory_space<vmem>>, vector<16xf32>,
        %parallel_loop3A_548 = arith.mulf %parallel_loop3A_547, %parallel_loop3A_547 : vector<16xf32>
        %parallel_loop3A_549 = arith.addf %parallel_loop3A_487, %parallel_loop3A_548 : vector<16xf32>
        %parallel_loop3A_550 = arith.constant 6 : i32
        %parallel_loop3A_551 = arith.addi %parallel_loop3A_481, %parallel_loop3A_550 : i32
        %parallel_loop3A_552 = arith.constant 16 : i32
        %parallel_loop3A_553 = arith.muli %parallel_loop3A_551, %parallel_loop3A_552 : i32
        %parallel_loop3A_554 = arith.constant 3 : i32
        %parallel_loop3A_555 = arith.index_cast %parallel_loop3A_554 : i32 to index
        %parallel_loop3A_556 = arith.index_cast %parallel_loop3A_553 : i32 to index
        %parallel_loop3A_557 = tpu.vector_load %arg8[%parallel_loop3A_555, %parallel_loop3A_556] {strides = array<i32>} : memref<4x4096xf32, #tpu.memory_space<vmem>>, vector<16xf32>,
        %parallel_loop3A_558 = arith.mulf %parallel_loop3A_557, %parallel_loop3A_557 : vector<16xf32>
        %parallel_loop3A_559 = arith.addf %parallel_loop3A_488, %parallel_loop3A_558 : vector<16xf32>
        %parallel_loop3A_560 = arith.constant 7 : i32
        %parallel_loop3A_561 = arith.addi %parallel_loop3A_481, %parallel_loop3A_560 : i32
        %parallel_loop3A_562 = arith.constant 16 : i32
        %parallel_loop3A_563 = arith.muli %parallel_loop3A_561, %parallel_loop3A_562 : i32
        %parallel_loop3A_564 = arith.constant 3 : i32
        %parallel_loop3A_565 = arith.index_cast %parallel_loop3A_564 : i32 to index
        %parallel_loop3A_566 = arith.index_cast %parallel_loop3A_563 : i32 to index
        %parallel_loop3A_567 = tpu.vector_load %arg8[%parallel_loop3A_565, %parallel_loop3A_566] {strides = array<i32>} : memref<4x4096xf32, #tpu.memory_space<vmem>>, vector<16xf32>,
        %parallel_loop3A_568 = arith.mulf %parallel_loop3A_567, %parallel_loop3A_567 : vector<16xf32>
        %parallel_loop3A_569 = arith.addf %parallel_loop3A_489, %parallel_loop3A_568 : vector<16xf32>
        scf.yield %parallel_loop3A_499, %parallel_loop3A_509, %parallel_loop3A_519, %parallel_loop3A_529, %parallel_loop3A_539, %parallel_loop3A_549, %parallel_loop3A_559, %parallel_loop3A_569 : vector<16xf32>, vector<16xf32>, vector<16xf32>, vector<16xf32>, vector<16xf32>, vector<16xf32>, vector<16xf32>, vector<16xf32>
      } {sc.loop_unroll_factor = 2 : i64, sc.parallel_access}
      %add3A_459 = arith.addf %parallel_loop3A_458#0, %parallel_loop3A_458#1 : vector<16xf32>
      %add3A_460 = arith.addf %add3A_459, %parallel_loop3A_458#2 : vector<16xf32>
      %add3A_461 = arith.addf %add3A_460, %parallel_loop3A_458#3 : vector<16xf32>
      %add3A_462 = arith.addf %add3A_461, %parallel_loop3A_458#4 : vector<16xf32>
      %add3A_463 = arith.addf %add3A_462, %parallel_loop3A_458#5 : vector<16xf32>
      %add3A_464 = arith.addf %add3A_463, %parallel_loop3A_458#6 : vector<16xf32>
      %add3A_465 = arith.addf %add3A_464, %parallel_loop3A_458#7 : vector<16xf32>
      %broadcast_in_dim3A_466 = arith.constant true
      %broadcast_in_dim3A_467 = vector.broadcast %broadcast_in_dim3A_466 : i1 to vector<16xi1>
      %masked_cumsum3A_468 = tpu.scan <sum>, %add3A_465 masked %broadcast_in_dim3A_467 : vector<16xf32>, vector<16xi1> -> vector<16xf32>
      %slice3A_469 = vector.extract_strided_slice %masked_cumsum3A_468 {offsets = [15], sizes = [1], strides = [1]} : vector<16xf32> to vector<1xf32>
      %squeeze3A_470 = vector.extract %slice3A_469[0] : f32 from vector<1xf32>
      %mul3A_471 = arith.mulf %squeeze3A_470, %scan3A : f32
      %eq3A_472 = arith.constant 15 : i32
      %eq3A_473 = vector.broadcast %eq3A_472 : i32 to vector<16xi32>
      %eq3A_474 = arith.cmpi eq, %iota3A, %eq3A_473 : vector<16xi32>
      %broadcast_in_dim3A_475 = vector.broadcast %mul3A_471 : f32 to vector<16xf32>
      %select_n3A_476 = arith.select %eq3A_474, %broadcast_in_dim3A_475, %select_n3A_454 : vector<16xi1>, vector<16xf32>
      %mul3A_477 = arith.constant 16 : i32
      %mul3A_478 = arith.muli %scan3A_39, %mul3A_477 : i32
      %swap3A = arith.index_cast %mul3A_478 : i32 to index
      %swap3A_479 = tpu.vector_load %arg11[%swap3A] {strides = array<i32>} : memref<512xf32, #tpu.memory_space<vmem>>, vector<16xf32>,
      tpu.vector_store %arg11[%swap3A], %select_n3A_476 {strides = array<i32>} : memref<512xf32, #tpu.memory_space<vmem>>, vector<16xf32>,
      %scan3A_480 = arith.constant 0 : i32
      scf.yield %scan3A_480 : i32
    }
    %scan3A_38 = arith.constant 32 : i32
    "tpu.region"() ({
      %run_scoped3A = tpu.sem_alloc : memref<!tpu.dma_semaphore, #tpu.memory_space<semaphore_mem>>
      %dma_start3A_39 = tpu.memref_slice %arg5[%mul3A_2] : memref<16384xf32, #tpu.memory_space<hbm>> -> memref<512xf32, #tpu.memory_space<hbm>>
      %dma_start3A_40 = tpu.memref_slice %arg5[%mul3A_2] : memref<16384xf32, #tpu.memory_space<hbm>> -> memref<512xf32, #tpu.memory_space<hbm>>
      tpu.enqueue_dma source(%arg11 : memref<512xf32, #tpu.memory_space<vmem>>) target(%dma_start3A_40 : memref<512xf32, #tpu.memory_space<hbm>>) target_semaphore(%run_scoped3A : memref<!tpu.dma_semaphore, #tpu.memory_space<semaphore_mem>>)
      %dma_wait3A = tpu.memref_slice %arg5[%mul3A_2] : memref<16384xf32, #tpu.memory_space<hbm>> -> memref<512xf32, #tpu.memory_space<hbm>>
      %dma_wait3A_41 = tpu.memref_slice %arg5[%mul3A_2] : memref<16384xf32, #tpu.memory_space<hbm>> -> memref<512xf32, #tpu.memory_space<hbm>>
      tpu.wait_dma2 semaphore(%run_scoped3A : memref<!tpu.dma_semaphore, #tpu.memory_space<semaphore_mem>>) src(%arg11 : memref<512xf32, #tpu.memory_space<vmem>>) dst(%dma_wait3A_41 : memref<512xf32, #tpu.memory_space<hbm>>)
      tpu.yield
    }) : () -> ()
    return
  }
}

</mosaic_0001>

<sc_bundles>
// kernel: loss_center_sc.3.cloned.1.call-start
scs
__scs_entry_jumppad:
0x0: {  	(pc) =	sbr.rel $0x88, $3  }
0x1: {  	(tag) =	ssettag $0x0;
	lr =	simm.s32 $0x1  }
0x2: {  	[smem:$0x3F9E] =	sst lr;
	_ =	strace $0xD0000000  }
0x3: {  	_ = 	snop  }
0x4: {  	_ = 	snop  }
0x5: {  	_ = 	snop  }
0x6: {  	_ = 	snop  }
0x7: {  	_ = 	snop  }
__scs_overlays_trampoline_lowered:
0x8: {  	[smem:$0x3FAD] =	sst s0  }
0x9: {  	[smem:$0x3FAE] =	sst s1  }
0xa: {  	[smem:$0x3FAF] =	sst s2  }
0xb: {  	[smem:$0x3FB0] =	sst s3  }
0xc: {  	[smem:$0x3FB1] =	sst s4  }
0xd: {  	[smem:$0x3FB2] =	sst s5  }
0xe: {  	[smem:$0x3FB3] =	sst s6  }
0xf: {  	[smem:$0x3FB4] =	sst s7  }
0x10: {  	[smem:$0x3FB5] =	sst s8  }
0x11: {  	[smem:$0x3FB6] =	sst s9;
	s0 =	simm.s32 @!p0 $0x0  }
0x12: {  	s1 =	sld [smem:$0x3F9C];
	s0 =	simm.s32 @p0 $0x1  }
0x13: {  	[smem:$0x3FB7] =	sst s0;
	s0 =	simm.s32 @!p1 $0x0  }
0x14: {  	s2 =	sld [smem:$0x3F9B];
	s0 =	simm.s32 @p1 $0x1  }
0x15: {  	[smem:$0x3FB8] =	sst s0;
	s0 =	simm.s32 @!p2 $0x0  }
0x16: {  	s3 =	sld [smem:$0x3FDB];
	s0 =	simm.s32 @p2 $0x1  }
0x17: {  	s4 =	simm.s32 $0x1BF5;
	[smem:$0x3FBA] =	sst s0  }
0x18: {  	s0 =	sld [smem:$0x3F9D];
	_ =	swait.ge [sflag:s4], $0x0  }
0x19: {  	s7 =	sld [smem:$0x3F9E]  }
0x1a: {  	s8 =	sadd.s32 $0xFFFFE003, lr  }
0x1b: {  	s9 =	sadd.s32 $0xFFFFFEF7, lr;
	s5 =	simm.s32 $0xFFFFFFFF;
	p2 =	slt.u32 s8, $0xFFFFF086  }
0x1c: {  	p1 =	slt.u32 s9, $0xF7A;
	s5 =	simm.s32 @!p2 $0x0  }
0x1d: {  	s5 =	simm.s32 @p1 $0x1;
	p0 =	seq.s32 s7, s2  }
0x1e: {  	s7 =	smul.u32 @!p0 $0xF7A, s2;
	p2 =	seq.s32 @!p0 s5, $0x0  }
0x1f: {  	s9 =	smul.u32 $0xF7A, s1;
	s8 =	simm.s32 @!p0 $0x1BF5;
	p2 =	por !p2, p0  }
0x20: {  	[sflag:s8] =	ssyncset.s32 @!p0 $0xFFFFF086;
	s6 =	sadd.s32 @!p0 s3, s7;
	s7 =	simm.s32 @!p0 $0x108  }
0x21: {  	s3 =	sadd.s32 s3, s9;
	s6 =	sadd.s32 @!p0 $0x88, s6;
	s7 =	simm.s32 @p2 $0x1082  }
0x22: {  	[simem:s7], [sflag:s8] =	dma.local @!p0 [hbm:s6], $0xF7A  }
0x23: {  	s9 =	sor.u32 $0xD0000000, s2;
	s6 =	simm.s32 $0x108;
	_ =	swait.ge @!p0 [sflag:s8], $0x0  }
0x24: {  	s3 =	sadd.s32 $0x88, s3;
	s6 =	simm.s32 @!p1 $0x1082;
	[sflag:s4] =	ssyncset.s32 $0xFFFFF086  }
0x25: {  	[simem:s6], [sflag:s4] =	dma.local [hbm:s3], $0xF7A  }
0x26: {  	[smem:$0x3F9E] =	sst s1;
	(tag) =	ssettag s2;
	_ =	strace s9  }
0x27: {  	s1 =	sld [smem:$0x3FAE]  }
0x28: {  	s2 =	sld [smem:$0x3FAF]  }
0x29: {  	s4 =	sld [smem:$0x3FB1]  }
0x2a: {  	p0 =	seq.s32 s5, $0x0;
	s5 =	sld [smem:$0x3FB2]  }
0x2b: {  	s6 =	sld [smem:$0x3FB3]  }
0x2c: {  	s7 =	sld [smem:$0x3FB4]  }
0x2d: {  	s3 =	simm.s32 $0x108;
	s8 =	sld [smem:$0x3FB5]  }
0x2e: {  	s3 =	simm.s32 @!p0 $0x1082;
	s9 =	sld [smem:$0x3FB6]  }
0x2f: {  	lr =	sadd.s32 s0, s3;
	s0 =	sld [smem:$0x3FAD]  }
0x30: {  	s3 =	sld [smem:$0x3FB0]  }
0x31: {  	[smem:$0x3FB9] =	sst s10  }
0x32: {  	s10 =	sld [smem:$0x3FB7];
	_ =	sdelay $0x3  }
0x33: {  	p0 =	seq.s32 s10, $0x1;
	s10 =	sld [smem:$0x3FB9];
	_ =	sdelay $0x3  }
0x34: {  	[smem:$0x3FB9] =	sst s10  }
0x35: {  	s10 =	sld [smem:$0x3FB8];
	_ =	sdelay $0x3  }
0x36: {  	p1 =	seq.s32 s10, $0x1;
	s10 =	sld [smem:$0x3FB9];
	_ =	sdelay $0x3  }
0x37: {  	[smem:$0x3FB9] =	sst s10  }
0x38: {  	s10 =	sld [smem:$0x3FBA]  }
0x39: {  	_ = 	snop;
	(pc) =	sbr.ind lr, $3  }
0x3a: {  	_ = 	snop  }
0x3b: {  	_ = 	snop  }
0x3c: {  	p2 =	seq.s32 s10, $0x1;
	s10 =	sld [smem:$0x3FB9]  }
0x3d: {  	_ =	shalt  }
0x3e: {  	_ =	shalt  }
0x3f: {  	_ =	shalt  }
0x40: {  	_ =	shalt  }
0x41: {  	_ =	shalt  }
0x42: {  	_ =	shalt  }
0x43: {  	_ =	shalt  }
0x44: {  	_ =	shalt  }
0x45: {  	_ =	shalt  }
0x46: {  	_ =	shalt  }
0x47: {  	_ =	shalt  }
0x48: {  	_ =	shalt  }
0x49: {  	_ =	shalt  }
0x4a: {  	_ =	shalt  }
0x4b: {  	_ =	shalt  }
0x4c: {  	_ =	shalt  }
0x4d: {  	_ =	shalt  }
0x4e: {  	_ =	shalt  }
0x4f: {  	_ =	shalt  }
0x50: {  	_ =	shalt  }
0x51: {  	_ =	shalt  }
0x52: {  	_ =	shalt  }
0x53: {  	_ =	shalt  }
0x54: {  	_ =	shalt  }
0x55: {  	_ =	shalt  }
0x56: {  	_ =	shalt  }
0x57: {  	_ =	shalt  }
0x58: {  	_ =	shalt  }
0x59: {  	_ =	shalt  }
0x5a: {  	_ =	shalt  }
0x5b: {  	_ =	shalt  }
0x5c: {  	_ =	shalt  }
0x5d: {  	_ =	shalt  }
0x5e: {  	_ =	shalt  }
0x5f: {  	_ =	shalt  }
0x60: {  	_ =	shalt  }
0x61: {  	_ =	shalt  }
0x62: {  	_ =	shalt  }
0x63: {  	_ =	shalt  }
0x64: {  	_ =	shalt  }
0x65: {  	_ =	shalt  }
0x66: {  	_ =	shalt  }
0x67: {  	_ =	shalt  }
0x68: {  	_ =	shalt  }
0x69: {  	_ =	shalt  }
0x6a: {  	_ =	shalt  }
0x6b: {  	_ =	shalt  }
0x6c: {  	_ =	shalt  }
0x6d: {  	_ =	shalt  }
0x6e: {  	_ =	shalt  }
0x6f: {  	_ =	shalt  }
0x70: {  	_ =	shalt  }
0x71: {  	_ =	shalt  }
0x72: {  	_ =	shalt  }
0x73: {  	_ =	shalt  }
0x74: {  	_ =	shalt  }
0x75: {  	_ =	shalt  }
0x76: {  	_ =	shalt  }
0x77: {  	_ =	shalt  }
0x78: {  	_ =	shalt  }
0x79: {  	_ =	shalt  }
0x7a: {  	_ =	shalt  }
0x7b: {  	_ =	shalt  }
0x7c: {  	_ =	shalt  }
0x7d: {  	_ =	shalt  }
0x7e: {  	_ =	shalt  }
0x7f: {  	_ =	shalt  }
0x80: {  	_ =	shalt  }
0x81: {  	_ =	shalt  }
0x82: {  	_ =	shalt  }
0x83: {  	_ =	shalt  }
0x84: {  	_ =	shalt  }
0x85: {  	_ =	shalt  }
0x86: {  	_ =	shalt  }
0x87: {  	_ =	shalt  }
.Lfunc_end0:
.L_simem_size_0:
called_computation_lowered:
.L_overlay_start_0:
0x88: {  	s2 =	sld [smem:$0x3FD9]  }
0x89: {  	s3 =	sld [smem:$0x3FFE];
	_ =	sdelay $0x1  }
0x8a: {  	s1 =	srdreg.scid  }
0x8b: {  	s0 =	sand.u32 $0x1, s1  }
0x8c: {  	s17 =	sshll.u32 s0, $0xA;
	s2 =	sadd.s32 s3, s2  }
0x8d: {  	s2 =	sadd.s32 s2, s17  }
0x8e: {  	[smem:$0x3FC5] =	sst s2  }
0x8f: {  	_ = 	snop  }
0x90: {  	s2 =	sld [smem:$0x3FC9]  }
0x91: {  	s18 =	sld [smem:$0x3FC7]  }
0x92: {  	s4 =	sld [smem:$0x3FD0];
	(tm) =	ssettm $0x1  }
0x93: {  	s5 =	sld [smem:$0x3FFB];
	_ =	sdelay $0x3  }
0x94: {  	_ =	strace s5  }
0x95: {  	s5 =	sld [smem:$0x3FFC];
	_ =	sdelay $0x3  }
0x96: {  	_ =	strace s5  }
0x97: {  	s5 =	sld [smem:$0x3FFD];
	_ =	sdelay $0x3  }
0x98: {  	_ =	strace s5  }
0x99: {  	_ =	strace $0x8FFFFFFF  }
0x9a: {  	s19 =	sld [smem:$0x3FDB];
	_ =	sdelay $0x1  }
0x9b: {  	s6 =	simm.s32 $_scs_section_size  }
0x9c: {  	s7 =	simm.s32 $_size__tile_overlayer_lowered;
	s8 =	simm.s32 $_tile_overlayer_lowered  }
0x9d: {  	s22 =	simm.s32 $0x1BFF;
	s21 =	sshll.u32 s8, $0x1;
	s5 =	sadd.s32 s6, s19  }
0x9e: {  	s9 =	simm.s32 $0x0;
	s20 =	sshll.u32 s7, $0x1;
	s7 =	sadd.s32 s21, s5  }
0x9f: {  	[timem:s9], [sflag:s22] =	dma.local [hbm:s7], s20  }
0xa0: {  	_ =	swait.ge [sflag:s22], s20  }
0xa1: {  	s6 =	ssub.s32 $0x0, s20;
	[sflag:s22] =	ssyncset.done $0x0  }
0xa2: {  	[sflag:s22] =	ssyncadd.s32 s6;
	_ =	sdelay $0x1  }
0xa3: {  	s23 =	simm.s32 $0x1B8B  }
0xa4: {  	_ =	swait.ge [sflag:s23], $0x1  }
0xa5: {  	[sflag:s23] =	ssyncset.done $0x0  }
0xa6: {  	s25 =	simm.s32 $0x1B8E;
	s24 =	sld [smem:$0x3FFE];
	[sflag:s23] =	ssyncadd.s32 $0xFFFFFFFF  }
0xa7: {  	s26 =	simm.s32 $execute0_lowered;
	[smem:$0x3FD2] =	sst s25  }
0xa8: {  	s7 =	sshll.u32 s26, $0x1;
	_ =	strace $0x80000046;
	[dreg:$0x1] =	wrdreg $0xFFFFFFFF  }
0xa9: {  	s28 =	simm.s32 $_size_execute0_lowered;
	s5 =	sadd.s32 s5, s7;
	[dreg:$0x0] =	wrdreg $0x0  }
0xaa: {  	s7 =	sshll.u32 s28, $0x1;
	[dreg:$0x2] =	wrdreg s5  }
0xab: {  	[dreg:$0x3] =	wrdreg s7  }
0xac: {  	[dreg:$0x4] =	wrdreg $0xC0  }
0xad: {  	_ =	task [dreg:s9], $0x5FFFF  }
0xae: {  	[dreg:$0x1] =	wrdreg $0xFFFFFFFF  }
0xaf: {  	[dreg:$0x0] =	wrdreg $0x60  }
0xb0: {  	[dreg:$0x2] =	wrdreg s2  }
0xb1: {  	[dreg:$0x3] =	wrdreg s24  }
0xb2: {  	[dreg:$0x4] =	wrdreg s18  }
0xb3: {  	[dreg:$0x5] =	wrdreg s4  }
0xb4: {  	[dreg:$0x6] =	wrdreg $0x9  }
0xb5: {  	_ =	task.clear_ibuf [dreg:s9], $0x7FFFF;
	_ =	strace $0x90000046  }
0xb6: {  	s29 =	simm.s32 $0x9;
	_ =	strace $0x80000048  }
0xb7: {  	_ =	swait.ge [sflag:s29], $0x1  }
0xb8: {  	[sflag:s29] =	ssyncadd.s32 $0xFFFFFFFF  }
0xb9: {  	_ =	strace $0x90000048  }
0xba: {  	_ =	sfence  }
0xbb: {  	s30 =	sld [smem:$0x0];
	_ =	sdelay $0x2  }
0xbc: {  	s31 =	sshll.u32 s1, $0xD;
	s1 =	sshrl.u32 s1, $0x2  }
0xbd: {  	s3 =	sand.u32 $0x4000, s31;
	s1 =	sadd.s32 s1, s30  }
0xbe: {  	s0 =	sor.u32 s3, s0;
	s1 =	sshll.u32 s1, $0x11  }
0xbf: {  	s0 =	sor.u32 s1, s0  }
0xc0: {  	s0 =	sadd.s32 $0x8F2B, s0  }
0xc1: {  	[sflag:s0] =	ssyncadd.remote.s32 $0x1  }
0xc2: {  	_ =	sfence.sel $0xFFFF  }
0xc3: {  	[dreg:$0x0] =	wrdreg $0xFFFFFFFF;
	(pc) =	sbr.abs _section_cstart, $3  }
0xc4: {  	[dreg:$0x1] =	wrdreg $0xFFFFFFFF  }
0xc5: {  	_ =	task.clear_ibuf [dreg:s9], $0x2FFFF;
	_ =	strace $0x9FFFFFFF  }
0xc6: {  	(tm) =	ssettm $0x7FFFFFFF  }
0xc7: {  	_ =	shalt  }
tec
execute0_lowered:
.L_overlay_start_1:
0x0: {  	(tag) =	ssettag $0x1  }
0x1: {  	s0 =	rddreg [dreg:$0x0]  }
0x2: {  	s1 =	rddreg [dreg:$0x1]  }
0x3: {  	s24 =	rddreg [dreg:$0x2]  }
0x4: {  	s4 =	rddreg [dreg:$0x3];
	s5 =	srdreg.scid  }
0x5: {  	s2 =	stileid.u32;
	s3 =	simm.s32 $0x0;
	s16 =	simm.s32 $0x1  }
0x6: {  	s17 =	simm.s32 $0x8000;
	s18 =	simm.s32 $0x10000;
	s20 =	simm.s32 $0x10800  }
0x7: {  	s21 =	simm.s32 $0x11000;
	s22 =	simm.s32 $0x11800;
	s23 =	simm.s32 $0x12000  }
0x8: {  	s31 =	simm.s32 $0x12800;
	s5 =	sand.u32 $0x1, s5;
	s6 =	sshll.u32 s2, $0x1  }
0x9: {  	[smem:$0x7FF] =	sst s3;
	s7 =	sadd.s32 $0x200, s24;
	s8 =	sadd.s32 $0x400, s24  }
0xa: {  	s9 =	sadd.s32 $0x600, s24;
	s10 =	sadd.s32 $0x800, s24;
	s11 =	sadd.s32 $0xA00, s24  }
0xb: {  	s12 =	sadd.s32 $0xC00, s24;
	s13 =	sadd.s32 $0xE00, s24;
	s28 =	sadd.s32 $0x40, s0  }
0xc: {  	s2 =	simm.s32 $0x5;
	s14 =	sor.u32 s5, s6;
	_ =	strace $0x80000047  }
0xd: {  	s5 =	ssub.s32 $0x2, s5;
	[dreg:$0x7] =	wrdreg s28;
	s6 =	sshll.u32 s14, $0xB  }
0xe: {  	s25 =	sshrl.u32 s5, $0x1;
	s26 =	sshll.u32 s14, $0x12;
	s29 =	sshll.u32 s14, $0x6  }
0xf: {  	s1 =	sadd.s32 s6, s1;
	s5 =	ssub.s32 s5, s25;
	s19 =	sadd.s32 s0, s26  }
0x10: {  	v0 =	vlaneseq.u32;
	[dreg:$0x5] =	wrdreg s26;
	s0 =	sadd.s32 s4, s29;
	s6 =	simm.s32 $0x400  }
0x11: {  	v27 =	vand.u32 $0x3, v0;
	v0 =	vshrl.u32 v0, $0x2;
	s25 =	simm.s32 $0x2;
	s1 =	sadd.s32 $0x400, s1;
	[dreg:$0x9] =	wrdreg s0  }
0x12: {  	vm0 =	vmmov $0xffff;
	vm1 =	vcmask $0x704;
	v28 =	vmul.u32 $0x8, v0;
	s4 =	simm.s32 $0x0;
	s30 =	smax.u32 s5, $0x1;
	[dreg:$0x6] =	wrdreg s1  }
0x13: {  	vm2 =	vcmask $0xB08;
	vm3 =	vcmask $0xF0C;
	vm4 =	vcmask $0x1310;
	[tilespmem:$0x1FFE0] =	vst v27;
	s5 =	simm.s32 $0x200;
	s1 =	sadd.s32 s26, s28;
	[dreg:$0xa] =	wrdreg s30  }
0x14: {  	vm5 =	vcmask $0x1714;
	vm6 =	vcmask $0x1B18;
	vm7 =	vcmask $0x1F1C;
	[tilespmem:$0x1FFF0] =	vst v28;
	s0 =	simm.s32 $0x3;
	s26 =	simm.s32 $0x4;
	[dreg:$0x8] =	wrdreg s1  }
.LBB2_1:
0x15: {  	[dreg:$0xb] =	wrdreg s4  }
0x16: {  	s1 =	rddreg [dreg:$0x6]  }
0x17: {  	[tilespmem:s3], [sflag:$0x5] =	stream.linear.gather [hbm4b:s1+s3], $0x4000, $0x38;
	[tilespmem:$0x14200] =	vst v63  }
0x18: {  	_ =	swait.ge [sflag:s2], $0x4000  }
0x19: {  	[sflag:s2] =	ssyncset.done $0x0  }
0x1a: {  	s15 =	simm.s32 $0x4000;
	[sflag:s2] =	ssyncadd.s32 $0xFFFFC000  }
0x1b: {  	[tilespmem:s15], [sflag:$0x1] =	stream.strided.gather [hbm4b:s19+s5], $0x4000, s6, s5, $0x38;
	[tilespmem:$0x14200] =	vst v63  }
0x1c: {  	v0 =	vld.msk [tilespmem:$0x0], $0xf;
	_ =	sdelay $0x4  }
0x1d: {  	v1 =	vshll.u32 v0, $0x5  }
0x1e: {  	v0 =	vand.u32 $0x7, v0;
	v1 =	vand.u32 $0xFFFFFF00, v1  }
0x1f: {  	v0 =	vor.u32 v0, v1  }
0x20: {  	v0 =	vperm.xlane v0, v27;
	_ =	sdelay $0x1  }
0x21: {  	v0 =	vadd.s32 v28, v0;
	_ =	sdelay $0x3  }
0x22: {  	s29 =	simm.s32 $0xC000  }
0x23: {  	[tilespmem:s29], [sflag:$0x3] =	stream.indirect_vreg.gather [hbm4b:s24+s3], $0x80, v0, vm0, $0xb8;
	[tilespmem:$0x14200] =	vst v63  }
0x24: {  	s30 =	simm.s32 $0xC800  }
0x25: {  	[tilespmem:s30], [sflag:$0x3] =	stream.indirect_vreg.gather [hbm4b:s7+s3], $0x80, v0, vm0, $0xb8;
	[tilespmem:$0x14200] =	vst v63  }
0x26: {  	s2 =	simm.s32 $0xD000  }
0x27: {  	[tilespmem:s2], [sflag:$0x3] =	stream.indirect_vreg.gather [hbm4b:s8+s3], $0x80, v0, vm0, $0xb8;
	[tilespmem:$0x14200] =	vst v63  }
0x28: {  	s4 =	simm.s32 $0xD800  }
0x29: {  	[tilespmem:s4], [sflag:$0x3] =	stream.indirect_vreg.gather [hbm4b:s9+s3], $0x80, v0, vm0, $0xb8;
	[tilespmem:$0x14200] =	vst v63  }
0x2a: {  	s14 =	simm.s32 $0xE000  }
0x2b: {  	[tilespmem:s14], [sflag:$0x3] =	stream.indirect_vreg.gather [hbm4b:s10+s3], $0x80, v0, vm0, $0xb8;
	[tilespmem:$0x14200] =	vst v63  }
0x2c: {  	s15 =	simm.s32 $0xE800  }
0x2d: {  	[tilespmem:s15], [sflag:$0x3] =	stream.indirect_vreg.gather [hbm4b:s11+s3], $0x80, v0, vm0, $0xb8;
	[tilespmem:$0x14200] =	vst v63  }
0x2e: {  	s29 =	simm.s32 $0xF000  }
0x2f: {  	[tilespmem:s29], [sflag:$0x3] =	stream.indirect_vreg.gather [hbm4b:s12+s3], $0x80, v0, vm0, $0xb8;
	[tilespmem:$0x14200] =	vst v63  }
0x30: {  	s28 =	simm.s32 $0x0;
	s30 =	simm.s32 $0xF800  }
0x31: {  	[tilespmem:s30], [sflag:$0x3] =	stream.indirect_vreg.gather [hbm4b:s13+s3], $0x80, v0, vm0, $0xb8;
	[tilespmem:$0x14200] =	vst v63  }
.LBB2_2:
0x32: {  	_ =	swait.ge [sflag:s16], $0x4000  }
0x33: {  	[sflag:s16] =	ssyncset.done $0x0  }
0x34: {  	[sflag:s16] =	ssyncadd.s32 $0xFFFFC000  }
0x35: {  	_ =	swait.ge [sflag:s0], $0x4000  }
0x36: {  	s4 =	sshll.u32 s28, $0xD;
	[sflag:s0] =	ssyncset.done $0x0;
	s1 =	rddreg [dreg:$0x8]  }
0x37: {  	s2 =	sshll.u32 s28, $0x9;
	[sflag:s0] =	ssyncadd.s32 $0xFFFFC000;
	s4 =	sadd.s32 s4, s1  }
0x38: {  	[tilespmem:s17], [sflag:$0x2] =	stream.strided.gather [hbm4b:s4+s5], $0x4000, s6, s5, $0x38;
	[tilespmem:$0x14200] =	vst v63  }
0x39: {  	s4 =	sand.u32 $0x3FFFFE00, s2  }
0x3a: {  	s4 =	sor.u32 $0x80, s4  }
0x3b: {  	v0 =	vld.msk [tilespmem:s4+$0x0], $0xf;
	_ =	sdelay $0x4  }
0x3c: {  	v1 =	vshll.u32 v0, $0x5  }
0x3d: {  	v0 =	vand.u32 $0x7, v0;
	v1 =	vand.u32 $0xFFFFFF00, v1  }
0x3e: {  	v0 =	vor.u32 v0, v1  }
0x3f: {  	v0 =	vperm.xlane v0, v27;
	_ =	sdelay $0x1  }
0x40: {  	v0 =	vadd.s32 v28, v0;
	_ =	sdelay $0x4  }
0x41: {  	[tilespmem:s18], [sflag:$0x4] =	stream.indirect_vreg.gather [hbm4b:s24+s3], $0x80, v0, vm0, $0xb8;
	[tilespmem:$0x14200] =	vst v63  }
0x42: {  	_ = 	snop  }
0x43: {  	[tilespmem:s20], [sflag:$0x4] =	stream.indirect_vreg.gather [hbm4b:s7+s3], $0x80, v0, vm0, $0xb8;
	[tilespmem:$0x14200] =	vst v63  }
0x44: {  	_ = 	snop  }
0x45: {  	[tilespmem:s21], [sflag:$0x4] =	stream.indirect_vreg.gather [hbm4b:s8+s3], $0x80, v0, vm0, $0xb8;
	[tilespmem:$0x14200] =	vst v63  }
0x46: {  	_ = 	snop  }
0x47: {  	[tilespmem:s22], [sflag:$0x4] =	stream.indirect_vreg.gather [hbm4b:s9+s3], $0x80, v0, vm0, $0xb8;
	[tilespmem:$0x14200] =	vst v63  }
0x48: {  	_ = 	snop  }
0x49: {  	[tilespmem:s23], [sflag:$0x4] =	stream.indirect_vreg.gather [hbm4b:s10+s3], $0x80, v0, vm0, $0xb8;
	[tilespmem:$0x14200] =	vst v63  }
0x4a: {  	_ = 	snop  }
0x4b: {  	[tilespmem:s31], [sflag:$0x4] =	stream.indirect_vreg.gather [hbm4b:s11+s3], $0x80, v0, vm0, $0xb8;
	[tilespmem:$0x14200] =	vst v63  }
0x4c: {  	s14 =	simm.s32 $0x13000  }
0x4d: {  	[tilespmem:s14], [sflag:$0x4] =	stream.indirect_vreg.gather [hbm4b:s12+s3], $0x80, v0, vm0, $0xb8;
	[tilespmem:$0x14200] =	vst v63  }
0x4e: {  	s15 =	simm.s32 $0x13800;
	s29 =	simm.s32 $0x4200  }
0x4f: {  	[tilespmem:s15], [sflag:$0x4] =	stream.indirect_vreg.gather [hbm4b:s13+s3], $0x80, v0, vm0, $0xb8;
	[tilespmem:$0x14200] =	vst v63  }
0x50: {  	v0 =	vld [tilespmem:s29+$0x0]  }
0x51: {  	v1 =	vld [tilespmem:s29+$0x10]  }
0x52: {  	v2 =	vld [tilespmem:s29+$0x20]  }
0x53: {  	v3 =	vld [tilespmem:s29+$0x30]  }
0x54: {  	v4 =	vld [tilespmem:s29+$0x40]  }
0x55: {  	v5 =	vld [tilespmem:s29+$0x50]  }
0x56: {  	v6 =	vld [tilespmem:s29+$0xFFFFFE00]  }
0x57: {  	v9 =	vld [tilespmem:s29+$0xFFFFFE10]  }
0x58: {  	v11 =	vld [tilespmem:s29+$0xFFFFFE20]  }
0x59: {  	v13 =	vld [tilespmem:s29+$0xFFFFFE30]  }
0x5a: {  	v15 =	vld [tilespmem:s29+$0xFFFFFE40];
	v12 =	vmul.f32 v0, v0;
	v10 =	vmul.f32 v1, v1  }
0x5b: {  	v8 =	vmul.f32 v2, v2;
	v7 =	vmul.f32 v3, v3  }
0x5c: {  	v2 =	vmul.f32 v4, v4;
	v1 =	vmul.f32 v5, v5  }
0x5d: {  	v14 =	vld [tilespmem:s29+$0xFFFFFE50];
	v3 =	vmul.f32 v6, v6;
	v4 =	vmul.f32 v9, v9  }
0x5e: {  	v16 =	vld [tilespmem:s29+$0xFFFFFE60];
	v0 =	vimm.f32 $0.0e+00;
	v22 =	vmul.f32 v11, v11;
	v21 =	vmul.f32 v13, v13  }
0x5f: {  	v17 =	vld [tilespmem:s29+$0xFFFFFE70];
	v18 =	vmul.f32 v15, v15;
	v11 =	vimm.f32 $0.0e+00;
	v9 =	vimm.f32 $0.0e+00  }
0x60: {  	v13 =	vld [tilespmem:s29+$0x60];
	v6 =	vimm.f32 $0.0e+00;
	v5 =	vimm.f32 $0.0e+00;
	v20 =	vadd.f32 v3, v0  }
0x61: {  	s30 =	simm.s32 $0x0;
	s4 =	simm.s32 $0x4600;
	v15 =	vld [tilespmem:s29+$0x70];
	v19 =	vadd.f32 v4, v0;
	v4 =	vimm.f32 $0.0e+00;
	v3 =	vimm.f32 $0.0e+00  }
.LBB2_3:
0x62: {  	v23 =	vld [tilespmem:s4+$0x0];
	v11 =	vadd.f32 v22, v11;
	v9 =	vadd.f32 v21, v9;
	v14 =	vmul.f32 v14, v14  }
0x63: {  	v21 =	vld [tilespmem:s4+$0x10];
	v16 =	vmul.f32 v16, v16;
	v20 =	vadd.f32 v12, v20;
	v19 =	vadd.f32 v10, v19  }
0x64: {  	v22 =	vld [tilespmem:s4+$0x20];
	v10 =	vmul.f32 v17, v17;
	v11 =	vadd.f32 v8, v11;
	v9 =	vadd.f32 v7, v9  }
0x65: {  	v4 =	vadd.f32 v18, v4;
	v6 =	vadd.f32 v14, v6;
	v7 =	vld [tilespmem:s4+$0x30];
	v8 =	vmul.f32 v13, v13  }
0x66: {  	v5 =	vadd.f32 v16, v5;
	v13 =	vld [tilespmem:s4+$0x40];
	v3 =	vadd.f32 v10, v3;
	v10 =	vmul.f32 v15, v15  }
0x67: {  	v4 =	vadd.f32 v2, v4;
	v6 =	vadd.f32 v1, v6;
	v15 =	vld [tilespmem:s4+$0x50]  }
0x68: {  	s29 =	simm.s32 $0x4280;
	v5 =	vadd.f32 v8, v5;
	v17 =	vld [tilespmem:s4+$0xFFFFFE00];
	v3 =	vadd.f32 v10, v3  }
0x69: {  	v18 =	vld [tilespmem:s4+$0xFFFFFE10]  }
0x6a: {  	v24 =	vld [tilespmem:s4+$0xFFFFFE20]  }
0x6b: {  	s30 =	sadd.s32 $0x10, s30;
	v25 =	vld [tilespmem:s4+$0xFFFFFE30]  }
0x6c: {  	p0 =	slt.u32 s30, $0xF0;
	v12 =	vmul.f32 v23, v23;
	v10 =	vmul.f32 v21, v21;
	v26 =	vld [tilespmem:s4+$0xFFFFFE40]  }
.Ltmp0:
0x6d: {  	v8 =	vmul.f32 v22, v22;
	v7 =	vmul.f32 v7, v7;
	v14 =	vld [tilespmem:s4+$0xFFFFFE50];
	(pc) =	sbr.rel @p0 .LBB2_3-.Ltmp0, $4  }
0x6e: {  	v2 =	vmul.f32 v13, v13;
	v1 =	vmul.f32 v15, v15;
	v16 =	vld [tilespmem:s4+$0xFFFFFE60]  }
0x6f: {  	v15 =	vmul.f32 v17, v17;
	v18 =	vmul.f32 v18, v18;
	v17 =	vld [tilespmem:s4+$0xFFFFFE70]  }
0x70: {  	v22 =	vmul.f32 v24, v24;
	v21 =	vmul.f32 v25, v25;
	v13 =	vld [tilespmem:s4+$0x60]  }
0x71: {  	v20 =	vadd.f32 v15, v20;
	v19 =	vadd.f32 v18, v19;
	v18 =	vmul.f32 v26, v26;
	v15 =	vld [tilespmem:s4+$0x70];
	s4 =	sadd.s32 $0x400, s4  }
0x72: {  	v23 =	vld [tilespmem:s29+$0x0]  }
0x73: {  	v24 =	vld [tilespmem:s29+$0x10]  }
0x74: {  	v25 =	vld [tilespmem:s29+$0x20];
	v11 =	vadd.f32 v22, v11;
	v12 =	vadd.f32 v12, v20  }
0x75: {  	v26 =	vld [tilespmem:s29+$0x30];
	v9 =	vadd.f32 v21, v9;
	v10 =	vadd.f32 v10, v19  }
0x76: {  	v22 =	vld [tilespmem:s29+$0x40];
	v8 =	vadd.f32 v8, v11;
	[tilespmem:$0x1FF60] =	vst v12  }
0x77: {  	v7 =	vadd.f32 v7, v9;
	v12 =	vld [tilespmem:s29+$0x50];
	[tilespmem:$0x1FF70] =	vst v10  }
0x78: {  	v16 =	vmul.f32 v16, v16;
	v4 =	vadd.f32 v18, v4;
	[tilespmem:$0x1FF80] =	vst v8  }
0x79: {  	v14 =	vmul.f32 v14, v14;
	v13 =	vmul.f32 v13, v13;
	v11 =	vld [tilespmem:s29+$0xFFFFFE00];
	[tilespmem:$0x1FF90] =	vst v7  }
0x7a: {  	v5 =	vadd.f32 v16, v5;
	v2 =	vadd.f32 v2, v4;
	v8 =	vmul.f32 v17, v17;
	v17 =	vld [tilespmem:s29+$0xFFFFFE10]  }
0x7b: {  	v6 =	vadd.f32 v14, v6;
	v14 =	vld [tilespmem:s29+$0xFFFFFE20]  }
0x7c: {  	v15 =	vmul.f32 v15, v15;
	v3 =	vadd.f32 v8, v3;
	v18 =	vld [tilespmem:s29+$0xFFFFFE30];
	[tilespmem:$0x1FFA0] =	vst v2;
	v2 =	vadd.f32 v13, v5  }
0x7d: {  	v1 =	vadd.f32 v1, v6  }
0x7e: {  	v10 =	vmul.f32 v24, v24;
	v7 =	vmul.f32 v25, v25;
	v4 =	vld [tilespmem:s29+$0xFFFFFE40];
	[tilespmem:$0x1FFC0] =	vst v2;
	v2 =	vadd.f32 v15, v3  }
0x7f: {  	v9 =	vmul.f32 v26, v26;
	v8 =	vmul.f32 v23, v23;
	[tilespmem:$0x1FFB0] =	vst v1  }
0x80: {  	v1 =	vmul.f32 v22, v22;
	v13 =	vld [tilespmem:s29+$0xFFFFFE50];
	v5 =	vmul.f32 v11, v11;
	[tilespmem:$0x1FFD0] =	vst v2  }
0x81: {  	v3 =	vimm.f32 $0.0e+00;
	v2 =	vmul.f32 v12, v12;
	v6 =	vmul.f32 v17, v17;
	v15 =	vld [tilespmem:s29+$0xFFFFFE60]  }
0x82: {  	v11 =	vimm.f32 $0.0e+00;
	v20 =	vmul.f32 v14, v14;
	v16 =	vld [tilespmem:s29+$0xFFFFFE70];
	v21 =	vmul.f32 v18, v18  }
0x83: {  	v12 =	vld [tilespmem:s29+$0x60];
	v18 =	vadd.f32 v5, v0;
	v17 =	vmul.f32 v4, v4;
	v4 =	vimm.f32 $0.0e+00  }
0x84: {  	s30 =	simm.s32 $0x0;
	s4 =	simm.s32 $0x4680;
	v14 =	vld [tilespmem:s29+$0x70];
	v5 =	vimm.f32 $0.0e+00;
	v19 =	vadd.f32 v6, v0;
	v6 =	vimm.f32 $0.0e+00  }
.LBB2_5:
0x85: {  	v22 =	vld [tilespmem:s4+$0x0];
	v0 =	vadd.f32 v20, v0;
	v11 =	vadd.f32 v21, v11;
	v13 =	vmul.f32 v13, v13  }
0x86: {  	v20 =	vld [tilespmem:s4+$0x10];
	v15 =	vmul.f32 v15, v15;
	v18 =	vadd.f32 v8, v18;
	v19 =	vadd.f32 v10, v19  }
0x87: {  	v21 =	vld [tilespmem:s4+$0x20];
	v8 =	vmul.f32 v16, v16;
	v0 =	vadd.f32 v7, v0;
	v11 =	vadd.f32 v9, v11  }
0x88: {  	v3 =	vadd.f32 v17, v3;
	v6 =	vadd.f32 v13, v6;
	v9 =	vld [tilespmem:s4+$0x30];
	v7 =	vmul.f32 v12, v12  }
0x89: {  	v4 =	vadd.f32 v15, v4;
	v12 =	vld [tilespmem:s4+$0x40];
	v5 =	vadd.f32 v8, v5;
	v8 =	vmul.f32 v14, v14  }
0x8a: {  	v3 =	vadd.f32 v1, v3;
	v6 =	vadd.f32 v2, v6;
	v14 =	vld [tilespmem:s4+$0x50]  }
0x8b: {  	s29 =	simm.s32 $0x4300;
	v4 =	vadd.f32 v7, v4;
	v16 =	vld [tilespmem:s4+$0xFFFFFE00];
	v5 =	vadd.f32 v8, v5  }
0x8c: {  	v17 =	vld [tilespmem:s4+$0xFFFFFE10]  }
0x8d: {  	v23 =	vld [tilespmem:s4+$0xFFFFFE20]  }
0x8e: {  	s30 =	sadd.s32 $0x10, s30;
	v24 =	vld [tilespmem:s4+$0xFFFFFE30]  }
0x8f: {  	p0 =	slt.u32 s30, $0xF0;
	v8 =	vmul.f32 v22, v22;
	v10 =	vmul.f32 v20, v20;
	v25 =	vld [tilespmem:s4+$0xFFFFFE40]  }
.Ltmp1:
0x90: {  	v7 =	vmul.f32 v21, v21;
	v9 =	vmul.f32 v9, v9;
	v13 =	vld [tilespmem:s4+$0xFFFFFE50];
	(pc) =	sbr.rel @p0 .LBB2_5-.Ltmp1, $4  }
0x91: {  	v1 =	vmul.f32 v12, v12;
	v2 =	vmul.f32 v14, v14;
	v15 =	vld [tilespmem:s4+$0xFFFFFE60]  }
0x92: {  	v14 =	vmul.f32 v16, v16;
	v17 =	vmul.f32 v17, v17;
	v16 =	vld [tilespmem:s4+$0xFFFFFE70]  }
0x93: {  	v20 =	vmul.f32 v23, v23;
	v21 =	vmul.f32 v24, v24;
	v12 =	vld [tilespmem:s4+$0x60]  }
0x94: {  	v18 =	vadd.f32 v14, v18;
	v19 =	vadd.f32 v17, v19;
	v17 =	vmul.f32 v25, v25;
	v14 =	vld [tilespmem:s4+$0x70];
	s4 =	sadd.s32 $0x400, s4  }
0x95: {  	v22 =	vld [tilespmem:s29+$0x0]  }
0x96: {  	v23 =	vld [tilespmem:s29+$0x10]  }
0x97: {  	v24 =	vld [tilespmem:s29+$0x20]  }
0x98: {  	v25 =	vld [tilespmem:s29+$0x30];
	v8 =	vadd.f32 v8, v18  }
0x99: {  	v26 =	vld [tilespmem:s29+$0x40];
	v0 =	vadd.f32 v20, v0  }
0x9a: {  	v20 =	vld [tilespmem:s29+$0x50];
	[tilespmem:$0x1FEE0] =	vst v8;
	v8 =	vadd.f32 v10, v19  }
0x9b: {  	v11 =	vadd.f32 v21, v11;
	v0 =	vadd.f32 v7, v0  }
0x9c: {  	[tilespmem:$0x1FEF0] =	vst v8  }
0x9d: {  	v18 =	vld [tilespmem:s29+$0xFFFFFE00];
	[tilespmem:$0x1FF00] =	vst v0;
	v0 =	vadd.f32 v9, v11  }
0x9e: {  	v13 =	vmul.f32 v13, v13;
	v3 =	vadd.f32 v17, v3  }
0x9f: {  	[tilespmem:$0x1FF10] =	vst v0  }
0xa0: {  	v15 =	vmul.f32 v15, v15;
	v6 =	vadd.f32 v13, v6;
	v1 =	vadd.f32 v1, v3;
	v0 =	vld [tilespmem:s29+$0xFFFFFE10]  }
0xa1: {  	v8 =	vmul.f32 v16, v16;
	v11 =	vmul.f32 v12, v12;
	v12 =	vld [tilespmem:s29+$0xFFFFFE20]  }
0xa2: {  	v4 =	vadd.f32 v15, v4;
	v15 =	vld [tilespmem:s29+$0xFFFFFE30];
	[tilespmem:$0x1FF20] =	vst v1;
	v1 =	vadd.f32 v2, v6  }
0xa3: {  	v13 =	vmul.f32 v14, v14;
	v5 =	vadd.f32 v8, v5  }
0xa4: {  	v3 =	vld [tilespmem:s29+$0xFFFFFE40];
	[tilespmem:$0x1FF30] =	vst v1;
	v1 =	vadd.f32 v11, v4  }
0xa5: {  	v10 =	vmul.f32 v22, v22;
	v4 =	vadd.f32 v13, v5  }
0xa6: {  	v7 =	vmul.f32 v25, v25;
	v9 =	vmul.f32 v24, v24;
	[tilespmem:$0x1FF40] =	vst v1  }
0xa7: {  	v8 =	vmul.f32 v23, v23;
	v2 =	vmul.f32 v26, v26;
	[tilespmem:$0x1FF50] =	vst v4  }
0xa8: {  	v6 =	vimm.f32 $0.0e+00;
	v11 =	vimm.f32 $0.0e+00;
	v1 =	vmul.f32 v20, v20;
	v14 =	vld [tilespmem:s29+$0xFFFFFE50]  }
0xa9: {  	v4 =	vmul.f32 v18, v18;
	v5 =	vmul.f32 v0, v0;
	v0 =	vimm.f32 $0.0e+00;
	v16 =	vld [tilespmem:s29+$0xFFFFFE60]  }
0xaa: {  	v22 =	vmul.f32 v12, v12;
	v21 =	vmul.f32 v15, v15;
	v17 =	vld [tilespmem:s29+$0xFFFFFE70];
	v12 =	vimm.f32 $0.0e+00  }
0xab: {  	v13 =	vld [tilespmem:s29+$0x60];
	v20 =	vadd.f32 v4, v0;
	v18 =	vmul.f32 v3, v3;
	v4 =	vimm.f32 $0.0e+00  }
0xac: {  	s30 =	simm.s32 $0x0;
	s4 =	simm.s32 $0x4700;
	v15 =	vld [tilespmem:s29+$0x70];
	v3 =	vimm.f32 $0.0e+00;
	v19 =	vadd.f32 v5, v0;
	v5 =	vimm.f32 $0.0e+00  }
.LBB2_7:
0xad: {  	v23 =	vld [tilespmem:s4+$0x0];
	v12 =	vadd.f32 v22, v12;
	v11 =	vadd.f32 v21, v11;
	v14 =	vmul.f32 v14, v14  }
0xae: {  	v21 =	vld [tilespmem:s4+$0x10];
	v16 =	vmul.f32 v16, v16;
	v20 =	vadd.f32 v10, v20;
	v19 =	vadd.f32 v8, v19  }
0xaf: {  	v22 =	vld [tilespmem:s4+$0x20];
	v8 =	vmul.f32 v17, v17;
	v12 =	vadd.f32 v9, v12;
	v11 =	vadd.f32 v7, v11  }
0xb0: {  	v4 =	vadd.f32 v18, v4;
	v6 =	vadd.f32 v14, v6;
	v7 =	vld [tilespmem:s4+$0x30];
	v9 =	vmul.f32 v13, v13  }
0xb1: {  	v5 =	vadd.f32 v16, v5;
	v13 =	vld [tilespmem:s4+$0x40];
	v3 =	vadd.f32 v8, v3;
	v8 =	vmul.f32 v15, v15  }
0xb2: {  	v4 =	vadd.f32 v2, v4;
	v6 =	vadd.f32 v1, v6;
	v15 =	vld [tilespmem:s4+$0x50]  }
0xb3: {  	s29 =	simm.s32 $0x4380;
	v5 =	vadd.f32 v9, v5;
	v17 =	vld [tilespmem:s4+$0xFFFFFE00];
	v3 =	vadd.f32 v8, v3  }
0xb4: {  	v18 =	vld [tilespmem:s4+$0xFFFFFE10]  }
0xb5: {  	v24 =	vld [tilespmem:s4+$0xFFFFFE20]  }
0xb6: {  	s30 =	sadd.s32 $0x10, s30;
	v25 =	vld [tilespmem:s4+$0xFFFFFE30]  }
0xb7: {  	p0 =	slt.u32 s30, $0xF0;
	v10 =	vmul.f32 v23, v23;
	v8 =	vmul.f32 v21, v21;
	v26 =	vld [tilespmem:s4+$0xFFFFFE40]  }
.Ltmp2:
0xb8: {  	v9 =	vmul.f32 v22, v22;
	v7 =	vmul.f32 v7, v7;
	v14 =	vld [tilespmem:s4+$0xFFFFFE50];
	(pc) =	sbr.rel @p0 .LBB2_7-.Ltmp2, $4  }
0xb9: {  	v2 =	vmul.f32 v13, v13;
	v1 =	vmul.f32 v15, v15;
	v16 =	vld [tilespmem:s4+$0xFFFFFE60]  }
0xba: {  	v15 =	vmul.f32 v17, v17;
	v18 =	vmul.f32 v18, v18;
	v17 =	vld [tilespmem:s4+$0xFFFFFE70]  }
0xbb: {  	v22 =	vmul.f32 v24, v24;
	v21 =	vmul.f32 v25, v25;
	v13 =	vld [tilespmem:s4+$0x60]  }
0xbc: {  	v20 =	vadd.f32 v15, v20;
	v19 =	vadd.f32 v18, v19;
	v18 =	vmul.f32 v26, v26;
	v15 =	vld [tilespmem:s4+$0x70];
	s4 =	sadd.s32 $0x400, s4  }
0xbd: {  	v23 =	vld [tilespmem:s29+$0x0]  }
0xbe: {  	v24 =	vld [tilespmem:s29+$0x10]  }
0xbf: {  	v25 =	vld [tilespmem:s29+$0x20];
	v10 =	vadd.f32 v10, v20  }
0xc0: {  	v26 =	vld [tilespmem:s29+$0x30];
	v12 =	vadd.f32 v22, v12;
	v8 =	vadd.f32 v8, v19  }
0xc1: {  	v22 =	vld [tilespmem:s29+$0x40];
	v11 =	vadd.f32 v21, v11;
	[tilespmem:$0x1FE60] =	vst v10  }
0xc2: {  	v20 =	vld [tilespmem:s29+$0x50];
	[tilespmem:$0x1FE70] =	vst v8;
	v8 =	vadd.f32 v9, v12  }
0xc3: {  	v7 =	vadd.f32 v7, v11  }
0xc4: {  	v4 =	vadd.f32 v18, v4;
	v10 =	vmul.f32 v16, v16;
	[tilespmem:$0x1FE80] =	vst v8  }
0xc5: {  	v14 =	vmul.f32 v14, v14;
	v13 =	vmul.f32 v13, v13;
	v12 =	vld [tilespmem:s29+$0xFFFFFE00];
	[tilespmem:$0x1FE90] =	vst v7  }
0xc6: {  	v2 =	vadd.f32 v2, v4;
	v5 =	vadd.f32 v10, v5;
	v8 =	vmul.f32 v17, v17;
	v11 =	vld [tilespmem:s29+$0xFFFFFE10]  }
0xc7: {  	v6 =	vadd.f32 v14, v6;
	v14 =	vld [tilespmem:s29+$0xFFFFFE20]  }
0xc8: {  	v15 =	vmul.f32 v15, v15;
	v3 =	vadd.f32 v8, v3;
	v17 =	vld [tilespmem:s29+$0xFFFFFE30];
	[tilespmem:$0x1FEA0] =	vst v2;
	v2 =	vadd.f32 v13, v5  }
0xc9: {  	v1 =	vadd.f32 v1, v6  }
0xca: {  	v10 =	vmul.f32 v24, v24;
	v9 =	vmul.f32 v26, v26;
	v4 =	vld [tilespmem:s29+$0xFFFFFE40];
	[tilespmem:$0x1FEC0] =	vst v2;
	v2 =	vadd.f32 v15, v3  }
0xcb: {  	v7 =	vmul.f32 v25, v25;
	v8 =	vmul.f32 v23, v23;
	[tilespmem:$0x1FEB0] =	vst v1  }
0xcc: {  	v1 =	vmul.f32 v22, v22;
	v13 =	vld [tilespmem:s29+$0xFFFFFE50];
	v5 =	vmul.f32 v12, v12;
	[tilespmem:$0x1FED0] =	vst v2  }
0xcd: {  	v3 =	vimm.f32 $0.0e+00;
	v2 =	vmul.f32 v20, v20;
	v6 =	vmul.f32 v11, v11;
	v15 =	vld [tilespmem:s29+$0xFFFFFE60]  }
0xce: {  	v20 =	vmul.f32 v14, v14;
	v16 =	vld [tilespmem:s29+$0xFFFFFE70];
	v21 =	vmul.f32 v17, v17;
	v11 =	vimm.f32 $0.0e+00  }
0xcf: {  	v12 =	vld [tilespmem:s29+$0x60];
	v18 =	vadd.f32 v5, v0;
	v17 =	vmul.f32 v4, v4;
	v4 =	vimm.f32 $0.0e+00  }
0xd0: {  	s4 =	simm.s32 $0x0;
	s15 =	simm.s32 $0x4780;
	v14 =	vld [tilespmem:s29+$0x70];
	v5 =	vimm.f32 $0.0e+00;
	v19 =	vadd.f32 v6, v0;
	v6 =	vimm.f32 $0.0e+00  }
.LBB2_9:
0xd1: {  	v22 =	vld [tilespmem:s15+$0x0];
	v0 =	vadd.f32 v20, v0;
	v11 =	vadd.f32 v21, v11;
	v13 =	vmul.f32 v13, v13  }
0xd2: {  	v20 =	vld [tilespmem:s15+$0x10];
	v15 =	vmul.f32 v15, v15;
	v18 =	vadd.f32 v8, v18;
	v19 =	vadd.f32 v10, v19  }
0xd3: {  	v21 =	vld [tilespmem:s15+$0x20];
	v8 =	vmul.f32 v16, v16;
	v0 =	vadd.f32 v7, v0;
	v11 =	vadd.f32 v9, v11  }
0xd4: {  	v3 =	vadd.f32 v17, v3;
	v6 =	vadd.f32 v13, v6;
	v9 =	vld [tilespmem:s15+$0x30];
	v7 =	vmul.f32 v12, v12  }
0xd5: {  	v4 =	vadd.f32 v15, v4;
	v12 =	vld [tilespmem:s15+$0x40];
	v5 =	vadd.f32 v8, v5;
	v8 =	vmul.f32 v14, v14  }
0xd6: {  	v3 =	vadd.f32 v1, v3;
	v6 =	vadd.f32 v2, v6;
	v14 =	vld [tilespmem:s15+$0x50]  }
0xd7: {  	v4 =	vadd.f32 v7, v4;
	v16 =	vld [tilespmem:s15+$0xFFFFFE00];
	v5 =	vadd.f32 v8, v5  }
0xd8: {  	v17 =	vld [tilespmem:s15+$0xFFFFFE10]  }
0xd9: {  	v23 =	vld [tilespmem:s15+$0xFFFFFE20]  }
0xda: {  	s4 =	sadd.s32 $0x10, s4;
	v24 =	vld [tilespmem:s15+$0xFFFFFE30]  }
0xdb: {  	p0 =	slt.u32 s4, $0xF0;
	v8 =	vmul.f32 v22, v22;
	v10 =	vmul.f32 v20, v20;
	v25 =	vld [tilespmem:s15+$0xFFFFFE40]  }
.Ltmp3:
0xdc: {  	v7 =	vmul.f32 v21, v21;
	v9 =	vmul.f32 v9, v9;
	v13 =	vld [tilespmem:s15+$0xFFFFFE50];
	(pc) =	sbr.rel @p0 .LBB2_9-.Ltmp3, $4  }
0xdd: {  	v1 =	vmul.f32 v12, v12;
	v2 =	vmul.f32 v14, v14;
	v15 =	vld [tilespmem:s15+$0xFFFFFE60]  }
0xde: {  	v14 =	vmul.f32 v16, v16;
	v17 =	vmul.f32 v17, v17;
	v16 =	vld [tilespmem:s15+$0xFFFFFE70]  }
0xdf: {  	v20 =	vmul.f32 v23, v23;
	v21 =	vmul.f32 v24, v24;
	v12 =	vld [tilespmem:s15+$0x60]  }
0xe0: {  	v18 =	vadd.f32 v14, v18;
	v19 =	vadd.f32 v17, v19;
	v17 =	vmul.f32 v25, v25;
	v14 =	vld [tilespmem:s15+$0x70];
	s15 =	sadd.s32 $0x400, s15  }
0xe1: {  	_ =	swait.ge [sflag:s25], $0x4000  }
0xe2: {  	[sflag:s25] =	ssyncset.done $0x0  }
0xe3: {  	s29 =	sshll.u32 s28, $0x2;
	[sflag:s25] =	ssyncadd.s32 $0xFFFFC000  }
0xe4: {  	s1 =	simm.s32 $0x4000;
	s4 =	sor.u32 $0x2, s29;
	_ =	swait.ge [sflag:s26], $0x4000  }
0xe5: {  	s14 =	sshll.u32 s4, $0xB;
	s4 =	sshll.u32 s4, $0x7;
	[sflag:s26] =	ssyncset.done $0x0  }
0xe6: {  	s14 =	sadd.s32 s14, s19;
	s4 =	sand.u32 $0x3FFFFF00, s4;
	[sflag:s26] =	ssyncadd.s32 $0xFFFFC000  }
0xe7: {  	[tilespmem:s1], [sflag:$0x1] =	stream.strided.gather [hbm4b:s14+s5], $0x4000, s6, s5, $0x38;
	[tilespmem:$0x14200] =	vst v63  }
0xe8: {  	v22 =	vld.msk [tilespmem:s4+$0x0], $0xf;
	_ =	sdelay $0x4  }
0xe9: {  	v23 =	vshll.u32 v22, $0x5  }
0xea: {  	v22 =	vand.u32 $0x7, v22;
	v23 =	vand.u32 $0xFFFFFF00, v23  }
0xeb: {  	v22 =	vor.u32 v22, v23  }
0xec: {  	v22 =	vperm.xlane v22, v27;
	_ =	sdelay $0x1  }
0xed: {  	v22 =	vadd.s32 v28, v22;
	_ =	sdelay $0x3  }
0xee: {  	s4 =	simm.s32 $0xC000  }
0xef: {  	[tilespmem:s4], [sflag:$0x3] =	stream.indirect_vreg.gather [hbm4b:s24+s3], $0x80, v22, vm0, $0xb8;
	[tilespmem:$0x14200] =	vst v63  }
0xf0: {  	s14 =	simm.s32 $0xC800  }
0xf1: {  	[tilespmem:s14], [sflag:$0x3] =	stream.indirect_vreg.gather [hbm4b:s7+s3], $0x80, v22, vm0, $0xb8;
	[tilespmem:$0x14200] =	vst v63  }
0xf2: {  	s15 =	simm.s32 $0xD000  }
0xf3: {  	[tilespmem:s15], [sflag:$0x3] =	stream.indirect_vreg.gather [hbm4b:s8+s3], $0x80, v22, vm0, $0xb8;
	[tilespmem:$0x14200] =	vst v63  }
0xf4: {  	s30 =	simm.s32 $0xD800  }
0xf5: {  	[tilespmem:s30], [sflag:$0x3] =	stream.indirect_vreg.gather [hbm4b:s9+s3], $0x80, v22, vm0, $0xb8;
	[tilespmem:$0x14200] =	vst v63  }
0xf6: {  	s2 =	simm.s32 $0xE000  }
0xf7: {  	[tilespmem:s2], [sflag:$0x3] =	stream.indirect_vreg.gather [hbm4b:s10+s3], $0x80, v22, vm0, $0xb8;
	[tilespmem:$0x14200] =	vst v63  }
0xf8: {  	s4 =	simm.s32 $0xE800  }
0xf9: {  	[tilespmem:s4], [sflag:$0x3] =	stream.indirect_vreg.gather [hbm4b:s11+s3], $0x80, v22, vm0, $0xb8;
	[tilespmem:$0x14200] =	vst v63  }
0xfa: {  	s14 =	simm.s32 $0xF000  }
0xfb: {  	[tilespmem:s14], [sflag:$0x3] =	stream.indirect_vreg.gather [hbm4b:s12+s3], $0x80, v22, vm0, $0xb8;
	[tilespmem:$0x14200] =	vst v63  }
0xfc: {  	s15 =	simm.s32 $0xF800;
	s30 =	simm.s32 $0x8200  }
0xfd: {  	[tilespmem:s15], [sflag:$0x3] =	stream.indirect_vreg.gather [hbm4b:s13+s3], $0x80, v22, vm0, $0xb8;
	[tilespmem:$0x14200] =	vst v63  }
0xfe: {  	v22 =	vld [tilespmem:s30+$0x0]  }
0xff: {  	v23 =	vld [tilespmem:s30+$0x10]  }
0x100: {  	v24 =	vld [tilespmem:s30+$0x20]  }
0x101: {  	v8 =	vadd.f32 v8, v18;
	v25 =	vld [tilespmem:s30+$0x30]  }
0x102: {  	v0 =	vadd.f32 v20, v0;
	v26 =	vld [tilespmem:s30+$0x40]  }
0x103: {  	v20 =	vld [tilespmem:s30+$0x50];
	[tilespmem:$0x1FDE0] =	vst v8;
	v8 =	vadd.f32 v10, v19  }
0x104: {  	v11 =	vadd.f32 v21, v11;
	v0 =	vadd.f32 v7, v0  }
0x105: {  	[tilespmem:$0x1FDF0] =	vst v8  }
0x106: {  	v18 =	vld [tilespmem:s30+$0xFFFFFE00];
	[tilespmem:$0x1FE00] =	vst v0;
	v0 =	vadd.f32 v9, v11  }
0x107: {  	v13 =	vmul.f32 v13, v13;
	v3 =	vadd.f32 v17, v3  }
0x108: {  	[tilespmem:$0x1FE10] =	vst v0  }
0x109: {  	v15 =	vmul.f32 v15, v15;
	v6 =	vadd.f32 v13, v6;
	v1 =	vadd.f32 v1, v3;
	v0 =	vld [tilespmem:s30+$0xFFFFFE10]  }
0x10a: {  	v8 =	vmul.f32 v16, v16;
	v11 =	vmul.f32 v12, v12;
	v12 =	vld [tilespmem:s30+$0xFFFFFE20]  }
0x10b: {  	v4 =	vadd.f32 v15, v4;
	v15 =	vld [tilespmem:s30+$0xFFFFFE30];
	[tilespmem:$0x1FE20] =	vst v1;
	v1 =	vadd.f32 v2, v6  }
0x10c: {  	v13 =	vmul.f32 v14, v14;
	v5 =	vadd.f32 v8, v5  }
0x10d: {  	v3 =	vld [tilespmem:s30+$0xFFFFFE40];
	[tilespmem:$0x1FE30] =	vst v1;
	v1 =	vadd.f32 v11, v4  }
0x10e: {  	v10 =	vmul.f32 v22, v22;
	v4 =	vadd.f32 v13, v5  }
0x10f: {  	v8 =	vmul.f32 v23, v23;
	v9 =	vmul.f32 v24, v24;
	[tilespmem:$0x1FE40] =	vst v1  }
0x110: {  	v7 =	vmul.f32 v25, v25;
	v2 =	vmul.f32 v26, v26;
	[tilespmem:$0x1FE50] =	vst v4  }
0x111: {  	v6 =	vimm.f32 $0.0e+00;
	v11 =	vimm.f32 $0.0e+00;
	v1 =	vmul.f32 v20, v20;
	v14 =	vld [tilespmem:s30+$0xFFFFFE50]  }
0x112: {  	v4 =	vmul.f32 v18, v18;
	v5 =	vmul.f32 v0, v0;
	v0 =	vimm.f32 $0.0e+00;
	v16 =	vld [tilespmem:s30+$0xFFFFFE60]  }
0x113: {  	v22 =	vmul.f32 v12, v12;
	v21 =	vmul.f32 v15, v15;
	v17 =	vld [tilespmem:s30+$0xFFFFFE70];
	v12 =	vimm.f32 $0.0e+00  }
0x114: {  	v13 =	vld [tilespmem:s30+$0x60];
	v20 =	vadd.f32 v4, v0;
	v18 =	vmul.f32 v3, v3;
	v4 =	vimm.f32 $0.0e+00  }
0x115: {  	s4 =	simm.s32 $0x0;
	s15 =	simm.s32 $0x8600;
	v15 =	vld [tilespmem:s30+$0x70];
	v3 =	vimm.f32 $0.0e+00;
	v19 =	vadd.f32 v5, v0;
	v5 =	vimm.f32 $0.0e+00  }
.LBB2_11:
0x116: {  	v23 =	vld [tilespmem:s15+$0x0];
	v12 =	vadd.f32 v22, v12;
	v11 =	vadd.f32 v21, v11;
	v14 =	vmul.f32 v14, v14  }
0x117: {  	v21 =	vld [tilespmem:s15+$0x10];
	v16 =	vmul.f32 v16, v16;
	v20 =	vadd.f32 v10, v20;
	v19 =	vadd.f32 v8, v19  }
0x118: {  	v22 =	vld [tilespmem:s15+$0x20];
	v8 =	vmul.f32 v17, v17;
	v12 =	vadd.f32 v9, v12;
	v11 =	vadd.f32 v7, v11  }
0x119: {  	v4 =	vadd.f32 v18, v4;
	v6 =	vadd.f32 v14, v6;
	v7 =	vld [tilespmem:s15+$0x30];
	v9 =	vmul.f32 v13, v13  }
0x11a: {  	v5 =	vadd.f32 v16, v5;
	v13 =	vld [tilespmem:s15+$0x40];
	v3 =	vadd.f32 v8, v3;
	v8 =	vmul.f32 v15, v15  }
0x11b: {  	v4 =	vadd.f32 v2, v4;
	v6 =	vadd.f32 v1, v6;
	v15 =	vld [tilespmem:s15+$0x50]  }
0x11c: {  	s30 =	simm.s32 $0x8280;
	v5 =	vadd.f32 v9, v5;
	v17 =	vld [tilespmem:s15+$0xFFFFFE00];
	v3 =	vadd.f32 v8, v3  }
0x11d: {  	v18 =	vld [tilespmem:s15+$0xFFFFFE10]  }
0x11e: {  	v24 =	vld [tilespmem:s15+$0xFFFFFE20]  }
0x11f: {  	s4 =	sadd.s32 $0x10, s4;
	v25 =	vld [tilespmem:s15+$0xFFFFFE30]  }
0x120: {  	p0 =	slt.u32 s4, $0xF0;
	v10 =	vmul.f32 v23, v23;
	v8 =	vmul.f32 v21, v21;
	v26 =	vld [tilespmem:s15+$0xFFFFFE40]  }
.Ltmp4:
0x121: {  	v9 =	vmul.f32 v22, v22;
	v7 =	vmul.f32 v7, v7;
	v14 =	vld [tilespmem:s15+$0xFFFFFE50];
	(pc) =	sbr.rel @p0 .LBB2_11-.Ltmp4, $4  }
0x122: {  	v2 =	vmul.f32 v13, v13;
	v1 =	vmul.f32 v15, v15;
	v16 =	vld [tilespmem:s15+$0xFFFFFE60]  }
0x123: {  	v15 =	vmul.f32 v17, v17;
	v18 =	vmul.f32 v18, v18;
	v17 =	vld [tilespmem:s15+$0xFFFFFE70]  }
0x124: {  	v22 =	vmul.f32 v24, v24;
	v21 =	vmul.f32 v25, v25;
	v13 =	vld [tilespmem:s15+$0x60]  }
0x125: {  	v20 =	vadd.f32 v15, v20;
	v19 =	vadd.f32 v18, v19;
	v18 =	vmul.f32 v26, v26;
	v15 =	vld [tilespmem:s15+$0x70];
	s15 =	sadd.s32 $0x400, s15  }
0x126: {  	v23 =	vld [tilespmem:s30+$0x0]  }
0x127: {  	v24 =	vld [tilespmem:s30+$0x10]  }
0x128: {  	v25 =	vld [tilespmem:s30+$0x20];
	v10 =	vadd.f32 v10, v20  }
0x129: {  	v26 =	vld [tilespmem:s30+$0x30];
	v12 =	vadd.f32 v22, v12;
	v8 =	vadd.f32 v8, v19  }
0x12a: {  	v22 =	vld [tilespmem:s30+$0x40];
	v11 =	vadd.f32 v21, v11;
	[tilespmem:$0x1FD60] =	vst v10  }
0x12b: {  	v20 =	vld [tilespmem:s30+$0x50];
	[tilespmem:$0x1FD70] =	vst v8;
	v8 =	vadd.f32 v9, v12  }
0x12c: {  	v7 =	vadd.f32 v7, v11  }
0x12d: {  	v4 =	vadd.f32 v18, v4;
	v10 =	vmul.f32 v16, v16;
	[tilespmem:$0x1FD80] =	vst v8  }
0x12e: {  	v14 =	vmul.f32 v14, v14;
	v13 =	vmul.f32 v13, v13;
	v12 =	vld [tilespmem:s30+$0xFFFFFE00];
	[tilespmem:$0x1FD90] =	vst v7  }
0x12f: {  	v2 =	vadd.f32 v2, v4;
	v5 =	vadd.f32 v10, v5;
	v8 =	vmul.f32 v17, v17;
	v11 =	vld [tilespmem:s30+$0xFFFFFE10]  }
0x130: {  	v6 =	vadd.f32 v14, v6;
	v14 =	vld [tilespmem:s30+$0xFFFFFE20]  }
0x131: {  	v15 =	vmul.f32 v15, v15;
	v3 =	vadd.f32 v8, v3;
	v17 =	vld [tilespmem:s30+$0xFFFFFE30];
	[tilespmem:$0x1FDA0] =	vst v2;
	v2 =	vadd.f32 v13, v5  }
0x132: {  	v1 =	vadd.f32 v1, v6  }
0x133: {  	v10 =	vmul.f32 v24, v24;
	v9 =	vmul.f32 v26, v26;
	v4 =	vld [tilespmem:s30+$0xFFFFFE40];
	[tilespmem:$0x1FDC0] =	vst v2;
	v2 =	vadd.f32 v15, v3  }
0x134: {  	v7 =	vmul.f32 v25, v25;
	v8 =	vmul.f32 v23, v23;
	[tilespmem:$0x1FDB0] =	vst v1  }
0x135: {  	v1 =	vmul.f32 v22, v22;
	v13 =	vld [tilespmem:s30+$0xFFFFFE50];
	v5 =	vmul.f32 v12, v12;
	[tilespmem:$0x1FDD0] =	vst v2  }
0x136: {  	v3 =	vimm.f32 $0.0e+00;
	v2 =	vmul.f32 v20, v20;
	v6 =	vmul.f32 v11, v11;
	v15 =	vld [tilespmem:s30+$0xFFFFFE60]  }
0x137: {  	v20 =	vmul.f32 v14, v14;
	v16 =	vld [tilespmem:s30+$0xFFFFFE70];
	v21 =	vmul.f32 v17, v17;
	v11 =	vimm.f32 $0.0e+00  }
0x138: {  	v12 =	vld [tilespmem:s30+$0x60];
	v18 =	vadd.f32 v5, v0;
	v17 =	vmul.f32 v4, v4;
	v4 =	vimm.f32 $0.0e+00  }
0x139: {  	s4 =	simm.s32 $0x0;
	s15 =	simm.s32 $0x8680;
	v14 =	vld [tilespmem:s30+$0x70];
	v5 =	vimm.f32 $0.0e+00;
	v19 =	vadd.f32 v6, v0;
	v6 =	vimm.f32 $0.0e+00  }
.LBB2_13:
0x13a: {  	v22 =	vld [tilespmem:s15+$0x0];
	v0 =	vadd.f32 v20, v0;
	v11 =	vadd.f32 v21, v11;
	v13 =	vmul.f32 v13, v13  }
0x13b: {  	v20 =	vld [tilespmem:s15+$0x10];
	v15 =	vmul.f32 v15, v15;
	v18 =	vadd.f32 v8, v18;
	v19 =	vadd.f32 v10, v19  }
0x13c: {  	v21 =	vld [tilespmem:s15+$0x20];
	v8 =	vmul.f32 v16, v16;
	v0 =	vadd.f32 v7, v0;
	v11 =	vadd.f32 v9, v11  }
0x13d: {  	v3 =	vadd.f32 v17, v3;
	v6 =	vadd.f32 v13, v6;
	v9 =	vld [tilespmem:s15+$0x30];
	v7 =	vmul.f32 v12, v12  }
0x13e: {  	v4 =	vadd.f32 v15, v4;
	v12 =	vld [tilespmem:s15+$0x40];
	v5 =	vadd.f32 v8, v5;
	v8 =	vmul.f32 v14, v14  }
0x13f: {  	v3 =	vadd.f32 v1, v3;
	v6 =	vadd.f32 v2, v6;
	v14 =	vld [tilespmem:s15+$0x50]  }
0x140: {  	s30 =	simm.s32 $0x8300;
	v4 =	vadd.f32 v7, v4;
	v16 =	vld [tilespmem:s15+$0xFFFFFE00];
	v5 =	vadd.f32 v8, v5  }
0x141: {  	v17 =	vld [tilespmem:s15+$0xFFFFFE10]  }
0x142: {  	v23 =	vld [tilespmem:s15+$0xFFFFFE20]  }
0x143: {  	s4 =	sadd.s32 $0x10, s4;
	v24 =	vld [tilespmem:s15+$0xFFFFFE30]  }
0x144: {  	p0 =	slt.u32 s4, $0xF0;
	v8 =	vmul.f32 v22, v22;
	v10 =	vmul.f32 v20, v20;
	v25 =	vld [tilespmem:s15+$0xFFFFFE40]  }
.Ltmp5:
0x145: {  	v7 =	vmul.f32 v21, v21;
	v9 =	vmul.f32 v9, v9;
	v13 =	vld [tilespmem:s15+$0xFFFFFE50];
	(pc) =	sbr.rel @p0 .LBB2_13-.Ltmp5, $4  }
0x146: {  	v1 =	vmul.f32 v12, v12;
	v2 =	vmul.f32 v14, v14;
	v15 =	vld [tilespmem:s15+$0xFFFFFE60]  }
0x147: {  	v14 =	vmul.f32 v16, v16;
	v17 =	vmul.f32 v17, v17;
	v16 =	vld [tilespmem:s15+$0xFFFFFE70]  }
0x148: {  	v20 =	vmul.f32 v23, v23;
	v21 =	vmul.f32 v24, v24;
	v12 =	vld [tilespmem:s15+$0x60]  }
0x149: {  	v18 =	vadd.f32 v14, v18;
	v19 =	vadd.f32 v17, v19;
	v17 =	vmul.f32 v25, v25;
	v14 =	vld [tilespmem:s15+$0x70];
	s15 =	sadd.s32 $0x400, s15  }
0x14a: {  	v22 =	vld [tilespmem:s30+$0x0]  }
0x14b: {  	v23 =	vld [tilespmem:s30+$0x10]  }
0x14c: {  	v24 =	vld [tilespmem:s30+$0x20]  }
0x14d: {  	v25 =	vld [tilespmem:s30+$0x30];
	v8 =	vadd.f32 v8, v18  }
0x14e: {  	v26 =	vld [tilespmem:s30+$0x40];
	v0 =	vadd.f32 v20, v0  }
0x14f: {  	v20 =	vld [tilespmem:s30+$0x50];
	[tilespmem:$0x1FCE0] =	vst v8;
	v8 =	vadd.f32 v10, v19  }
0x150: {  	v11 =	vadd.f32 v21, v11;
	v0 =	vadd.f32 v7, v0  }
0x151: {  	[tilespmem:$0x1FCF0] =	vst v8  }
0x152: {  	v18 =	vld [tilespmem:s30+$0xFFFFFE00];
	[tilespmem:$0x1FD00] =	vst v0;
	v0 =	vadd.f32 v9, v11  }
0x153: {  	v13 =	vmul.f32 v13, v13;
	v3 =	vadd.f32 v17, v3  }
0x154: {  	[tilespmem:$0x1FD10] =	vst v0  }
0x155: {  	v15 =	vmul.f32 v15, v15;
	v6 =	vadd.f32 v13, v6;
	v1 =	vadd.f32 v1, v3;
	v0 =	vld [tilespmem:s30+$0xFFFFFE10]  }
0x156: {  	v8 =	vmul.f32 v16, v16;
	v11 =	vmul.f32 v12, v12;
	v12 =	vld [tilespmem:s30+$0xFFFFFE20]  }
0x157: {  	v4 =	vadd.f32 v15, v4;
	v15 =	vld [tilespmem:s30+$0xFFFFFE30];
	[tilespmem:$0x1FD20] =	vst v1;
	v1 =	vadd.f32 v2, v6  }
0x158: {  	v13 =	vmul.f32 v14, v14;
	v5 =	vadd.f32 v8, v5  }
0x159: {  	v3 =	vld [tilespmem:s30+$0xFFFFFE40];
	[tilespmem:$0x1FD30] =	vst v1;
	v1 =	vadd.f32 v11, v4  }
0x15a: {  	v10 =	vmul.f32 v22, v22;
	v4 =	vadd.f32 v13, v5  }
0x15b: {  	v7 =	vmul.f32 v25, v25;
	v9 =	vmul.f32 v24, v24;
	[tilespmem:$0x1FD40] =	vst v1  }
0x15c: {  	v8 =	vmul.f32 v23, v23;
	v2 =	vmul.f32 v26, v26;
	[tilespmem:$0x1FD50] =	vst v4  }
0x15d: {  	v6 =	vimm.f32 $0.0e+00;
	v11 =	vimm.f32 $0.0e+00;
	v1 =	vmul.f32 v20, v20;
	v14 =	vld [tilespmem:s30+$0xFFFFFE50]  }
0x15e: {  	v4 =	vmul.f32 v18, v18;
	v5 =	vmul.f32 v0, v0;
	v0 =	vimm.f32 $0.0e+00;
	v16 =	vld [tilespmem:s30+$0xFFFFFE60]  }
0x15f: {  	v22 =	vmul.f32 v12, v12;
	v21 =	vmul.f32 v15, v15;
	v17 =	vld [tilespmem:s30+$0xFFFFFE70];
	v12 =	vimm.f32 $0.0e+00  }
0x160: {  	v13 =	vld [tilespmem:s30+$0x60];
	v20 =	vadd.f32 v4, v0;
	v18 =	vmul.f32 v3, v3;
	v4 =	vimm.f32 $0.0e+00  }
0x161: {  	s4 =	simm.s32 $0x0;
	s15 =	simm.s32 $0x8700;
	v15 =	vld [tilespmem:s30+$0x70];
	v3 =	vimm.f32 $0.0e+00;
	v19 =	vadd.f32 v5, v0;
	v5 =	vimm.f32 $0.0e+00  }
.LBB2_15:
0x162: {  	v23 =	vld [tilespmem:s15+$0x0];
	v12 =	vadd.f32 v22, v12;
	v11 =	vadd.f32 v21, v11;
	v14 =	vmul.f32 v14, v14  }
0x163: {  	v21 =	vld [tilespmem:s15+$0x10];
	v16 =	vmul.f32 v16, v16;
	v20 =	vadd.f32 v10, v20;
	v19 =	vadd.f32 v8, v19  }
0x164: {  	v22 =	vld [tilespmem:s15+$0x20];
	v8 =	vmul.f32 v17, v17;
	v12 =	vadd.f32 v9, v12;
	v11 =	vadd.f32 v7, v11  }
0x165: {  	v4 =	vadd.f32 v18, v4;
	v6 =	vadd.f32 v14, v6;
	v7 =	vld [tilespmem:s15+$0x30];
	v9 =	vmul.f32 v13, v13  }
0x166: {  	v5 =	vadd.f32 v16, v5;
	v13 =	vld [tilespmem:s15+$0x40];
	v3 =	vadd.f32 v8, v3;
	v8 =	vmul.f32 v15, v15  }
0x167: {  	v4 =	vadd.f32 v2, v4;
	v6 =	vadd.f32 v1, v6;
	v15 =	vld [tilespmem:s15+$0x50]  }
0x168: {  	s30 =	simm.s32 $0x8380;
	v5 =	vadd.f32 v9, v5;
	v17 =	vld [tilespmem:s15+$0xFFFFFE00];
	v3 =	vadd.f32 v8, v3  }
0x169: {  	v18 =	vld [tilespmem:s15+$0xFFFFFE10]  }
0x16a: {  	v24 =	vld [tilespmem:s15+$0xFFFFFE20]  }
0x16b: {  	s4 =	sadd.s32 $0x10, s4;
	v25 =	vld [tilespmem:s15+$0xFFFFFE30]  }
0x16c: {  	p0 =	slt.u32 s4, $0xF0;
	v10 =	vmul.f32 v23, v23;
	v8 =	vmul.f32 v21, v21;
	v26 =	vld [tilespmem:s15+$0xFFFFFE40]  }
.Ltmp6:
0x16d: {  	v9 =	vmul.f32 v22, v22;
	v7 =	vmul.f32 v7, v7;
	v14 =	vld [tilespmem:s15+$0xFFFFFE50];
	(pc) =	sbr.rel @p0 .LBB2_15-.Ltmp6, $4  }
0x16e: {  	v2 =	vmul.f32 v13, v13;
	v1 =	vmul.f32 v15, v15;
	v16 =	vld [tilespmem:s15+$0xFFFFFE60]  }
0x16f: {  	v15 =	vmul.f32 v17, v17;
	v18 =	vmul.f32 v18, v18;
	v17 =	vld [tilespmem:s15+$0xFFFFFE70]  }
0x170: {  	v22 =	vmul.f32 v24, v24;
	v21 =	vmul.f32 v25, v25;
	v13 =	vld [tilespmem:s15+$0x60]  }
0x171: {  	v20 =	vadd.f32 v15, v20;
	v19 =	vadd.f32 v18, v19;
	v18 =	vmul.f32 v26, v26;
	v15 =	vld [tilespmem:s15+$0x70];
	s15 =	sadd.s32 $0x400, s15  }
0x172: {  	v23 =	vld [tilespmem:s30+$0x0]  }
0x173: {  	v24 =	vld [tilespmem:s30+$0x10]  }
0x174: {  	v25 =	vld [tilespmem:s30+$0x20];
	v11 =	vadd.f32 v21, v11;
	v10 =	vadd.f32 v10, v20  }
0x175: {  	v26 =	vld [tilespmem:s30+$0x30]  }
0x176: {  	v12 =	vadd.f32 v22, v12;
	v22 =	vld [tilespmem:s30+$0x40];
	v7 =	vadd.f32 v7, v11;
	[tilespmem:$0x1FCC0] =	vst v10  }
0x177: {  	v20 =	vld [tilespmem:s30+$0x50]  }
0x178: {  	v14 =	vmul.f32 v14, v14;
	v53 =	vadd.f32 v9, v12;
	v12 =	vld [tilespmem:s30+$0xFFFFFE00];
	[tilespmem:$0x1FCD0] =	vst v7  }
0x179: {  	v4 =	vadd.f32 v18, v4;
	v11 =	vld [tilespmem:s30+$0xFFFFFE10]  }
0x17a: {  	v54 =	vadd.f32 v8, v19;
	v8 =	vmul.f32 v17, v17;
	v6 =	vadd.f32 v14, v6;
	v14 =	vld [tilespmem:s30+$0xFFFFFE20]  }
0x17b: {  	v10 =	vmul.f32 v16, v16;
	v13 =	vmul.f32 v13, v13;
	v56 =	vadd.f32 v2, v4;
	v17 =	vld [tilespmem:s30+$0xFFFFFE30]  }
0x17c: {  	v3 =	vadd.f32 v8, v3;
	v15 =	vmul.f32 v15, v15;
	v8 =	vmul.f32 v23, v23;
	v4 =	vld [tilespmem:s30+$0xFFFFFE40]  }
0x17d: {  	v5 =	vadd.f32 v10, v5;
	v10 =	vmul.f32 v24, v24;
	v7 =	vmul.f32 v25, v25  }
0x17e: {  	v57 =	vadd.f32 v1, v6;
	v9 =	vmul.f32 v26, v26;
	v1 =	vmul.f32 v22, v22  }
0x17f: {  	v55 =	vadd.f32 v13, v5;
	v13 =	vld [tilespmem:s30+$0xFFFFFE50];
	v5 =	vmul.f32 v12, v12;
	v2 =	vmul.f32 v20, v20  }
0x180: {  	v58 =	vadd.f32 v15, v3;
	v15 =	vld [tilespmem:s30+$0xFFFFFE60];
	v6 =	vmul.f32 v11, v11;
	v20 =	vmul.f32 v14, v14  }
0x181: {  	v16 =	vld [tilespmem:s30+$0xFFFFFE70];
	v3 =	vimm.f32 $0.0e+00;
	v21 =	vmul.f32 v17, v17;
	v17 =	vmul.f32 v4, v4  }
0x182: {  	v12 =	vld [tilespmem:s30+$0x60];
	v11 =	vimm.f32 $0.0e+00;
	v4 =	vimm.f32 $0.0e+00;
	v18 =	vadd.f32 v5, v0  }
0x183: {  	s4 =	simm.s32 $0x0;
	s15 =	simm.s32 $0x8780;
	v14 =	vld [tilespmem:s30+$0x70];
	v5 =	vimm.f32 $0.0e+00;
	v19 =	vadd.f32 v6, v0;
	v6 =	vimm.f32 $0.0e+00  }
.LBB2_17:
0x184: {  	v22 =	vld [tilespmem:s15+$0x0];
	v0 =	vadd.f32 v20, v0;
	v11 =	vadd.f32 v21, v11;
	v13 =	vmul.f32 v13, v13  }
0x185: {  	v20 =	vld [tilespmem:s15+$0x10];
	v15 =	vmul.f32 v15, v15;
	v18 =	vadd.f32 v8, v18;
	v19 =	vadd.f32 v10, v19  }
0x186: {  	v21 =	vld [tilespmem:s15+$0x20];
	v8 =	vmul.f32 v16, v16;
	v0 =	vadd.f32 v7, v0;
	v11 =	vadd.f32 v9, v11  }
0x187: {  	v3 =	vadd.f32 v17, v3;
	v6 =	vadd.f32 v13, v6;
	v9 =	vld [tilespmem:s15+$0x30];
	v7 =	vmul.f32 v12, v12  }
0x188: {  	v4 =	vadd.f32 v15, v4;
	v12 =	vld [tilespmem:s15+$0x40];
	v5 =	vadd.f32 v8, v5;
	v8 =	vmul.f32 v14, v14  }
0x189: {  	v3 =	vadd.f32 v1, v3;
	v6 =	vadd.f32 v2, v6;
	v14 =	vld [tilespmem:s15+$0x50]  }
0x18a: {  	v4 =	vadd.f32 v7, v4;
	v16 =	vld [tilespmem:s15+$0xFFFFFE00];
	v5 =	vadd.f32 v8, v5  }
0x18b: {  	v17 =	vld [tilespmem:s15+$0xFFFFFE10]  }
0x18c: {  	v23 =	vld [tilespmem:s15+$0xFFFFFE20]  }
0x18d: {  	s4 =	sadd.s32 $0x10, s4;
	v24 =	vld [tilespmem:s15+$0xFFFFFE30]  }
0x18e: {  	p0 =	slt.u32 s4, $0xF0;
	v8 =	vmul.f32 v22, v22;
	v10 =	vmul.f32 v20, v20;
	v25 =	vld [tilespmem:s15+$0xFFFFFE40]  }
.Ltmp7:
0x18f: {  	v7 =	vmul.f32 v21, v21;
	v9 =	vmul.f32 v9, v9;
	v13 =	vld [tilespmem:s15+$0xFFFFFE50];
	(pc) =	sbr.rel @p0 .LBB2_17-.Ltmp7, $4  }
0x190: {  	v1 =	vmul.f32 v12, v12;
	v2 =	vmul.f32 v14, v14;
	v15 =	vld [tilespmem:s15+$0xFFFFFE60]  }
0x191: {  	v14 =	vmul.f32 v16, v16;
	v17 =	vmul.f32 v17, v17;
	v16 =	vld [tilespmem:s15+$0xFFFFFE70]  }
0x192: {  	v20 =	vmul.f32 v23, v23;
	v21 =	vmul.f32 v24, v24;
	v12 =	vld [tilespmem:s15+$0x60]  }
0x193: {  	v18 =	vadd.f32 v14, v18;
	v19 =	vadd.f32 v17, v19;
	v17 =	vmul.f32 v25, v25;
	v14 =	vld [tilespmem:s15+$0x70];
	s15 =	sadd.s32 $0x400, s15  }
0x194: {  	_ =	swait.ge [sflag:s16], $0x4000  }
0x195: {  	[sflag:s16] =	ssyncset.done $0x0  }
0x196: {  	s4 =	sor.u32 $0x3, s29;
	[sflag:s16] =	ssyncadd.s32 $0xFFFFC000  }
0x197: {  	s14 =	sshll.u32 s4, $0xB;
	_ =	swait.ge [sflag:s0], $0x4000  }
0x198: {  	s4 =	sshll.u32 s4, $0x7;
	s14 =	sand.u32 $0x3F000, s14;
	s1 =	rddreg [dreg:$0x5]  }
0x199: {  	[sflag:s0] =	ssyncset.done $0x0;
	s16 =	rddreg [dreg:$0x7];
	s14 =	sor.u32 s14, s1  }
0x19a: {  	s4 =	sand.u32 $0x3FFFFF80, s4;
	[sflag:s0] =	ssyncadd.s32 $0xFFFFC000;
	s14 =	sadd.s32 s14, s16  }
0x19b: {  	[tilespmem:s17], [sflag:$0x2] =	stream.strided.gather [hbm4b:s14+s5], $0x4000, s6, s5, $0x38;
	[tilespmem:$0x14200] =	vst v63  }
0x19c: {  	v22 =	vld.msk [tilespmem:s4+$0x0], $0xf;
	_ =	sdelay $0x4  }
0x19d: {  	v23 =	vshll.u32 v22, $0x5  }
0x19e: {  	v22 =	vand.u32 $0x7, v22;
	v23 =	vand.u32 $0xFFFFFF00, v23  }
0x19f: {  	v22 =	vor.u32 v22, v23  }
0x1a0: {  	v22 =	vperm.xlane v22, v27;
	_ =	sdelay $0x1  }
0x1a1: {  	v22 =	vadd.s32 v28, v22;
	_ =	sdelay $0x4  }
0x1a2: {  	[tilespmem:s18], [sflag:$0x4] =	stream.indirect_vreg.gather [hbm4b:s24+s3], $0x80, v22, vm0, $0xb8;
	[tilespmem:$0x14200] =	vst v63  }
0x1a3: {  	_ = 	snop  }
0x1a4: {  	[tilespmem:s20], [sflag:$0x4] =	stream.indirect_vreg.gather [hbm4b:s7+s3], $0x80, v22, vm0, $0xb8;
	[tilespmem:$0x14200] =	vst v63  }
0x1a5: {  	_ = 	snop  }
0x1a6: {  	[tilespmem:s21], [sflag:$0x4] =	stream.indirect_vreg.gather [hbm4b:s8+s3], $0x80, v22, vm0, $0xb8;
	[tilespmem:$0x14200] =	vst v63  }
0x1a7: {  	_ = 	snop  }
0x1a8: {  	[tilespmem:s22], [sflag:$0x4] =	stream.indirect_vreg.gather [hbm4b:s9+s3], $0x80, v22, vm0, $0xb8;
	[tilespmem:$0x14200] =	vst v63  }
0x1a9: {  	_ = 	snop  }
0x1aa: {  	[tilespmem:s23], [sflag:$0x4] =	stream.indirect_vreg.gather [hbm4b:s10+s3], $0x80, v22, vm0, $0xb8;
	[tilespmem:$0x14200] =	vst v63  }
0x1ab: {  	_ = 	snop  }
0x1ac: {  	[tilespmem:s31], [sflag:$0x4] =	stream.indirect_vreg.gather [hbm4b:s11+s3], $0x80, v22, vm0, $0xb8;
	[tilespmem:$0x14200] =	vst v63  }
0x1ad: {  	s23 =	simm.s32 $0x13000  }
0x1ae: {  	[tilespmem:s23], [sflag:$0x4] =	stream.indirect_vreg.gather [hbm4b:s12+s3], $0x80, v22, vm0, $0xb8;
	[tilespmem:$0x14200] =	vst v63  }
0x1af: {  	s30 =	simm.s32 $0x13800;
	s31 =	simm.s32 $0x4200  }
0x1b0: {  	[tilespmem:s30], [sflag:$0x4] =	stream.indirect_vreg.gather [hbm4b:s13+s3], $0x80, v22, vm0, $0xb8;
	[tilespmem:$0x14200] =	vst v63  }
0x1b1: {  	v22 =	vld [tilespmem:s31+$0x0]  }
0x1b2: {  	v23 =	vld [tilespmem:s31+$0x10]  }
0x1b3: {  	v24 =	vld [tilespmem:s31+$0x20]  }
0x1b4: {  	v25 =	vld [tilespmem:s31+$0x30]  }
0x1b5: {  	v26 =	vld [tilespmem:s31+$0x40]  }
0x1b6: {  	v0 =	vadd.f32 v20, v0;
	v11 =	vadd.f32 v21, v11;
	v13 =	vmul.f32 v13, v13;
	v20 =	vld [tilespmem:s31+$0x50]  }
0x1b7: {  	v15 =	vmul.f32 v15, v15;
	v60 =	vadd.f32 v8, v18;
	v62 =	vadd.f32 v10, v19;
	v8 =	vld [tilespmem:s31+$0xFFFFFE00]  }
0x1b8: {  	v10 =	vmul.f32 v16, v16;
	v61 =	vadd.f32 v7, v0;
	v59 =	vadd.f32 v9, v11;
	v9 =	vld [tilespmem:s31+$0xFFFFFE10]  }
0x1b9: {  	v0 =	vadd.f32 v17, v3;
	v3 =	vadd.f32 v13, v6;
	v7 =	vmul.f32 v12, v12;
	v12 =	vld [tilespmem:s31+$0xFFFFFE20]  }
0x1ba: {  	v11 =	vadd.f32 v15, v4;
	v10 =	vadd.f32 v10, v5;
	v13 =	vmul.f32 v14, v14;
	v15 =	vld [tilespmem:s31+$0xFFFFFE30]  }
0x1bb: {  	v1 =	vadd.f32 v1, v0;
	v2 =	vadd.f32 v2, v3;
	v16 =	vld [tilespmem:s31+$0xFFFFFE40];
	v4 =	vmul.f32 v22, v22  }
0x1bc: {  	v63 =	vadd.f32 v7, v11;
	v6 =	vmul.f32 v23, v23;
	v14 =	vmul.f32 v24, v24  }
0x1bd: {  	v11 =	vimm.f32 $0.0e+00;
	v5 =	vmul.f32 v25, v25;
	v7 =	vmul.f32 v26, v26  }
0x1be: {  	v0 =	vadd.f32 v13, v10;
	v17 =	vld [tilespmem:s31+$0xFFFFFE50];
	v3 =	vmul.f32 v20, v20;
	v8 =	vmul.f32 v8, v8  }
0x1bf: {  	v10 =	vimm.f32 $0.0e+00;
	v19 =	vld [tilespmem:s31+$0xFFFFFE60];
	v9 =	vmul.f32 v9, v9;
	v25 =	vmul.f32 v12, v12  }
0x1c0: {  	v13 =	vimm.f32 $0.0e+00;
	v24 =	vmul.f32 v15, v15;
	v20 =	vld [tilespmem:s31+$0xFFFFFE70];
	v21 =	vmul.f32 v16, v16  }
0x1c1: {  	v16 =	vld [tilespmem:s31+$0x60];
	v15 =	vimm.f32 $0.0e+00;
	v12 =	vimm.f32 $0.0e+00;
	v23 =	vadd.f32 v8, v11  }
0x1c2: {  	s15 =	simm.s32 $0x4600;
	s4 =	simm.s32 $0x0;
	v18 =	vld [tilespmem:s31+$0x70];
	v22 =	vadd.f32 v9, v11;
	v8 =	vimm.f32 $0.0e+00;
	v9 =	vimm.f32 $0.0e+00  }
.LBB2_19:
0x1c3: {  	v26 =	vld [tilespmem:s15+$0x0];
	v15 =	vadd.f32 v25, v15;
	v8 =	vadd.f32 v24, v8;
	v17 =	vmul.f32 v17, v17  }
0x1c4: {  	v24 =	vld [tilespmem:s15+$0x10];
	v19 =	vmul.f32 v19, v19;
	v23 =	vadd.f32 v4, v23;
	v22 =	vadd.f32 v6, v22  }
0x1c5: {  	v25 =	vld [tilespmem:s15+$0x20];
	v4 =	vmul.f32 v20, v20;
	v15 =	vadd.f32 v14, v15;
	v8 =	vadd.f32 v5, v8  }
0x1c6: {  	v6 =	vadd.f32 v21, v10;
	v13 =	vadd.f32 v17, v13;
	v5 =	vld [tilespmem:s15+$0x30];
	v14 =	vmul.f32 v16, v16  }
0x1c7: {  	v12 =	vadd.f32 v19, v12;
	v16 =	vld [tilespmem:s15+$0x40];
	v4 =	vadd.f32 v4, v9;
	v9 =	vmul.f32 v18, v18  }
0x1c8: {  	v10 =	vadd.f32 v7, v6;
	v13 =	vadd.f32 v3, v13;
	v18 =	vld [tilespmem:s15+$0x50]  }
0x1c9: {  	v12 =	vadd.f32 v14, v12;
	v20 =	vld [tilespmem:s15+$0xFFFFFE00];
	v9 =	vadd.f32 v9, v4  }
0x1ca: {  	v21 =	vld [tilespmem:s15+$0xFFFFFE10]  }
0x1cb: {  	v27 =	vld [tilespmem:s15+$0xFFFFFE20]  }
0x1cc: {  	s4 =	sadd.s32 $0x10, s4;
	v28 =	vld [tilespmem:s15+$0xFFFFFE30]  }
0x1cd: {  	p0 =	slt.u32 s4, $0xF0;
	v4 =	vmul.f32 v26, v26;
	v6 =	vmul.f32 v24, v24;
	v29 =	vld [tilespmem:s15+$0xFFFFFE40]  }
.Ltmp8:
0x1ce: {  	v14 =	vmul.f32 v25, v25;
	v5 =	vmul.f32 v5, v5;
	v17 =	vld [tilespmem:s15+$0xFFFFFE50];
	(pc) =	sbr.rel @p0 .LBB2_19-.Ltmp8, $4  }
0x1cf: {  	v7 =	vmul.f32 v16, v16;
	v3 =	vmul.f32 v18, v18;
	v19 =	vld [tilespmem:s15+$0xFFFFFE60]  }
0x1d0: {  	v18 =	vmul.f32 v20, v20;
	v21 =	vmul.f32 v21, v21;
	v20 =	vld [tilespmem:s15+$0xFFFFFE70]  }
0x1d1: {  	v25 =	vmul.f32 v27, v27;
	v24 =	vmul.f32 v28, v28;
	v16 =	vld [tilespmem:s15+$0x60]  }
0x1d2: {  	v23 =	vadd.f32 v18, v23;
	v22 =	vadd.f32 v21, v22;
	v21 =	vmul.f32 v29, v29;
	v18 =	vld [tilespmem:s15+$0x70];
	s15 =	sadd.s32 $0x400, s15  }
0x1d3: {  	s14 =	simm.s32 $0x4280  }
0x1d4: {  	v26 =	vld [tilespmem:s14+$0x0]  }
0x1d5: {  	v27 =	vld [tilespmem:s14+$0x10]  }
0x1d6: {  	v28 =	vld [tilespmem:s14+$0x20]  }
0x1d7: {  	v29 =	vld [tilespmem:s14+$0x30]  }
0x1d8: {  	v15 =	vadd.f32 v25, v15;
	v25 =	vld [tilespmem:s14+$0x40]  }
0x1d9: {  	v24 =	vadd.f32 v24, v8;
	v17 =	vmul.f32 v17, v17;
	v4 =	vadd.f32 v4, v23;
	v30 =	vld [tilespmem:s14+$0xFFFFFE20]  }
0x1da: {  	v19 =	vmul.f32 v19, v19;
	v8 =	vadd.f32 v6, v22;
	v10 =	vadd.f32 v21, v10;
	v32 =	vld [tilespmem:s14+$0xFFFFFE30]  }
0x1db: {  	v33 =	vld [tilespmem:s14+$0xFFFFFE40];
	v6 =	vadd.f32 v14, v15;
	v14 =	vmul.f32 v20, v20;
	v5 =	vadd.f32 v5, v24  }
0x1dc: {  	v15 =	vld [tilespmem:s14+$0xFFFFFE00];
	v17 =	vadd.f32 v17, v13;
	v21 =	vmul.f32 v16, v16;
	v19 =	vadd.f32 v19, v12  }
0x1dd: {  	v20 =	vld [tilespmem:s14+$0xFFFFFE10];
	v10 =	vadd.f32 v7, v10;
	v31 =	vadd.f32 v14, v9;
	v18 =	vmul.f32 v18, v18  }
0x1de: {  	v23 =	vld [tilespmem:s14+$0x50];
	v9 =	vadd.f32 v3, v17;
	v14 =	vmul.f32 v26, v26;
	v16 =	vmul.f32 v27, v27  }
0x1df: {  	v7 =	vadd.f32 v21, v19;
	v13 =	vmul.f32 v28, v28;
	v22 =	vmul.f32 v29, v29  }
0x1e0: {  	v24 =	vld [tilespmem:s14+$0xFFFFFE50];
	v12 =	vmul.f32 v25, v25;
	v3 =	vadd.f32 v18, v31;
	v31 =	vmul.f32 v30, v30  }
0x1e1: {  	v21 =	vimm.f32 $0.0e+00;
	v26 =	vld [tilespmem:s14+$0xFFFFFE60];
	v32 =	vmul.f32 v32, v32;
	v17 =	vmul.f32 v15, v15  }
0x1e2: {  	v27 =	vld [tilespmem:s14+$0xFFFFFE70];
	v28 =	vmul.f32 v33, v33;
	v18 =	vimm.f32 $0.0e+00;
	v19 =	vmul.f32 v20, v20  }
0x1e3: {  	v15 =	vmul.f32 v23, v23;
	v23 =	vld [tilespmem:s14+$0x60];
	v20 =	vimm.f32 $0.0e+00;
	v29 =	vadd.f32 v17, v11  }
0x1e4: {  	s4 =	simm.s32 $0x0;
	s15 =	simm.s32 $0x4680;
	v25 =	vld [tilespmem:s14+$0x70];
	v30 =	vadd.f32 v19, v11;
	v17 =	vimm.f32 $0.0e+00;
	v19 =	vimm.f32 $0.0e+00  }
.LBB2_21:
0x1e5: {  	v33 =	vld [tilespmem:s15+$0x0];
	v11 =	vadd.f32 v31, v11;
	v17 =	vadd.f32 v32, v17;
	v24 =	vmul.f32 v24, v24  }
0x1e6: {  	v31 =	vld [tilespmem:s15+$0x10];
	v26 =	vmul.f32 v26, v26;
	v29 =	vadd.f32 v14, v29;
	v30 =	vadd.f32 v16, v30  }
0x1e7: {  	v32 =	vld [tilespmem:s15+$0x20];
	v14 =	vmul.f32 v27, v27;
	v11 =	vadd.f32 v13, v11;
	v17 =	vadd.f32 v22, v17  }
0x1e8: {  	v13 =	vadd.f32 v28, v18;
	v16 =	vadd.f32 v24, v21;
	v22 =	vld [tilespmem:s15+$0x30];
	v23 =	vmul.f32 v23, v23  }
0x1e9: {  	v19 =	vadd.f32 v26, v19;
	v27 =	vld [tilespmem:s15+$0x40];
	v14 =	vadd.f32 v14, v20;
	v20 =	vmul.f32 v25, v25  }
0x1ea: {  	v18 =	vadd.f32 v12, v13;
	v21 =	vadd.f32 v15, v16;
	v25 =	vld [tilespmem:s15+$0x50]  }
0x1eb: {  	v19 =	vadd.f32 v23, v19;
	v28 =	vld [tilespmem:s15+$0xFFFFFE00];
	v20 =	vadd.f32 v20, v14  }
0x1ec: {  	v23 =	vld [tilespmem:s15+$0xFFFFFE10]  }
0x1ed: {  	v34 =	vld [tilespmem:s15+$0xFFFFFE20]  }
0x1ee: {  	s4 =	sadd.s32 $0x10, s4;
	v35 =	vld [tilespmem:s15+$0xFFFFFE30]  }
0x1ef: {  	p0 =	slt.u32 s4, $0xF0;
	v14 =	vmul.f32 v33, v33;
	v16 =	vmul.f32 v31, v31;
	v36 =	vld [tilespmem:s15+$0xFFFFFE40]  }
.Ltmp9:
0x1f0: {  	v13 =	vmul.f32 v32, v32;
	v22 =	vmul.f32 v22, v22;
	v24 =	vld [tilespmem:s15+$0xFFFFFE50];
	(pc) =	sbr.rel @p0 .LBB2_21-.Ltmp9, $4  }
0x1f1: {  	v12 =	vmul.f32 v27, v27;
	v15 =	vmul.f32 v25, v25;
	v26 =	vld [tilespmem:s15+$0xFFFFFE60]  }
0x1f2: {  	v25 =	vmul.f32 v28, v28;
	v28 =	vmul.f32 v23, v23;
	v27 =	vld [tilespmem:s15+$0xFFFFFE70]  }
0x1f3: {  	v31 =	vmul.f32 v34, v34;
	v32 =	vmul.f32 v35, v35;
	v23 =	vld [tilespmem:s15+$0x60]  }
0x1f4: {  	v29 =	vadd.f32 v25, v29;
	v30 =	vadd.f32 v28, v30;
	v28 =	vmul.f32 v36, v36;
	v25 =	vld [tilespmem:s15+$0x70];
	s15 =	sadd.s32 $0x400, s15  }
0x1f5: {  	s14 =	simm.s32 $0x4300  }
0x1f6: {  	v33 =	vld [tilespmem:s14+$0x0]  }
0x1f7: {  	v34 =	vld [tilespmem:s14+$0x10]  }
0x1f8: {  	v35 =	vld [tilespmem:s14+$0x20]  }
0x1f9: {  	v36 =	vld [tilespmem:s14+$0x30]  }
0x1fa: {  	v11 =	vadd.f32 v31, v11;
	v31 =	vadd.f32 v32, v17;
	v24 =	vmul.f32 v24, v24;
	v37 =	vld [tilespmem:s14+$0x40]  }
0x1fb: {  	v52 =	vld [tilespmem:s14+$0x50];
	v26 =	vmul.f32 v26, v26;
	v14 =	vadd.f32 v14, v29;
	v16 =	vadd.f32 v16, v30  }
0x1fc: {  	v29 =	vld [tilespmem:s14+$0xFFFFFE00];
	v27 =	vmul.f32 v27, v27;
	v17 =	vadd.f32 v13, v11;
	v13 =	vadd.f32 v22, v31  }
0x1fd: {  	v42 =	vld [tilespmem:s14+$0xFFFFFE40];
	v11 =	vadd.f32 v28, v18;
	v21 =	vadd.f32 v24, v21;
	v22 =	vmul.f32 v23, v23  }
0x1fe: {  	v31 =	vld [tilespmem:s14+$0xFFFFFE10];
	v19 =	vadd.f32 v26, v19;
	v26 =	vadd.f32 v27, v20;
	v25 =	vmul.f32 v25, v25  }
0x1ff: {  	v28 =	vld [tilespmem:s14+$0xFFFFFE20];
	v18 =	vadd.f32 v12, v11;
	v15 =	vadd.f32 v15, v21;
	v23 =	vmul.f32 v33, v33  }
0x200: {  	v27 =	vld [tilespmem:s14+$0xFFFFFE30];
	v12 =	vadd.f32 v22, v19;
	v24 =	vmul.f32 v34, v34;
	v30 =	vmul.f32 v35, v35  }
0x201: {  	v19 =	vimm.f32 $0.0e+00;
	v21 =	vmul.f32 v36, v36;
	v22 =	vmul.f32 v37, v37  }
0x202: {  	v20 =	vmul.f32 v52, v52;
	v11 =	vadd.f32 v25, v26;
	v33 =	vld [tilespmem:s14+$0xFFFFFE50];
	v25 =	vmul.f32 v29, v29  }
0x203: {  	v35 =	vld [tilespmem:s14+$0xFFFFFE60];
	v37 =	vmul.f32 v42, v42;
	v29 =	vimm.f32 $0.0e+00;
	v26 =	vmul.f32 v31, v31  }
0x204: {  	v36 =	vld [tilespmem:s14+$0xFFFFFE70];
	v41 =	vmul.f32 v28, v28;
	v31 =	vimm.f32 $0.0e+00;
	v28 =	vimm.f32 $0.0e+00  }
0x205: {  	v32 =	vld [tilespmem:s14+$0x60];
	v39 =	vadd.f32 v25, v19;
	v25 =	vimm.f32 $0.0e+00;
	v40 =	vmul.f32 v27, v27  }
0x206: {  	s4 =	simm.s32 $0x0;
	s15 =	simm.s32 $0x4700;
	v34 =	vld [tilespmem:s14+$0x70];
	v38 =	vadd.f32 v26, v19;
	v26 =	vimm.f32 $0.0e+00;
	v27 =	vimm.f32 $0.0e+00  }
.LBB2_23:
0x207: {  	v42 =	vld [tilespmem:s15+$0x0];
	v31 =	vadd.f32 v41, v31;
	v26 =	vadd.f32 v40, v26;
	v33 =	vmul.f32 v33, v33  }
0x208: {  	v40 =	vld [tilespmem:s15+$0x10];
	v35 =	vmul.f32 v35, v35;
	v39 =	vadd.f32 v23, v39;
	v38 =	vadd.f32 v24, v38  }
0x209: {  	v41 =	vld [tilespmem:s15+$0x20];
	v23 =	vmul.f32 v36, v36;
	v31 =	vadd.f32 v30, v31;
	v26 =	vadd.f32 v21, v26  }
0x20a: {  	v24 =	vadd.f32 v37, v27;
	v29 =	vadd.f32 v33, v29;
	v21 =	vld [tilespmem:s15+$0x30];
	v30 =	vmul.f32 v32, v32  }
0x20b: {  	v28 =	vadd.f32 v35, v28;
	v32 =	vld [tilespmem:s15+$0x40];
	v23 =	vadd.f32 v23, v25;
	v25 =	vmul.f32 v34, v34  }
0x20c: {  	v27 =	vadd.f32 v22, v24;
	v29 =	vadd.f32 v20, v29;
	v34 =	vld [tilespmem:s15+$0x50]  }
0x20d: {  	v28 =	vadd.f32 v30, v28;
	v36 =	vld [tilespmem:s15+$0xFFFFFE00];
	v25 =	vadd.f32 v25, v23  }
0x20e: {  	v37 =	vld [tilespmem:s15+$0xFFFFFE10]  }
0x20f: {  	v43 =	vld [tilespmem:s15+$0xFFFFFE20]  }
0x210: {  	s4 =	sadd.s32 $0x10, s4;
	v44 =	vld [tilespmem:s15+$0xFFFFFE30]  }
0x211: {  	p0 =	slt.u32 s4, $0xF0;
	v23 =	vmul.f32 v42, v42;
	v24 =	vmul.f32 v40, v40;
	v45 =	vld [tilespmem:s15+$0xFFFFFE40]  }
.Ltmp10:
0x212: {  	v30 =	vmul.f32 v41, v41;
	v21 =	vmul.f32 v21, v21;
	v33 =	vld [tilespmem:s15+$0xFFFFFE50];
	(pc) =	sbr.rel @p0 .LBB2_23-.Ltmp10, $4  }
0x213: {  	v22 =	vmul.f32 v32, v32;
	v20 =	vmul.f32 v34, v34;
	v35 =	vld [tilespmem:s15+$0xFFFFFE60]  }
0x214: {  	v34 =	vmul.f32 v36, v36;
	v37 =	vmul.f32 v37, v37;
	v36 =	vld [tilespmem:s15+$0xFFFFFE70]  }
0x215: {  	v41 =	vmul.f32 v43, v43;
	v40 =	vmul.f32 v44, v44;
	v32 =	vld [tilespmem:s15+$0x60]  }
0x216: {  	v39 =	vadd.f32 v34, v39;
	v38 =	vadd.f32 v37, v38;
	v37 =	vmul.f32 v45, v45;
	v34 =	vld [tilespmem:s15+$0x70];
	s15 =	sadd.s32 $0x400, s15  }
0x217: {  	s14 =	simm.s32 $0x4380  }
0x218: {  	v42 =	vld [tilespmem:s14+$0x0]  }
0x219: {  	v43 =	vld [tilespmem:s14+$0x10]  }
0x21a: {  	v44 =	vld [tilespmem:s14+$0x20]  }
0x21b: {  	v45 =	vld [tilespmem:s14+$0x30]  }
0x21c: {  	v31 =	vadd.f32 v41, v31;
	v41 =	vld [tilespmem:s14+$0x40]  }
0x21d: {  	v40 =	vadd.f32 v40, v26;
	v33 =	vmul.f32 v33, v33;
	v23 =	vadd.f32 v23, v39;
	v46 =	vld [tilespmem:s14+$0x50]  }
0x21e: {  	v35 =	vmul.f32 v35, v35;
	v26 =	vadd.f32 v24, v38;
	v27 =	vadd.f32 v37, v27;
	v48 =	vld [tilespmem:s14+$0xFFFFFE30]  }
0x21f: {  	v49 =	vld [tilespmem:s14+$0xFFFFFE40];
	v24 =	vadd.f32 v30, v31;
	v31 =	vmul.f32 v36, v36;
	v21 =	vadd.f32 v21, v40  }
0x220: {  	v40 =	vld [tilespmem:s14+$0xFFFFFE10];
	v29 =	vadd.f32 v33, v29;
	v33 =	vimm.f32 $0.0e+00;
	v32 =	vmul.f32 v32, v32  }
0x221: {  	v30 =	vld [tilespmem:s14+$0xFFFFFE00];
	v52 =	vadd.f32 v35, v28;
	v27 =	vadd.f32 v22, v27;
	v47 =	vmul.f32 v34, v34  }
0x222: {  	v35 =	vld [tilespmem:s14+$0xFFFFFE20];
	v31 =	vadd.f32 v31, v25;
	v34 =	vmul.f32 v42, v42;
	v38 =	vmul.f32 v43, v43  }
0x223: {  	v25 =	vadd.f32 v20, v29;
	v36 =	vmul.f32 v44, v44;
	v37 =	vmul.f32 v45, v45  }
0x224: {  	v39 =	vld [tilespmem:s14+$0xFFFFFE50];
	v22 =	vadd.f32 v32, v52;
	v28 =	vmul.f32 v41, v41;
	v29 =	vmul.f32 v46, v46  }
0x225: {  	v32 =	vimm.f32 $0.0e+00;
	v48 =	vmul.f32 v48, v48;
	v52 =	vmul.f32 v40, v40;
	v40 =	vld [tilespmem:s14+$0xFFFFFE60]  }
0x226: {  	v20 =	vadd.f32 v47, v31;
	v42 =	vld [tilespmem:s14+$0xFFFFFE70];
	v44 =	vmul.f32 v49, v49;
	v30 =	vmul.f32 v30, v30  }
0x227: {  	v41 =	vld [tilespmem:s14+$0x60];
	v31 =	vimm.f32 $0.0e+00;
	v45 =	vmul.f32 v35, v35;
	v35 =	vimm.f32 $0.0e+00  }
0x228: {  	s6 =	smov.u32 s24;
	s4 =	simm.s32 $0x0;
	s15 =	simm.s32 $0x4780;
	v43 =	vld [tilespmem:s14+$0x70];
	v46 =	vadd.f32 v30, v19;
	v47 =	vadd.f32 v52, v19;
	v30 =	vimm.f32 $0.0e+00  }
.LBB2_25:
0x229: {  	v49 =	vld [tilespmem:s15+$0x0];
	v19 =	vadd.f32 v45, v19;
	v35 =	vadd.f32 v48, v35;
	v39 =	vmul.f32 v39, v39  }
0x22a: {  	v45 =	vld [tilespmem:s15+$0x10];
	v40 =	vmul.f32 v40, v40;
	v46 =	vadd.f32 v34, v46;
	v47 =	vadd.f32 v38, v47  }
0x22b: {  	v48 =	vld [tilespmem:s15+$0x20];
	v34 =	vmul.f32 v42, v42;
	v19 =	vadd.f32 v36, v19;
	v35 =	vadd.f32 v37, v35  }
0x22c: {  	v30 =	vadd.f32 v44, v30;
	v33 =	vadd.f32 v39, v33;
	v37 =	vld [tilespmem:s15+$0x30];
	v36 =	vmul.f32 v41, v41  }
0x22d: {  	v31 =	vadd.f32 v40, v31;
	v41 =	vld [tilespmem:s15+$0x40];
	v32 =	vadd.f32 v34, v32;
	v34 =	vmul.f32 v43, v43  }
0x22e: {  	v30 =	vadd.f32 v28, v30;
	v33 =	vadd.f32 v29, v33;
	v42 =	vld [tilespmem:s15+$0x50]  }
0x22f: {  	v31 =	vadd.f32 v36, v31;
	v43 =	vld [tilespmem:s15+$0xFFFFFE00];
	v32 =	vadd.f32 v34, v32  }
0x230: {  	v44 =	vld [tilespmem:s15+$0xFFFFFE10]  }
0x231: {  	v50 =	vld [tilespmem:s15+$0xFFFFFE20]  }
0x232: {  	s4 =	sadd.s32 $0x10, s4;
	v51 =	vld [tilespmem:s15+$0xFFFFFE30]  }
0x233: {  	p0 =	slt.u32 s4, $0xF0;
	v34 =	vmul.f32 v49, v49;
	v38 =	vmul.f32 v45, v45;
	v52 =	vld [tilespmem:s15+$0xFFFFFE40]  }
.Ltmp11:
0x234: {  	v36 =	vmul.f32 v48, v48;
	v37 =	vmul.f32 v37, v37;
	v39 =	vld [tilespmem:s15+$0xFFFFFE50];
	(pc) =	sbr.rel @p0 .LBB2_25-.Ltmp11, $4  }
0x235: {  	v28 =	vmul.f32 v41, v41;
	v29 =	vmul.f32 v42, v42;
	v40 =	vld [tilespmem:s15+$0xFFFFFE60]  }
0x236: {  	v43 =	vmul.f32 v43, v43;
	v44 =	vmul.f32 v44, v44;
	v42 =	vld [tilespmem:s15+$0xFFFFFE70]  }
0x237: {  	v45 =	vmul.f32 v50, v50;
	v48 =	vmul.f32 v51, v51;
	v41 =	vld [tilespmem:s15+$0x60]  }
0x238: {  	v46 =	vadd.f32 v43, v46;
	v47 =	vadd.f32 v44, v47;
	v44 =	vmul.f32 v52, v52;
	v43 =	vld [tilespmem:s15+$0x70];
	s15 =	sadd.s32 $0x400, s15  }
0x239: {  	v19 =	vadd.f32 v45, v19;
	v45 =	vld [tilespmem:$0x1FE60]  }
0x23a: {  	v49 =	vmul.f32 v40, v40;
	v40 =	vld [tilespmem:$0x1FF60]  }
0x23b: {  	v30 =	vadd.f32 v44, v30;
	v44 =	vld [tilespmem:$0x1FF80]  }
0x23c: {  	v34 =	vadd.f32 v34, v46;
	v46 =	vld [tilespmem:$0x1FE70]  }
0x23d: {  	v35 =	vadd.f32 v48, v35;
	v48 =	vmul.f32 v39, v39;
	v38 =	vadd.f32 v38, v47;
	v47 =	vld [tilespmem:$0x1FF00]  }
0x23e: {  	v50 =	vmul.f32 v42, v42;
	v42 =	vld [tilespmem:$0x1FEE0]  }
0x23f: {  	v33 =	vadd.f32 v48, v33;
	v48 =	vld [tilespmem:$0x1FDE0]  }
0x240: {  	v51 =	vmul.f32 v41, v41;
	v41 =	vld [tilespmem:$0x1FF70]  }
0x241: {  	v31 =	vadd.f32 v49, v31;
	v49 =	vld [tilespmem:$0x1FDF0]  }
0x242: {  	v52 =	vmul.f32 v43, v43;
	v43 =	vld [tilespmem:$0x1FEF0]  }
0x243: {  	v32 =	vadd.f32 v50, v32;
	v50 =	vld [tilespmem:$0x1FF90]  }
0x244: {  	v31 =	vadd.f32 v51, v31;
	v51 =	vld [tilespmem:$0x1FE80]  }
0x245: {  	v28 =	vadd.f32 v28, v30;
	v30 =	vadd.f32 v52, v32;
	v52 =	vld [tilespmem:$0x1FF10]  }
0x246: {  	v19 =	vadd.f32 v36, v19;
	v36 =	vadd.f32 v46, v45;
	v45 =	vld [tilespmem:$0x1FF20]  }
0x247: {  	v46 =	vld [tilespmem:$0x1FE10]  }
0x248: {  	v35 =	vadd.f32 v37, v35;
	v37 =	vadd.f32 v49, v48;
	v48 =	vld [tilespmem:$0x1FEA0]  }
0x249: {  	v29 =	vadd.f32 v29, v33;
	v49 =	vld [tilespmem:$0x1FF30]  }
0x24a: {  	v33 =	vadd.f32 v41, v40;
	v32 =	vadd.f32 v43, v42;
	v42 =	vld [tilespmem:$0x1FE00]  }
0x24b: {  	v43 =	vld [tilespmem:$0x1FFA0]  }
0x24c: {  	v33 =	vadd.f32 v44, v33;
	v44 =	vld [tilespmem:$0x1FE90]  }
0x24d: {  	v36 =	vadd.f32 v51, v36;
	v51 =	vld [tilespmem:$0x1FFC0]  }
0x24e: {  	v32 =	vadd.f32 v47, v32;
	v47 =	vld [tilespmem:$0x1FFB0]  }
0x24f: {  	v4 =	vadd.f32 v8, v4;
	v33 =	vadd.f32 v50, v33;
	v50 =	vld [tilespmem:$0x1FE20]  }
0x250: {  	v32 =	vadd.f32 v52, v32;
	v52 =	vld [tilespmem:$0x1FEB0]  }
0x251: {  	v4 =	vadd.f32 v6, v4;
	v37 =	vadd.f32 v42, v37;
	v42 =	vld [tilespmem:$0x1FF40]  }
0x252: {  	v6 =	vadd.f32 v26, v23;
	v33 =	vadd.f32 v43, v33;
	v43 =	vld [tilespmem:$0x1FE30]  }
0x253: {  	v8 =	vadd.f32 v38, v34;
	v36 =	vadd.f32 v44, v36;
	v44 =	vld [tilespmem:$0x1FFD0]  }
0x254: {  	v4 =	vadd.f32 v5, v4;
	v32 =	vadd.f32 v45, v32;
	v45 =	vld [tilespmem:$0x1FEC0]  }
0x255: {  	v5 =	vadd.f32 v24, v6;
	v37 =	vadd.f32 v46, v37;
	v46 =	vld [tilespmem:$0x1FF50]  }
0x256: {  	v33 =	vadd.f32 v47, v33;
	v47 =	vld [tilespmem:$0x1FE40];
	v36 =	vadd.f32 v48, v36  }
0x257: {  	v6 =	vadd.f32 v19, v8;
	v32 =	vadd.f32 v49, v32;
	v48 =	vld [tilespmem:$0x1FED0]  }
0x258: {  	v49 =	vld [tilespmem:$0x1FD60];
	v37 =	vadd.f32 v50, v37;
	v36 =	vadd.f32 v52, v36  }
0x259: {  	v33 =	vadd.f32 v51, v33;
	v50 =	vld [tilespmem:$0x1FD70];
	v32 =	vadd.f32 v42, v32  }
0x25a: {  	v4 =	vadd.f32 v10, v4;
	v52 =	vld [tilespmem:$0x1FCE0];
	v36 =	vadd.f32 v45, v36  }
0x25b: {  	v33 =	vadd.f32 v44, v33;
	v44 =	vld [tilespmem:$0x1FCF0];
	v32 =	vadd.f32 v46, v32  }
0x25c: {  	v46 =	vld [tilespmem:$0x1FCC0];
	v36 =	vadd.f32 v48, v36;
	v48 =	vadd.f32 v62, v60  }
0x25d: {  	v5 =	vadd.f32 v21, v5;
	v51 =	vld [tilespmem:$0x1FE50];
	v37 =	vadd.f32 v43, v37  }
0x25e: {  	v6 =	vadd.f32 v35, v6;
	v45 =	vld [tilespmem:$0x1FD80];
	v42 =	vadd.f32 v61, v48  }
0x25f: {  	v4 =	vadd.f32 v9, v4;
	v37 =	vadd.f32 v47, v37;
	v47 =	vld [tilespmem:$0x1FD00]  }
0x260: {  	v40 =	vadd.f32 v44, v52;
	v52 =	vld [tilespmem:$0x1FCD0];
	v42 =	vadd.f32 v59, v42  }
0x261: {  	v39 =	vadd.f32 v50, v49;
	v49 =	vld [tilespmem:$0x1FD90];
	v41 =	vadd.f32 v54, v46  }
0x262: {  	v5 =	vadd.f32 v27, v5;
	v50 =	vld [tilespmem:$0x1FD10];
	v1 =	vadd.f32 v1, v42  }
0x263: {  	v37 =	vadd.f32 v51, v37;
	v41 =	vadd.f32 v53, v41  }
0x264: {  	v51 =	vld [tilespmem:$0x1FDA0];
	v39 =	vadd.f32 v45, v39;
	v1 =	vadd.f32 v2, v1  }
0x265: {  	v40 =	vadd.f32 v47, v40;
	v53 =	vld [tilespmem:$0x1FD20];
	v41 =	vadd.f32 v52, v41  }
0x266: {  	v54 =	vld [tilespmem:$0x1FDB0];
	v39 =	vadd.f32 v49, v39;
	v1 =	vadd.f32 v63, v1  }
0x267: {  	v40 =	vadd.f32 v50, v40;
	v41 =	vadd.f32 v56, v41;
	v56 =	vld [tilespmem:$0x1FD30]  }
0x268: {  	v59 =	vld [tilespmem:$0x1FDC0];
	v0 =	vadd.f32 v0, v1;
	v1 =	vadd.f32 v16, v14  }
0x269: {  	v6 =	vadd.f32 v28, v6;
	v60 =	vld [tilespmem:$0x1FD40];
	v39 =	vadd.f32 v51, v39  }
0x26a: {  	v2 =	vld [tilespmem:$0x1FDD0];
	v40 =	vadd.f32 v53, v40;
	v1 =	vadd.f32 v17, v1  }
0x26b: {  	v62 =	vld [tilespmem:$0x1FD50];
	v39 =	vadd.f32 v54, v39;
	v41 =	vadd.f32 v57, v41  }
0x26c: {  	v40 =	vadd.f32 v56, v40;
	v1 =	vadd.f32 v13, v1  }
0x26d: {  	(xrf2) =	vadd.scan.msk.f32 $0xffff, v33;
	v39 =	vadd.f32 v59, v39;
	v61 =	vadd.f32 v55, v41  }
0x26e: {  	(xrf2) =	vadd.scan.msk.f32 $0xffff, v32;
	v40 =	vadd.f32 v60, v40;
	v1 =	vadd.f32 v18, v1  }
0x26f: {  	(xrf2) =	vadd.scan.msk.f32 $0xffff, v36;
	v2 =	vadd.f32 v2, v39;
	v39 =	vadd.f32 v58, v61  }
0x270: {  	(xrf2) =	vadd.scan.msk.f32 $0xffff, v37;
	v40 =	vadd.f32 v62, v40;
	v1 =	vadd.f32 v15, v1  }
0x271: {  	(xrf2) =	vadd.scan.msk.f32 $0xffff, v2;
	v2 =	vadd.f32 v7, v4;
	v4 =	vadd.f32 v25, v5  }
0x272: {  	v5 =	vadd.f32 v29, v6;
	(xrf2) =	vadd.scan.msk.f32 $0xffff, v40;
	v1 =	vadd.f32 v12, v1  }
0x273: {  	v2 =	vadd.f32 v3, v2;
	v3 =	vadd.f32 v22, v4;
	(xrf2) =	vadd.scan.msk.f32 $0xffff, v39  }
0x274: {  	(xrf2) =	vadd.scan.msk.f32 $0xffff, v0;
	v0 =	vadd.f32 v11, v1;
	v1 =	vadd.f32 v31, v5  }
0x275: {  	(xrf2) =	vadd.scan.msk.f32 $0xffff, v2  }
0x276: {  	v2 =	vadd.f32 v20, v3;
	(xrf2) =	vadd.scan.msk.f32 $0xffff, v0;
	v0 =	vadd.f32 v30, v1;
	_ =	sdelay $0x1  }
0x277: {  	v1, _, _ =	vpop (xrf2);
	(xrf2) =	vadd.scan.msk.f32 $0xffff, v2  }
0x278: {  	(v2sf) =	vpush v1, $0xF;
	v1, _, _ =	vpop (xrf2);
	(xrf2) =	vadd.scan.msk.f32 $0xffff, v0  }
0x279: {  	v0, _, _ =	vpop (xrf2);
	(v2sf) =	vpush v1, $0xF  }
0x27a: {  	v1, _, _ =	vpop (xrf2);
	(v2sf) =	vpush v0, $0xF  }
0x27b: {  	v0, _, _ =	vpop (xrf2);
	(v2sf) =	vpush v1, $0xF  }
0x27c: {  	v1, _, _ =	vpop (xrf2);
	(v2sf) =	vpush v0, $0xF  }
0x27d: {  	v0, _, _ =	vpop (xrf2);
	(v2sf) =	vpush v1, $0xF  }
0x27e: {  	v1, _, _ =	vpop (xrf2);
	(v2sf) =	vpush v0, $0xF  }
0x27f: {  	v0, _, _ =	vpop (xrf2);
	(v2sf) =	vpush v1, $0xF  }
0x280: {  	v1, _, _ =	vpop (xrf2);
	(v2sf) =	vpush v0, $0xF  }
0x281: {  	v0, _, _ =	vpop (xrf2);
	(v2sf) =	vpush v1, $0xF  }
0x282: {  	(v2sf) =	vpush v0, $0xF;
	v0, _, _ =	vpop (xrf2)  }
0x283: {  	(v2sf) =	vpush v0, $0xF;
	_ =	sdelay $0x3  }
0x284: {  	s1 =	spop (v2sf)  }
0x285: {  	s5 =	spop (v2sf)  }
0x286: {  	s16 =	spop (v2sf)  }
0x287: {  	s17 =	spop (v2sf)  }
0x288: {  	s18 =	spop (v2sf)  }
0x289: {  	s21 =	spop (v2sf)  }
0x28a: {  	s22 =	spop (v2sf)  }
0x28b: {  	s23 =	spop (v2sf)  }
0x28c: {  	s14 =	spop (v2sf)  }
0x28d: {  	s30 =	spop (v2sf)  }
0x28e: {  	s15 =	spop (v2sf)  }
0x28f: {  	s4 =	spop (v2sf)  }
0x290: {  	_ =	swait.ge [sflag:s25], $0x4000  }
0x291: {  	[sflag:s25] =	ssyncset.done $0x0  }
0x292: {  	p0 =	seq.s32 s28, $0x1F;
	s31 =	smov.u32 s19;
	[sflag:s25] =	ssyncadd.s32 $0xFFFFC000  }
0x293: {  	s29 =	sadd.s32 @!p0 $0x4, s29;
	s20 =	simm.s32 @!p0 $0x400;
	_ =	swait.ge [sflag:s26], $0x4000  }
0x294: {  	s2 =	simm.s32 @!p0 $0x4000;
	s24 =	sshll.u32 @!p0 s29, $0xB;
	[sflag:s26] =	ssyncset.done $0x0  }
0x295: {  	s24 =	sadd.s32 @!p0 s24, s19;
	s19 =	simm.s32 @!p0 $0x200;
	[sflag:s26] =	ssyncadd.s32 $0xFFFFC000  }
0x296: {  	[tilespmem:s2], [sflag:$0x1] =	stream.strided.gather @!p0 [hbm4b:s24+s19], $0x4000, s20, s19, $0x38;
	[tilespmem:$0x14200] =	vst v63  }
0x297: {  	s2 =	sshll.u32 @!p0 s29, $0x7  }
0x298: {  	s2 =	sand.u32 @!p0 $0x3FFFFF80, s2  }
0x299: {  	v0 =	vld.msk @!p0 [tilespmem:s2+$0x0], $0xf;
	_ =	sdelay $0x4  }
0x29a: {  	v1 =	vshll.u32 @!p0 v0, $0x5  }
0x29b: {  	v2 =	vlaneseq.u32 @!p0;
	v0 =	vand.u32 @!p0 $0x7, v0;
	v1 =	vand.u32 @!p0 $0xFFFFFF00, v1  }
0x29c: {  	v0 =	vor.u32 @!p0 v0, v1;
	v1 =	vand.u32 @!p0 $0x3, v2;
	v2 =	vshrl.u32 @!p0 v2, $0x2  }
0x29d: {  	v0 =	vperm.xlane @!p0 v0, v1;
	v1 =	vmul.u32 @!p0 $0x8, v2;
	_ =	sdelay $0x1  }
0x29e: {  	v0 =	vadd.s32 @!p0 v1, v0;
	_ =	sdelay $0x3  }
0x29f: {  	vm8 =	vmmov @!p0 $0xffff;
	s19 =	simm.s32 @!p0 $0xC000;
	s2 =	simm.s32 @!p0 $0x0  }
0x2a0: {  	[tilespmem:s19], [sflag:$0x3] =	stream.indirect_vreg.gather @!p0 [hbm4b:s6+s2], $0x80, v0, vm8, $0xb8;
	[tilespmem:$0x14200] =	vst v63  }
0x2a1: {  	s19 =	simm.s32 @!p0 $0xC800  }
0x2a2: {  	[tilespmem:s19], [sflag:$0x3] =	stream.indirect_vreg.gather @!p0 [hbm4b:s7+s2], $0x80, v0, vm8, $0xb8;
	[tilespmem:$0x14200] =	vst v63  }
0x2a3: {  	s19 =	simm.s32 @!p0 $0xD000  }
0x2a4: {  	[tilespmem:s19], [sflag:$0x3] =	stream.indirect_vreg.gather @!p0 [hbm4b:s8+s2], $0x80, v0, vm8, $0xb8;
	[tilespmem:$0x14200] =	vst v63  }
0x2a5: {  	s19 =	simm.s32 @!p0 $0xD800  }
0x2a6: {  	[tilespmem:s19], [sflag:$0x3] =	stream.indirect_vreg.gather @!p0 [hbm4b:s9+s2], $0x80, v0, vm8, $0xb8;
	[tilespmem:$0x14200] =	vst v63  }
0x2a7: {  	s19 =	simm.s32 @!p0 $0xE000  }
0x2a8: {  	[tilespmem:s19], [sflag:$0x3] =	stream.indirect_vreg.gather @!p0 [hbm4b:s10+s2], $0x80, v0, vm8, $0xb8;
	[tilespmem:$0x14200] =	vst v63  }
0x2a9: {  	s1 =	smul.f32 $2.441406250e-04, s1;
	s19 =	simm.s32 @!p0 $0xE800  }
0x2aa: {  	[tilespmem:s19], [sflag:$0x3] =	stream.indirect_vreg.gather @!p0 [hbm4b:s11+s2], $0x80, v0, vm8, $0xb8;
	[tilespmem:$0x14200] =	vst v63  }
0x2ab: {  	s5 =	smul.f32 $2.441406250e-04, s5;
	s19 =	simm.s32 @!p0 $0xF000  }
0x2ac: {  	[tilespmem:s19], [sflag:$0x3] =	stream.indirect_vreg.gather @!p0 [hbm4b:s12+s2], $0x80, v0, vm8, $0xb8;
	[tilespmem:$0x14200] =	vst v63  }
0x2ad: {  	s16 =	smul.f32 $2.441406250e-04, s16;
	s19 =	simm.s32 @!p0 $0xF800  }
0x2ae: {  	[tilespmem:s19], [sflag:$0x3] =	stream.indirect_vreg.gather @!p0 [hbm4b:s13+s2], $0x80, v0, vm8, $0xb8;
	[tilespmem:$0x14200] =	vst v63  }
0x2af: {  	s19 =	smul.f32 $2.441406250e-04, s18;
	s18 =	simm.s32 $0x8200  }
0x2b0: {  	s17 =	smul.f32 $2.441406250e-04, s17;
	v1 =	vld [tilespmem:s18+$0x0]  }
0x2b1: {  	s20 =	smul.f32 $2.441406250e-04, s21;
	v2 =	vld [tilespmem:s18+$0x10]  }
0x2b2: {  	s21 =	smul.f32 $2.441406250e-04, s23;
	v3 =	vld [tilespmem:s18+$0x20]  }
0x2b3: {  	s24 =	smov.u32 s6;
	s6 =	smul.f32 $2.441406250e-04, s22;
	v5 =	vld [tilespmem:s18+$0x30]  }
0x2b4: {  	s22 =	smul.f32 $2.441406250e-04, s14;
	v6 =	vld [tilespmem:s18+$0x40]  }
0x2b5: {  	s23 =	smul.f32 $2.441406250e-04, s30;
	v0 =	vmov s1;
	v8 =	vld [tilespmem:s18+$0xFFFFFE00]  }
0x2b6: {  	s29 =	smul.f32 $2.441406250e-04, s15;
	v4 =	vmov s22;
	v0 =	vsel vm1, s5, v0;
	v10 =	vld [tilespmem:s18+$0xFFFFFE20]  }
0x2b7: {  	s30 =	smul.f32 $2.441406250e-04, s4;
	v4 =	vsel vm1, s23, v4;
	v11 =	vld [tilespmem:s18+$0xFFFFFE30];
	v0 =	vsel vm2, s16, v0  }
0x2b8: {  	v4 =	vsel vm2, s29, v4;
	v12 =	vld [tilespmem:s18+$0xFFFFFE40];
	v0 =	vsel vm3, s17, v0  }
0x2b9: {  	v4 =	vsel vm3, s30, v4;
	v7 =	vld [tilespmem:s18+$0x50];
	v0 =	vsel vm4, s19, v0  }
0x2ba: {  	v9 =	vld [tilespmem:s18+$0xFFFFFE10];
	v0 =	vsel vm5, s20, v0;
	v13 =	vmul.f32 v1, v1;
	v3 =	vmul.f32 v3, v3  }
0x2bb: {  	v0 =	vsel vm6, s6, v0;
	v6 =	vmul.f32 v6, v6;
	v1 =	vmul.f32 v8, v8  }
0x2bc: {  	v23 =	vmul.f32 v10, v10;
	v22 =	vmul.f32 v11, v11;
	v0 =	vsel vm7, s21, v0  }
0x2bd: {  	v15 =	vld [tilespmem:s18+$0xFFFFFE50];
	v19 =	vmul.f32 v12, v12;
	v12 =	vimm.f32 $0.0e+00;
	v0 =	vcombine.low v0, v4  }
0x2be: {  	v17 =	vld [tilespmem:s18+$0xFFFFFE60];
	v8 =	vimm.f32 $0.0e+00;
	v4 =	vmul.f32 v2, v2;
	v2 =	vmul.f32 v5, v5  }
0x2bf: {  	v18 =	vld [tilespmem:s18+$0xFFFFFE70];
	v5 =	vmul.f32 v7, v7;
	v7 =	vmul.f32 v9, v9;
	v9 =	vimm.f32 $0.0e+00  }
0x2c0: {  	v14 =	vld [tilespmem:s18+$0x60];
	v11 =	vimm.f32 $0.0e+00;
	v10 =	vimm.f32 $0.0e+00;
	v21 =	vadd.f32 v1, v9  }
0x2c1: {  	s4 =	simm.s32 $0x0;
	s15 =	simm.s32 $0x8600;
	v16 =	vld [tilespmem:s18+$0x70];
	v1 =	vimm.f32 $0.0e+00;
	v20 =	vadd.f32 v7, v9;
	v7 =	vimm.f32 $0.0e+00  }
.LBB2_27:
0x2c2: {  	v24 =	vld [tilespmem:s15+$0x0];
	v12 =	vadd.f32 v23, v12;
	v1 =	vadd.f32 v22, v1;
	v15 =	vmul.f32 v15, v15  }
0x2c3: {  	v22 =	vld [tilespmem:s15+$0x10];
	v17 =	vmul.f32 v17, v17;
	v21 =	vadd.f32 v13, v21;
	v20 =	vadd.f32 v4, v20  }
0x2c4: {  	v23 =	vld [tilespmem:s15+$0x20];
	v4 =	vmul.f32 v18, v18;
	v12 =	vadd.f32 v3, v12;
	v1 =	vadd.f32 v2, v1  }
0x2c5: {  	v3 =	vadd.f32 v19, v8;
	v11 =	vadd.f32 v15, v11;
	v2 =	vld [tilespmem:s15+$0x30];
	v13 =	vmul.f32 v14, v14  }
0x2c6: {  	v10 =	vadd.f32 v17, v10;
	v14 =	vld [tilespmem:s15+$0x40];
	v4 =	vadd.f32 v4, v7;
	v7 =	vmul.f32 v16, v16  }
0x2c7: {  	v8 =	vadd.f32 v6, v3;
	v11 =	vadd.f32 v5, v11;
	v16 =	vld [tilespmem:s15+$0x50]  }
0x2c8: {  	v10 =	vadd.f32 v13, v10;
	v18 =	vld [tilespmem:s15+$0xFFFFFE00];
	v7 =	vadd.f32 v7, v4  }
0x2c9: {  	v19 =	vld [tilespmem:s15+$0xFFFFFE10]  }
0x2ca: {  	v25 =	vld [tilespmem:s15+$0xFFFFFE20]  }
0x2cb: {  	s4 =	sadd.s32 $0x10, s4;
	v26 =	vld [tilespmem:s15+$0xFFFFFE30]  }
0x2cc: {  	p0 =	slt.u32 s4, $0xF0;
	v13 =	vmul.f32 v24, v24;
	v4 =	vmul.f32 v22, v22;
	v27 =	vld [tilespmem:s15+$0xFFFFFE40]  }
.Ltmp12:
0x2cd: {  	v3 =	vmul.f32 v23, v23;
	v2 =	vmul.f32 v2, v2;
	v15 =	vld [tilespmem:s15+$0xFFFFFE50];
	(pc) =	sbr.rel @p0 .LBB2_27-.Ltmp12, $4  }
0x2ce: {  	v6 =	vmul.f32 v14, v14;
	v5 =	vmul.f32 v16, v16;
	v17 =	vld [tilespmem:s15+$0xFFFFFE60]  }
0x2cf: {  	v16 =	vmul.f32 v18, v18;
	v19 =	vmul.f32 v19, v19;
	v18 =	vld [tilespmem:s15+$0xFFFFFE70]  }
0x2d0: {  	v23 =	vmul.f32 v25, v25;
	v22 =	vmul.f32 v26, v26;
	v14 =	vld [tilespmem:s15+$0x60]  }
0x2d1: {  	v21 =	vadd.f32 v16, v21;
	v20 =	vadd.f32 v19, v20;
	v19 =	vmul.f32 v27, v27;
	v16 =	vld [tilespmem:s15+$0x70];
	s15 =	sadd.s32 $0x400, s15  }
0x2d2: {  	s1 =	simm.s32 $0x8280  }
0x2d3: {  	v24 =	vld [tilespmem:s1+$0x0]  }
0x2d4: {  	v25 =	vld [tilespmem:s1+$0x10]  }
0x2d5: {  	v26 =	vld [tilespmem:s1+$0x20]  }
0x2d6: {  	v27 =	vld [tilespmem:s1+$0x30]  }
0x2d7: {  	v12 =	vadd.f32 v23, v12;
	v23 =	vld [tilespmem:s1+$0x40]  }
0x2d8: {  	v22 =	vadd.f32 v22, v1;
	v1 =	vadd.f32 v13, v21;
	v21 =	vld [tilespmem:s1+$0x50]  }
0x2d9: {  	v13 =	vmul.f32 v17, v17;
	v17 =	vld [tilespmem:s1+$0xFFFFFE00]  }
0x2da: {  	v15 =	vmul.f32 v15, v15;
	v4 =	vadd.f32 v4, v20;
	v8 =	vadd.f32 v19, v8;
	v28 =	vld [tilespmem:s1+$0xFFFFFE20]  }
0x2db: {  	v30 =	vld [tilespmem:s1+$0xFFFFFE30];
	v3 =	vadd.f32 v3, v12;
	v12 =	vmul.f32 v18, v18;
	v2 =	vadd.f32 v2, v22  }
0x2dc: {  	v31 =	vld [tilespmem:s1+$0xFFFFFE40];
	v15 =	vadd.f32 v15, v11;
	v14 =	vmul.f32 v14, v14;
	v20 =	vadd.f32 v13, v10  }
0x2dd: {  	v18 =	vld [tilespmem:s1+$0xFFFFFE10];
	v29 =	vadd.f32 v12, v7;
	v16 =	vmul.f32 v16, v16;
	v10 =	vmul.f32 v24, v24  }
0x2de: {  	v7 =	vadd.f32 v6, v8;
	v11 =	vmul.f32 v25, v25;
	v12 =	vmul.f32 v26, v26  }
0x2df: {  	v8 =	vadd.f32 v5, v15;
	v19 =	vmul.f32 v27, v27;
	v13 =	vmul.f32 v23, v23  }
0x2e0: {  	v22 =	vld [tilespmem:s1+$0xFFFFFE50];
	v5 =	vadd.f32 v14, v20;
	v15 =	vmul.f32 v17, v17;
	v14 =	vmul.f32 v21, v21  }
0x2e1: {  	s4 =	simm.s32 $0x0;
	s15 =	simm.s32 $0x8680;
	v6 =	vadd.f32 v16, v29;
	v24 =	vld [tilespmem:s1+$0xFFFFFE60];
	v29 =	vmul.f32 v28, v28;
	v30 =	vmul.f32 v30, v30  }
0x2e2: {  	s5 =	simm.s32 $0x200;
	s6 =	simm.s32 $0x400;
	s16 =	simm.s32 $0x1;
	v20 =	vimm.f32 $0.0e+00;
	v25 =	vld [tilespmem:s1+$0xFFFFFE70];
	v26 =	vmul.f32 v31, v31;
	v17 =	vmul.f32 v18, v18  }
0x2e3: {  	s17 =	simm.s32 $0x8000;
	s18 =	simm.s32 $0x10000;
	s20 =	simm.s32 $0x10800;
	v21 =	vld [tilespmem:s1+$0x60];
	v16 =	vimm.f32 $0.0e+00;
	v18 =	vimm.f32 $0.0e+00;
	v27 =	vadd.f32 v15, v9  }
0x2e4: {  	s21 =	simm.s32 $0x11000;
	s22 =	simm.s32 $0x11800;
	s23 =	simm.s32 $0x12000;
	v23 =	vld [tilespmem:s1+$0x70];
	v15 =	vimm.f32 $0.0e+00;
	v28 =	vadd.f32 v17, v9;
	v17 =	vimm.f32 $0.0e+00  }
.LBB2_29:
0x2e5: {  	v31 =	vld [tilespmem:s15+$0x0];
	v9 =	vadd.f32 v29, v9;
	v20 =	vadd.f32 v30, v20;
	v22 =	vmul.f32 v22, v22  }
0x2e6: {  	v29 =	vld [tilespmem:s15+$0x10];
	v24 =	vmul.f32 v24, v24;
	v27 =	vadd.f32 v10, v27;
	v28 =	vadd.f32 v11, v28  }
0x2e7: {  	v30 =	vld [tilespmem:s15+$0x20];
	v10 =	vmul.f32 v25, v25;
	v9 =	vadd.f32 v12, v9;
	v20 =	vadd.f32 v19, v20  }
0x2e8: {  	v11 =	vadd.f32 v26, v15;
	v12 =	vadd.f32 v22, v18;
	v19 =	vld [tilespmem:s15+$0x30];
	v21 =	vmul.f32 v21, v21  }
0x2e9: {  	v16 =	vadd.f32 v24, v16;
	v25 =	vld [tilespmem:s15+$0x40];
	v10 =	vadd.f32 v10, v17;
	v17 =	vmul.f32 v23, v23  }
0x2ea: {  	v15 =	vadd.f32 v13, v11;
	v18 =	vadd.f32 v14, v12;
	v23 =	vld [tilespmem:s15+$0x50]  }
0x2eb: {  	v16 =	vadd.f32 v21, v16;
	v26 =	vld [tilespmem:s15+$0xFFFFFE00];
	v17 =	vadd.f32 v17, v10  }
0x2ec: {  	v21 =	vld [tilespmem:s15+$0xFFFFFE10]  }
0x2ed: {  	v32 =	vld [tilespmem:s15+$0xFFFFFE20]  }
0x2ee: {  	s4 =	sadd.s32 $0x10, s4;
	v33 =	vld [tilespmem:s15+$0xFFFFFE30]  }
0x2ef: {  	p0 =	slt.u32 s4, $0xF0;
	v10 =	vmul.f32 v31, v31;
	v11 =	vmul.f32 v29, v29;
	v34 =	vld [tilespmem:s15+$0xFFFFFE40]  }
.Ltmp13:
0x2f0: {  	v12 =	vmul.f32 v30, v30;
	v19 =	vmul.f32 v19, v19;
	v22 =	vld [tilespmem:s15+$0xFFFFFE50];
	(pc) =	sbr.rel @p0 .LBB2_29-.Ltmp13, $4  }
0x2f1: {  	v13 =	vmul.f32 v25, v25;
	v14 =	vmul.f32 v23, v23;
	v24 =	vld [tilespmem:s15+$0xFFFFFE60]  }
0x2f2: {  	v23 =	vmul.f32 v26, v26;
	v26 =	vmul.f32 v21, v21;
	v25 =	vld [tilespmem:s15+$0xFFFFFE70]  }
0x2f3: {  	v29 =	vmul.f32 v32, v32;
	v30 =	vmul.f32 v33, v33;
	v21 =	vld [tilespmem:s15+$0x60]  }
0x2f4: {  	v27 =	vadd.f32 v23, v27;
	v28 =	vadd.f32 v26, v28;
	v26 =	vmul.f32 v34, v34;
	v23 =	vld [tilespmem:s15+$0x70];
	s15 =	sadd.s32 $0x400, s15  }
0x2f5: {  	s1 =	simm.s32 $0x8300  }
0x2f6: {  	v31 =	vld [tilespmem:s1+$0x0]  }
0x2f7: {  	v32 =	vld [tilespmem:s1+$0x10]  }
0x2f8: {  	v33 =	vld [tilespmem:s1+$0x20]  }
0x2f9: {  	v34 =	vld [tilespmem:s1+$0x30]  }
0x2fa: {  	v35 =	vld [tilespmem:s1+$0x40]  }
0x2fb: {  	v9 =	vadd.f32 v29, v9;
	v20 =	vadd.f32 v30, v20;
	v22 =	vmul.f32 v22, v22;
	v29 =	vld [tilespmem:s1+$0x50]  }
0x2fc: {  	v24 =	vmul.f32 v24, v24;
	v10 =	vadd.f32 v10, v27;
	v11 =	vadd.f32 v11, v28;
	v27 =	vld [tilespmem:s1+$0xFFFFFE00]  }
0x2fd: {  	v30 =	vld [tilespmem:s1+$0xFFFFFE10];
	v15 =	vadd.f32 v26, v15;
	v25 =	vmul.f32 v25, v25;
	v12 =	vadd.f32 v12, v9  }
0x2fe: {  	v26 =	vld [tilespmem:s1+$0xFFFFFE20];
	v9 =	vadd.f32 v19, v20;
	v18 =	vadd.f32 v22, v18;
	v21 =	vmul.f32 v21, v21  }
0x2ff: {  	v40 =	vld [tilespmem:s1+$0xFFFFFE40];
	v22 =	vadd.f32 v24, v16;
	v15 =	vadd.f32 v13, v15;
	v24 =	vmul.f32 v23, v23  }
0x300: {  	v17 =	vadd.f32 v25, v17;
	v19 =	vmul.f32 v31, v31;
	v20 =	vmul.f32 v32, v32  }
0x301: {  	v25 =	vld [tilespmem:s1+$0xFFFFFE30];
	v16 =	vadd.f32 v14, v18;
	v28 =	vmul.f32 v33, v33;
	v18 =	vmul.f32 v34, v34  }
0x302: {  	v14 =	vadd.f32 v21, v22;
	v23 =	vmul.f32 v35, v35;
	v22 =	vmul.f32 v29, v29  }
0x303: {  	v13 =	vadd.f32 v24, v17;
	v31 =	vld [tilespmem:s1+$0xFFFFFE50];
	v21 =	vmul.f32 v27, v27;
	v24 =	vmul.f32 v30, v30  }
0x304: {  	v17 =	vimm.f32 $0.0e+00;
	v33 =	vld [tilespmem:s1+$0xFFFFFE60];
	v39 =	vmul.f32 v26, v26;
	v35 =	vmul.f32 v40, v40  }
0x305: {  	v34 =	vld [tilespmem:s1+$0xFFFFFE70];
	v29 =	vimm.f32 $0.0e+00;
	v27 =	vimm.f32 $0.0e+00;
	v26 =	vimm.f32 $0.0e+00  }
0x306: {  	v30 =	vld [tilespmem:s1+$0x60];
	v37 =	vadd.f32 v21, v17;
	v36 =	vadd.f32 v24, v17;
	v38 =	vmul.f32 v25, v25  }
0x307: {  	s4 =	simm.s32 $0x0;
	s15 =	simm.s32 $0x8700;
	s19 =	smov.u32 s31;
	v32 =	vld [tilespmem:s1+$0x70];
	v21 =	vimm.f32 $0.0e+00;
	v24 =	vimm.f32 $0.0e+00;
	v25 =	vimm.f32 $0.0e+00  }
.LBB2_31:
0x308: {  	v40 =	vld [tilespmem:s15+$0x0];
	v29 =	vadd.f32 v39, v29;
	v21 =	vadd.f32 v38, v21;
	v31 =	vmul.f32 v31, v31  }
0x309: {  	v38 =	vld [tilespmem:s15+$0x10];
	v33 =	vmul.f32 v33, v33;
	v37 =	vadd.f32 v19, v37;
	v36 =	vadd.f32 v20, v36  }
0x30a: {  	v39 =	vld [tilespmem:s15+$0x20];
	v19 =	vmul.f32 v34, v34;
	v29 =	vadd.f32 v28, v29;
	v21 =	vadd.f32 v18, v21  }
0x30b: {  	v20 =	vadd.f32 v35, v25;
	v27 =	vadd.f32 v31, v27;
	v18 =	vld [tilespmem:s15+$0x30];
	v28 =	vmul.f32 v30, v30  }
0x30c: {  	v26 =	vadd.f32 v33, v26;
	v30 =	vld [tilespmem:s15+$0x40];
	v19 =	vadd.f32 v19, v24;
	v24 =	vmul.f32 v32, v32  }
0x30d: {  	v25 =	vadd.f32 v23, v20;
	v27 =	vadd.f32 v22, v27;
	v32 =	vld [tilespmem:s15+$0x50]  }
0x30e: {  	v26 =	vadd.f32 v28, v26;
	v34 =	vld [tilespmem:s15+$0xFFFFFE00];
	v24 =	vadd.f32 v24, v19  }
0x30f: {  	v35 =	vld [tilespmem:s15+$0xFFFFFE10]  }
0x310: {  	v41 =	vld [tilespmem:s15+$0xFFFFFE20]  }
0x311: {  	s4 =	sadd.s32 $0x10, s4;
	v42 =	vld [tilespmem:s15+$0xFFFFFE30]  }
0x312: {  	p0 =	slt.u32 s4, $0xF0;
	v19 =	vmul.f32 v40, v40;
	v20 =	vmul.f32 v38, v38;
	v43 =	vld [tilespmem:s15+$0xFFFFFE40]  }
.Ltmp14:
0x313: {  	v28 =	vmul.f32 v39, v39;
	v18 =	vmul.f32 v18, v18;
	v31 =	vld [tilespmem:s15+$0xFFFFFE50];
	(pc) =	sbr.rel @p0 .LBB2_31-.Ltmp14, $4  }
0x314: {  	v23 =	vmul.f32 v30, v30;
	v22 =	vmul.f32 v32, v32;
	v33 =	vld [tilespmem:s15+$0xFFFFFE60]  }
0x315: {  	v32 =	vmul.f32 v34, v34;
	v35 =	vmul.f32 v35, v35;
	v34 =	vld [tilespmem:s15+$0xFFFFFE70]  }
0x316: {  	v39 =	vmul.f32 v41, v41;
	v38 =	vmul.f32 v42, v42;
	v30 =	vld [tilespmem:s15+$0x60]  }
0x317: {  	v37 =	vadd.f32 v32, v37;
	v36 =	vadd.f32 v35, v36;
	v35 =	vmul.f32 v43, v43;
	v32 =	vld [tilespmem:s15+$0x70];
	s15 =	sadd.s32 $0x400, s15  }
0x318: {  	s1 =	simm.s32 $0x8380  }
0x319: {  	v40 =	vld [tilespmem:s1+$0x0]  }
0x31a: {  	v41 =	vld [tilespmem:s1+$0x10]  }
0x31b: {  	v42 =	vld [tilespmem:s1+$0x20]  }
0x31c: {  	v43 =	vld [tilespmem:s1+$0x30]  }
0x31d: {  	v29 =	vadd.f32 v39, v29;
	v61 =	vld [tilespmem:s1+$0x40]  }
0x31e: {  	v38 =	vadd.f32 v38, v21;
	v31 =	vmul.f32 v31, v31;
	v19 =	vadd.f32 v19, v37;
	v44 =	vld [tilespmem:s1+$0x50]  }
0x31f: {  	v33 =	vmul.f32 v33, v33;
	v21 =	vadd.f32 v20, v36;
	v25 =	vadd.f32 v35, v25;
	v62 =	vld [tilespmem:s1+$0xFFFFFE10]  }
0x320: {  	v63 =	vld [tilespmem:s1+$0xFFFFFE20];
	v36 =	vimm.f32 $0.0e+00;
	v20 =	vadd.f32 v28, v29;
	v29 =	vmul.f32 v34, v34  }
0x321: {  	v46 =	vld [tilespmem:s1+$0xFFFFFE30];
	v18 =	vadd.f32 v18, v38;
	v27 =	vadd.f32 v31, v27;
	v30 =	vmul.f32 v30, v30  }
0x322: {  	v28 =	vld [tilespmem:s1+$0xFFFFFE00];
	v31 =	vadd.f32 v33, v26;
	v29 =	vadd.f32 v29, v24;
	v45 =	vmul.f32 v32, v32  }
0x323: {  	v47 =	vld [tilespmem:s1+$0xFFFFFE40];
	v24 =	vadd.f32 v23, v25;
	v32 =	vmul.f32 v40, v40;
	v35 =	vmul.f32 v41, v41  }
0x324: {  	v25 =	vadd.f32 v22, v27;
	v33 =	vmul.f32 v42, v42;
	v34 =	vmul.f32 v43, v43  }
0x325: {  	v37 =	vld [tilespmem:s1+$0xFFFFFE50];
	v22 =	vadd.f32 v30, v31;
	v26 =	vmul.f32 v61, v61;
	v30 =	vmul.f32 v62, v62  }
0x326: {  	v39 =	vld [tilespmem:s1+$0xFFFFFE60];
	v23 =	vadd.f32 v45, v29;
	v27 =	vmul.f32 v44, v44;
	v45 =	vmul.f32 v63, v63  }
0x327: {  	v31 =	vimm.f32 $0.0e+00;
	v40 =	vld [tilespmem:s1+$0xFFFFFE70];
	v46 =	vmul.f32 v46, v46;
	v28 =	vmul.f32 v28, v28  }
0x328: {  	v38 =	vld [tilespmem:s1+$0x60];
	v42 =	vmul.f32 v47, v47;
	v29 =	vimm.f32 $0.0e+00;
	v44 =	vadd.f32 v30, v17  }
0x329: {  	s4 =	simm.s32 $0x0;
	s15 =	simm.s32 $0x8780;
	s31 =	simm.s32 $0x12800;
	v41 =	vld [tilespmem:s1+$0x70];
	v30 =	vimm.f32 $0.0e+00;
	v43 =	vadd.f32 v28, v17;
	v28 =	vimm.f32 $0.0e+00  }
.LBB2_33:
0x32a: {  	v47 =	vld [tilespmem:s15+$0x0];
	v17 =	vadd.f32 v45, v17;
	v36 =	vadd.f32 v46, v36;
	v37 =	vmul.f32 v37, v37  }
0x32b: {  	v45 =	vld [tilespmem:s15+$0x10];
	v39 =	vmul.f32 v39, v39;
	v43 =	vadd.f32 v32, v43;
	v44 =	vadd.f32 v35, v44  }
0x32c: {  	v46 =	vld [tilespmem:s15+$0x20];
	v32 =	vmul.f32 v40, v40;
	v17 =	vadd.f32 v33, v17;
	v36 =	vadd.f32 v34, v36  }
0x32d: {  	v28 =	vadd.f32 v42, v28;
	v31 =	vadd.f32 v37, v31;
	v34 =	vld [tilespmem:s15+$0x30];
	v33 =	vmul.f32 v38, v38  }
0x32e: {  	v29 =	vadd.f32 v39, v29;
	v38 =	vld [tilespmem:s15+$0x40];
	v30 =	vadd.f32 v32, v30;
	v32 =	vmul.f32 v41, v41  }
0x32f: {  	v28 =	vadd.f32 v26, v28;
	v31 =	vadd.f32 v27, v31;
	v40 =	vld [tilespmem:s15+$0x50]  }
0x330: {  	v29 =	vadd.f32 v33, v29;
	v41 =	vld [tilespmem:s15+$0xFFFFFE00];
	v30 =	vadd.f32 v32, v30  }
0x331: {  	v42 =	vld [tilespmem:s15+$0xFFFFFE10]  }
0x332: {  	v48 =	vld [tilespmem:s15+$0xFFFFFE20]  }
0x333: {  	s4 =	sadd.s32 $0x10, s4;
	v49 =	vld [tilespmem:s15+$0xFFFFFE30]  }
0x334: {  	p0 =	slt.u32 s4, $0xF0;
	v32 =	vmul.f32 v47, v47;
	v35 =	vmul.f32 v45, v45;
	v50 =	vld [tilespmem:s15+$0xFFFFFE40]  }
.Ltmp15:
0x335: {  	v33 =	vmul.f32 v46, v46;
	v34 =	vmul.f32 v34, v34;
	v37 =	vld [tilespmem:s15+$0xFFFFFE50];
	(pc) =	sbr.rel @p0 .LBB2_33-.Ltmp15, $4  }
0x336: {  	v26 =	vmul.f32 v38, v38;
	v27 =	vmul.f32 v40, v40;
	v39 =	vld [tilespmem:s15+$0xFFFFFE60]  }
0x337: {  	v41 =	vmul.f32 v41, v41;
	v42 =	vmul.f32 v42, v42;
	v40 =	vld [tilespmem:s15+$0xFFFFFE70]  }
0x338: {  	v45 =	vmul.f32 v48, v48;
	v46 =	vmul.f32 v49, v49;
	v38 =	vld [tilespmem:s15+$0x60]  }
0x339: {  	v43 =	vadd.f32 v41, v43;
	v44 =	vadd.f32 v42, v44;
	v42 =	vmul.f32 v50, v50;
	v41 =	vld [tilespmem:s15+$0x70];
	s15 =	sadd.s32 $0x400, s15  }
0x33a: {  	v17 =	vadd.f32 v45, v17  }
0x33b: {  	v36 =	vadd.f32 v46, v36;
	v1 =	vadd.f32 v4, v1  }
0x33c: {  	v10 =	vadd.f32 v11, v10;
	v50 =	vadd.f32 v21, v19  }
0x33d: {  	v37 =	vmul.f32 v37, v37;
	v32 =	vadd.f32 v32, v43;
	v35 =	vadd.f32 v35, v44  }
0x33e: {  	v28 =	vadd.f32 v42, v28;
	v17 =	vadd.f32 v33, v17  }
0x33f: {  	v39 =	vmul.f32 v39, v39;
	v46 =	vadd.f32 v34, v36;
	v31 =	vadd.f32 v37, v31  }
0x340: {  	v1 =	vadd.f32 v3, v1;
	v10 =	vadd.f32 v12, v10  }
0x341: {  	v40 =	vmul.f32 v40, v40;
	v52 =	vadd.f32 v20, v50;
	v29 =	vadd.f32 v39, v29  }
0x342: {  	v26 =	vadd.f32 v26, v28;
	v51 =	vadd.f32 v35, v32  }
0x343: {  	v47 =	vmul.f32 v38, v38;
	v30 =	vadd.f32 v40, v30;
	v27 =	vadd.f32 v27, v31  }
0x344: {  	v1 =	vadd.f32 v2, v1;
	v53 =	vadd.f32 v9, v10  }
0x345: {  	v2 =	vadd.f32 v18, v52;
	v28 =	vadd.f32 v47, v29  }
0x346: {  	v54 =	vadd.f32 v17, v51;
	v1 =	vadd.f32 v7, v1  }
0x347: {  	v3 =	vadd.f32 v15, v53;
	v2 =	vadd.f32 v24, v2  }
0x348: {  	v55 =	vadd.f32 v46, v54;
	v1 =	vadd.f32 v8, v1  }
0x349: {  	v3 =	vadd.f32 v16, v3;
	v2 =	vadd.f32 v25, v2  }
0x34a: {  	v7 =	vadd.f32 v26, v55;
	v1 =	vadd.f32 v5, v1  }
0x34b: {  	v48 =	vmul.f32 v41, v41;
	v3 =	vadd.f32 v14, v3;
	v2 =	vadd.f32 v22, v2  }
0x34c: {  	v56 =	vadd.f32 v27, v7;
	v1 =	vadd.f32 v6, v1  }
0x34d: {  	v49 =	vadd.f32 v48, v30;
	v3 =	vadd.f32 v13, v3  }
0x34e: {  	v57 =	vadd.f32 v23, v2;
	v5 =	vadd.f32 v28, v56;
	(xrf2) =	vadd.scan.msk.f32 $0xffff, v1  }
0x34f: {  	(xrf2) =	vadd.scan.msk.f32 $0xffff, v3  }
0x350: {  	v58 =	vadd.f32 v49, v5;
	(xrf2) =	vadd.scan.msk.f32 $0xffff, v57;
	_ =	sdelay $0x1  }
0x351: {  	(xrf2) =	vadd.scan.msk.f32 $0xffff, v58;
	_ =	sdelay $0x5  }
0x352: {  	v59, _, _ =	vpop (xrf2)  }
0x353: {  	v60, _, _ =	vpop (xrf2);
	(v2sf) =	vpush v59, $0xF  }
0x354: {  	v61, _, _ =	vpop (xrf2);
	(v2sf) =	vpush v60, $0xF  }
0x355: {  	(v2sf) =	vpush v61, $0xF  }
0x356: {  	v62, _, _ =	vpop (xrf2)  }
0x357: {  	(v2sf) =	vpush v62, $0xF;
	_ =	sdelay $0xa  }
0x358: {  	s1 =	spop (v2sf)  }
0x359: {  	s29 =	sshll.u32 s28, $0x4;
	s2 =	spop (v2sf);
	s1 =	smul.f32 $2.441406250e-04, s1  }
0x35a: {  	v63 =	vlaneseq.u32;
	s28 =	sadd.s32 $0x1, s28;
	s4 =	spop (v2sf);
	s2 =	smul.f32 $2.441406250e-04, s2  }
0x35b: {  	vm8 =	veq.s32 v63, $0xC;
	p0 =	sne.s32 s28, $0x20;
	s30 =	smul.f32 $2.441406250e-04, s4  }
.Ltmp16:
0x35c: {  	v0 =	vsel vm8, s1, v0;
	vm8 =	veq.s32 v63, $0xD;
	s14 =	spop (v2sf);
	(pc) =	sbr.rel @p0 .LBB2_2-.Ltmp16, $4  }
0x35d: {  	v0 =	vsel vm8, s2, v0;
	vm8 =	veq.s32 v63, $0xE;
	s15 =	smul.f32 $2.441406250e-04, s14  }
0x35e: {  	v0 =	vsel vm8, s30, v0;
	vm8 =	veq.s32 v63, $0xF  }
0x35f: {  	v27 =	vld [tilespmem:$0x1FFE0];
	s30 =	sand.u32 $0x3FFFFFF0, s29;
	v0 =	vsel vm8, s15, v0  }
0x360: {  	v28 =	vld [tilespmem:$0x1FFF0];
	[tilespmem:s30+$0x14000] =	vst v0  }
0x361: {  	s1 =	rddreg [dreg:$0x9];
	s2 =	simm.s32 $0x14000  }
0x362: {  	[hbm4b:s1+s3] =	stream.linear.scatter [tilespmem:s2], [sflag:$0x5], $0x200, $0x38;
	[tilespmem:$0x14200] =	vst v63  }
0x363: {  	s2 =	simm.s32 $0x5  }
0x364: {  	_ =	swait.ge [sflag:s2], $0x200  }
0x365: {  	s4 =	rddreg [dreg:$0xb]  }
0x366: {  	s30 =	rddreg [dreg:$0xa];
	s4 =	sadd.s32 $0x1, s4  }
0x367: {  	p0 =	sne.s32 s4, s30  }
.Ltmp17:
0x368: {  	_ = 	snop;
	(pc) =	sbr.rel @p0 .LBB2_1-.Ltmp17, $3  }
0x369: {  	_ =	sdelay $0x1  }
0x36a: {  	[sflag:s2] =	ssyncset.done $0x0  }
0x36b: {  	[sflag:s2] =	ssyncadd.s32 $0xFFFFFE00  }
0x36c: {  	_ =	sfence.sel $0x180000  }
0x36d: {  	[bflag:$0x0] =	sbarrier.arrive $0xFFFF  }
0x36e: {  	_ =	strace $0x90000047  }
0x36f: {  	s0 =	stileid.u32;
	[bflag:$0x2] =	sbarrier.arrive $0xFFFF  }
0x370: {  	p0 =	sne.s32 s0, $0x0;
	s0 =	rddreg [dreg:$0x4]  }
0x371: {  	s0 =	sadd.s32 @!p0 $0x100000, s0  }
0x372: {  	[sflag:s0] =	ssyncadd.tile.s32 @!p0 $0x1;
	_ =	shalt  }
.Lfunc_end2:
_tile_overlayer_lowered:
.L_overlay_start_2:
0x373: {  	(tag) =	ssettag $0x2  }
0x374: {  	s0 =	rddreg [dreg:$0x0];
	s2 =	stileid.u32  }
0x375: {  	s1 =	rddreg [dreg:$0x1];
	p0 =	sne.s32 s2, $0x0  }
0x376: {  	s3 =	rddreg [dreg:$0x2];
	[bflag:$0x3] =	sbarrier.arrive $0xFFFF;
	s2 =	simm.s32 @!p0 $0x1C05  }
0x377: {  	[timem:s3], [sflag:s2] =	dma.local @!p0 [hbm:s0], s1  }
0x378: {  	s0 =	simm.s32 @!p0 $0x5  }
0x379: {  	_ =	swait.ge @!p0 [sflag:s0], s1  }
0x37a: {  	s1 =	ssub.s32 @!p0 $0x0, s1;
	[sflag:s0] =	ssyncset.done @!p0 $0x0  }
0x37b: {  	[sflag:s0] =	ssyncadd.s32 @!p0 s1  }
0x37c: {  	[bflag:$0x3] =	sbarrier.arrive $0xFFFF  }
0x37d: {  	_ =	shalt  }

</sc_bundles>
